<compile_context>
chip_gen: v7x
topology: tpu7x:2x2x1
jax: 0.10.2.dev20260603
libtpu: 0.0.44.dev20260713+nightly
codegen_flags: <defaults>
</compile_context>

<pallas_src>
import jax
import jax.numpy as jnp
from jax import lax
from jax.experimental import pallas as pl
from jax.experimental.pallas import tpu as pltpu
from jax.experimental.pallas import tpu_sc as plsc

VOC = 100000
D = 128
T = 100
B = 16384
NC = 2
NS = 16
NW = NC * NS
SEQ_PER_W = B // NW
S_CH = 2
N_CH = SEQ_PER_W // S_CH
NSLOT = 4


def _body(tok_hbm, pos_hbm, idx_hbm, out_hbm, idx_v, rows_v, pos_v, *sems):
    sem_ab = sems[0:NSLOT]
    sem_c = sems[NSLOT:2 * NSLOT]
    sem_d = sems[2 * NSLOT:3 * NSLOT]
    wid = lax.axis_index("s") * NC + lax.axis_index("c")
    wbase = wid * SEQ_PER_W

    pltpu.sync_copy(pos_hbm.at[wid], pos_v)

    def ab_copies(c, s):
        seq0 = wbase + c * S_CH
        ops = [pltpu.make_async_copy(
            idx_hbm.at[pl.ds(seq0, S_CH)], idx_v.at[s], sem_ab[s])]
        if s % 2 == 0:
            ops.append(pltpu.make_async_copy(
                pos_hbm.at[wid], rows_v.at[s].at[0], sem_ab[s]))
        return ops

    def add_pos(s, seqs):
        def row(r, carry):
            for j in seqs:
                for v in range(8):
                    sl = pl.ds(v * 16, 16)
                    rows_v[s, j, r, sl] = rows_v[s, j, r, sl] + pos_v[r, sl]
            return carry
        lax.fori_loop(0, T, row, 0)

    def c_copies(s):
        return [pltpu.make_async_copy(
            tok_hbm.at[idx_v.at[s].at[j]], rows_v.at[s].at[j], sem_c[s])
            for j in range(S_CH)]

    def d_copy(c, s):
        seq0 = wbase + c * S_CH
        return pltpu.make_async_copy(
            rows_v.at[s], out_hbm.at[pl.ds(seq0, S_CH)], sem_d[s])

    def group(g, carry):
        for k in range(NSLOT):
            c = g * NSLOT + k

            @pl.when(jnp.logical_and(c >= NSLOT, c < N_CH + NSLOT))
            def _():
                d_copy(c - NSLOT, k).wait()

            @pl.when(c < N_CH)
            def _():
                for op in ab_copies(c, k):
                    op.start()

            @pl.when(jnp.logical_and(c >= 1, c < N_CH + 1))
            def _():
                kk = (k - 1) % NSLOT
                for op in ab_copies(c - 1, kk):
                    op.wait()
                ops = c_copies(kk)
                if kk % 2 == 0:
                    ops[0].start(add=True)
                else:
                    ops[0].start()
                ops[1].start()

            @pl.when(jnp.logical_and(c >= 2, c < N_CH + 2))
            def _():
                kk = (k - 2) % NSLOT
                for op in c_copies(kk):
                    op.wait()
                add_pos(kk, (1,) if kk % 2 == 0 else (0, 1))
                d_copy(c - 2, kk).start()
        return carry

    lax.fori_loop(0, (N_CH + NSLOT) // NSLOT, group, 0)


@jax.jit
def _emb(tok_table, pos_table, idx):
    grid_kernel = pl.kernel(
        _body,
        out_type=jax.ShapeDtypeStruct((B, T, D), jnp.float32),
        mesh=plsc.VectorSubcoreMesh(
            core_axis_name="c", subcore_axis_name="s",
            num_cores=NC, num_subcores=NS),
        scratch_types=[
            pltpu.VMEM((NSLOT, S_CH, T), jnp.int32),
            pltpu.VMEM((NSLOT, S_CH, T, D), jnp.float32),
            pltpu.VMEM((T, D), jnp.float32),
        ] + [pltpu.SemaphoreType.DMA] * (3 * NSLOT),
    )
    return grid_kernel(tok_table, pos_table, idx)


def kernel(inpTok, tok_table, pos_table):
    pos_rep = jnp.broadcast_to(pos_table, (NW, T, D))
    return _emb(tok_table, pos_rep, inpTok.astype(jnp.int32))

# --- scband reference (transcript-rebuilt; emitter-appended) ---
"""Pipeline reference for scband-embedding-39359080300567 (READ-ONLY COPY).

The authoritative reference and input builder live on the scoring server;
editing this copy changes nothing except your own understanding.
"""

import jax, jax.numpy as jnp
import numpy as np

VOC_SIZ = 100000
EMB_DIM = 128
BAT_TIM = 100
BATCH = 16384
SEQ = 100

def setup_inputs(seed: int = 0) -> dict:
    key = jax.random.key(seed)
    k_idx, k_tok, k_pos = jax.random.split(key, 3)
    inpTok = jax.random.randint(k_idx, (BATCH, SEQ), 0, VOC_SIZ, dtype=jnp.int64 if jax.config.jax_enable_x64 else jnp.int32)
    tok_table = jax.random.normal(k_tok, (VOC_SIZ, EMB_DIM), dtype=jnp.float32)
    pos_table = jax.random.normal(k_pos, (BAT_TIM, EMB_DIM), dtype=jnp.float32)
    return {"inpTok": inpTok, "tok_table": tok_table, "pos_table": pos_table}

def reference(inpTok, tok_table, pos_table):
    # token embedding lookup: gather rows from tok_table
    inpTokEmb = jnp.take(tok_table, inpTok, axis=0)  # [B, T, D]
    # positional embedding for positions 0..T-1
    T = inpTok.shape[1]
    posEmb = jnp.take(pos_table, jnp.arange(T), axis=0)[None, :, :]  # [1, T, D]
    inpEmb = inpTokEmb + posEmb
    return inpEmb

if __name__ == "__main__":
    import jax
    _d = setup_inputs()
    print(jax.jit(kernel)(*tuple(_d.values())))

</pallas_src>

<mosaic_0001>
#map = affine_map<(d0, d1) -> (0, 0)>
#map1 = affine_map<(d0, d1) -> (0, 0, 0)>
module attributes {stable_mosaic.version = 14 : i64} {
  func.func @_body(%arg0: i32, %arg1: i32, %arg2: memref<100000x128xf32, #tpu.memory_space<hbm>>, %arg3: memref<32x100x128xf32, #tpu.memory_space<hbm>>, %arg4: memref<16384x100xi32, #tpu.memory_space<hbm>>, %arg5: memref<16384x100x128xf32, #tpu.memory_space<hbm>>, %arg6: memref<4x2x100xi32, #tpu.memory_space<vmem>>, %arg7: memref<4x2x100x128xf32, #tpu.memory_space<vmem>>, %arg8: memref<100x128xf32, #tpu.memory_space<vmem>>, %arg9: memref<!tpu.dma_semaphore, #tpu.memory_space<semaphore_mem>>, %arg10: memref<!tpu.dma_semaphore, #tpu.memory_space<semaphore_mem>>, %arg11: memref<!tpu.dma_semaphore, #tpu.memory_space<semaphore_mem>>, %arg12: memref<!tpu.dma_semaphore, #tpu.memory_space<semaphore_mem>>, %arg13: memref<!tpu.dma_semaphore, #tpu.memory_space<semaphore_mem>>, %arg14: memref<!tpu.dma_semaphore, #tpu.memory_space<semaphore_mem>>, %arg15: memref<!tpu.dma_semaphore, #tpu.memory_space<semaphore_mem>>, %arg16: memref<!tpu.dma_semaphore, #tpu.memory_space<semaphore_mem>>, %arg17: memref<!tpu.dma_semaphore, #tpu.memory_space<semaphore_mem>>, %arg18: memref<!tpu.dma_semaphore, #tpu.memory_space<semaphore_mem>>, %arg19: memref<!tpu.dma_semaphore, #tpu.memory_space<semaphore_mem>>, %arg20: memref<!tpu.dma_semaphore, #tpu.memory_space<semaphore_mem>>) attributes {dimension_semantics = [#tpu.dimension_semantics<core_parallel>, #tpu.dimension_semantics<subcore_parallel>], iteration_bounds = array<i64: 2, 16>, scalar_prefetch = 0 : i64, scratch_operands = 15 : i64, tpu.core_type = #tpu.core_type<sc_vector_subcore>, window_params = [{transform_indices = #map}, {transform_indices = #map1}, {transform_indices = #map}, {transform_indices = #map1}]} {
    %mul3A = arith.constant 2 : i32
    %mul3A_0 = arith.muli %arg1, %mul3A : i32
    %add3A = arith.addi %mul3A_0, %arg0 : i32
    %mul3A_1 = arith.constant 512 : i32
    %mul3A_2 = arith.muli %add3A, %mul3A_1 : i32
    "tpu.region"() ({
      %run_scoped3A = tpu.sem_alloc : memref<!tpu.dma_semaphore, #tpu.memory_space<semaphore_mem>>
      %dma_start3A = arith.constant 0 : i32
      %dma_start3A_8 = arith.constant 0 : i32
      %dma_start3A_9 = tpu.memref_slice %arg3[%add3A, %dma_start3A, %dma_start3A_8] : memref<32x100x128xf32, #tpu.memory_space<hbm>> -> memref<1x100x128xf32, #tpu.memory_space<hbm>>
      %dma_start3A_10 = tpu.memref_squeeze %dma_start3A_9 : memref<1x100x128xf32, #tpu.memory_space<hbm>> -> memref<100x128xf32, #tpu.memory_space<hbm>>
      %dma_start3A_11 = arith.constant 0 : i32
      %dma_start3A_12 = arith.constant 0 : i32
      %dma_start3A_13 = tpu.memref_slice %arg3[%add3A, %dma_start3A_11, %dma_start3A_12] : memref<32x100x128xf32, #tpu.memory_space<hbm>> -> memref<1x100x128xf32, #tpu.memory_space<hbm>>
      %dma_start3A_14 = tpu.memref_squeeze %dma_start3A_13 : memref<1x100x128xf32, #tpu.memory_space<hbm>> -> memref<100x128xf32, #tpu.memory_space<hbm>>
      tpu.enqueue_dma source(%dma_start3A_14 : memref<100x128xf32, #tpu.memory_space<hbm>>) target(%arg8 : memref<100x128xf32, #tpu.memory_space<vmem>>) target_semaphore(%run_scoped3A : memref<!tpu.dma_semaphore, #tpu.memory_space<semaphore_mem>>)
      %dma_wait3A = arith.constant 0 : i32
      %dma_wait3A_15 = arith.constant 0 : i32
      %dma_wait3A_16 = tpu.memref_slice %arg3[%add3A, %dma_wait3A, %dma_wait3A_15] : memref<32x100x128xf32, #tpu.memory_space<hbm>> -> memref<1x100x128xf32, #tpu.memory_space<hbm>>
      %dma_wait3A_17 = tpu.memref_squeeze %dma_wait3A_16 : memref<1x100x128xf32, #tpu.memory_space<hbm>> -> memref<100x128xf32, #tpu.memory_space<hbm>>
      %dma_wait3A_18 = arith.constant 0 : i32
      %dma_wait3A_19 = arith.constant 0 : i32
      %dma_wait3A_20 = tpu.memref_slice %arg3[%add3A, %dma_wait3A_18, %dma_wait3A_19] : memref<32x100x128xf32, #tpu.memory_space<hbm>> -> memref<1x100x128xf32, #tpu.memory_space<hbm>>
      %dma_wait3A_21 = tpu.memref_squeeze %dma_wait3A_20 : memref<1x100x128xf32, #tpu.memory_space<hbm>> -> memref<100x128xf32, #tpu.memory_space<hbm>>
      tpu.wait_dma2 semaphore(%run_scoped3A : memref<!tpu.dma_semaphore, #tpu.memory_space<semaphore_mem>>) src(%dma_wait3A_21 : memref<100x128xf32, #tpu.memory_space<hbm>>) dst(%arg8 : memref<100x128xf32, #tpu.memory_space<vmem>>)
      tpu.yield
    }) : () -> ()
    %scan3A = arith.constant 0 : i32
    %scan3A_3 = arith.constant 0 : i32
    %scan3A_4 = arith.constant 65 : i32
    %scan3A_5 = arith.addi %scan3A_3, %scan3A_4 : i32
    %scan3A_6 = arith.constant 1 : i32
    scf.for %scan3A_8 = %scan3A_3 to %scan3A_5 step %scan3A_6  : i32 {
      %mul3A_9 = arith.constant 4 : i32
      %mul3A_10 = arith.muli %scan3A_8, %mul3A_9 : i32
      %add3A_11 = arith.constant 0 : i32
      %add3A_12 = arith.addi %mul3A_10, %add3A_11 : i32
      %ge3A = arith.constant 4 : i32
      %ge3A_13 = arith.cmpi sge, %add3A_12, %ge3A : i32
      %lt3A = arith.constant 260 : i32
      %lt3A_14 = arith.cmpi slt, %add3A_12, %lt3A : i32
      %and3A = arith.andi %ge3A_13, %lt3A_14 : i1
      %convert_element_type3A = arith.extui %and3A : i1 to i32
      %cond3A = arith.constant 0 : i32
      %cond3A_15 = arith.cmpi ne, %convert_element_type3A, %cond3A : i32
      scf.if %cond3A_15 {
        %sub3A = arith.constant 4 : i32
        %sub3A_136 = arith.subi %add3A_12, %sub3A : i32
        %mul3A_137 = arith.constant 2 : i32
        %mul3A_138 = arith.muli %sub3A_136, %mul3A_137 : i32
        %add3A_139 = arith.addi %mul3A_2, %mul3A_138 : i32
        %dma_wait3A = arith.constant 0 : i32
        %dma_wait3A_140 = arith.constant 0 : i32
        %dma_wait3A_141 = arith.constant 0 : i32
        %dma_wait3A_142 = arith.constant 0 : i32
        %dma_wait3A_143 = tpu.memref_slice %arg7[%dma_wait3A, %dma_wait3A_140, %dma_wait3A_141, %dma_wait3A_142] : memref<4x2x100x128xf32, #tpu.memory_space<vmem>> -> memref<1x2x100x128xf32, #tpu.memory_space<vmem>>
        %dma_wait3A_144 = tpu.memref_squeeze %dma_wait3A_143 : memref<1x2x100x128xf32, #tpu.memory_space<vmem>> -> memref<2x100x128xf32, #tpu.memory_space<vmem>>
        %dma_wait3A_145 = arith.constant 0 : i32
        %dma_wait3A_146 = arith.constant 0 : i32
        %dma_wait3A_147 = tpu.memref_slice %arg5[%add3A_139, %dma_wait3A_145, %dma_wait3A_146] : memref<16384x100x128xf32, #tpu.memory_space<hbm>> -> memref<2x100x128xf32, #tpu.memory_space<hbm>>
        %dma_wait3A_148 = arith.constant 0 : i32
        %dma_wait3A_149 = arith.constant 0 : i32
        %dma_wait3A_150 = tpu.memref_slice %arg5[%add3A_139, %dma_wait3A_148, %dma_wait3A_149] : memref<16384x100x128xf32, #tpu.memory_space<hbm>> -> memref<2x100x128xf32, #tpu.memory_space<hbm>>
        %dma_wait3A_151 = arith.constant 0 : i32
        %dma_wait3A_152 = arith.constant 0 : i32
        %dma_wait3A_153 = arith.constant 0 : i32
        %dma_wait3A_154 = tpu.memref_slice %arg7[%dma_wait3A, %dma_wait3A_151, %dma_wait3A_152, %dma_wait3A_153] : memref<4x2x100x128xf32, #tpu.memory_space<vmem>> -> memref<1x2x100x128xf32, #tpu.memory_space<vmem>>
        %dma_wait3A_155 = tpu.memref_squeeze %dma_wait3A_154 : memref<1x2x100x128xf32, #tpu.memory_space<vmem>> -> memref<2x100x128xf32, #tpu.memory_space<vmem>>
        tpu.wait_dma2 semaphore(%arg17 : memref<!tpu.dma_semaphore, #tpu.memory_space<semaphore_mem>>) src(%dma_wait3A_155 : memref<2x100x128xf32, #tpu.memory_space<vmem>>) dst(%dma_wait3A_150 : memref<2x100x128xf32, #tpu.memory_space<hbm>>)
      } else {
      }
      %lt3A_16 = arith.constant 256 : i32
      %lt3A_17 = arith.cmpi slt, %add3A_12, %lt3A_16 : i32
      %convert_element_type3A_18 = arith.extui %lt3A_17 : i1 to i32
      %cond3A_19 = arith.constant 0 : i32
      %cond3A_20 = arith.cmpi ne, %convert_element_type3A_18, %cond3A_19 : i32
      scf.if %cond3A_20 {
        %mul3A_136 = arith.constant 2 : i32
        %mul3A_137 = arith.muli %add3A_12, %mul3A_136 : i32
        %add3A_138 = arith.addi %mul3A_2, %mul3A_137 : i32
        %dma_start3A = arith.constant 0 : i32
        %dma_start3A_139 = arith.constant 0 : i32
        %dma_start3A_140 = arith.constant 0 : i32
        %dma_start3A_141 = tpu.memref_slice %arg6[%dma_start3A, %dma_start3A_139, %dma_start3A_140] : memref<4x2x100xi32, #tpu.memory_space<vmem>> -> memref<1x2x100xi32, #tpu.memory_space<vmem>>
        %dma_start3A_142 = tpu.memref_squeeze %dma_start3A_141 : memref<1x2x100xi32, #tpu.memory_space<vmem>> -> memref<2x100xi32, #tpu.memory_space<vmem>>
        %dma_start3A_143 = arith.constant 0 : i32
        %dma_start3A_144 = tpu.memref_slice %arg4[%add3A_138, %dma_start3A_143] : memref<16384x100xi32, #tpu.memory_space<hbm>> -> memref<2x100xi32, #tpu.memory_space<hbm>>
        %dma_start3A_145 = arith.constant 0 : i32
        %dma_start3A_146 = arith.constant 0 : i32
        %dma_start3A_147 = tpu.memref_slice %arg6[%dma_start3A, %dma_start3A_145, %dma_start3A_146] : memref<4x2x100xi32, #tpu.memory_space<vmem>> -> memref<1x2x100xi32, #tpu.memory_space<vmem>>
        %dma_start3A_148 = tpu.memref_squeeze %dma_start3A_147 : memref<1x2x100xi32, #tpu.memory_space<vmem>> -> memref<2x100xi32, #tpu.memory_space<vmem>>
        %dma_start3A_149 = arith.constant 0 : i32
        %dma_start3A_150 = tpu.memref_slice %arg4[%add3A_138, %dma_start3A_149] : memref<16384x100xi32, #tpu.memory_space<hbm>> -> memref<2x100xi32, #tpu.memory_space<hbm>>
        tpu.enqueue_dma source(%dma_start3A_150 : memref<2x100xi32, #tpu.memory_space<hbm>>) target(%dma_start3A_148 : memref<2x100xi32, #tpu.memory_space<vmem>>) target_semaphore(%arg9 : memref<!tpu.dma_semaphore, #tpu.memory_space<semaphore_mem>>)
        %dma_start3A_151 = arith.constant 0 : i32
        %dma_start3A_152 = arith.constant 0 : i32
        %dma_start3A_153 = arith.constant 0 : i32
        %dma_start3A_154 = arith.constant 0 : i32
        %dma_start3A_155 = arith.constant 0 : i32
        %dma_start3A_156 = tpu.memref_slice %arg7[%dma_start3A_151, %dma_start3A_153, %dma_start3A_154, %dma_start3A_155] : memref<4x2x100x128xf32, #tpu.memory_space<vmem>> -> memref<1x2x100x128xf32, #tpu.memory_space<vmem>>
        %dma_start3A_157 = tpu.memref_squeeze %dma_start3A_156 : memref<1x2x100x128xf32, #tpu.memory_space<vmem>> -> memref<2x100x128xf32, #tpu.memory_space<vmem>>
        %dma_start3A_158 = arith.constant 0 : i32
        %dma_start3A_159 = arith.constant 0 : i32
        %dma_start3A_160 = tpu.memref_slice %dma_start3A_157[%dma_start3A_152, %dma_start3A_158, %dma_start3A_159] : memref<2x100x128xf32, #tpu.memory_space<vmem>> -> memref<1x100x128xf32, #tpu.memory_space<vmem>>
        %dma_start3A_161 = tpu.memref_squeeze %dma_start3A_160 : memref<1x100x128xf32, #tpu.memory_space<vmem>> -> memref<100x128xf32, #tpu.memory_space<vmem>>
        %dma_start3A_162 = arith.constant 0 : i32
        %dma_start3A_163 = arith.constant 0 : i32
        %dma_start3A_164 = tpu.memref_slice %arg3[%add3A, %dma_start3A_162, %dma_start3A_163] : memref<32x100x128xf32, #tpu.memory_space<hbm>> -> memref<1x100x128xf32, #tpu.memory_space<hbm>>
        %dma_start3A_165 = tpu.memref_squeeze %dma_start3A_164 : memref<1x100x128xf32, #tpu.memory_space<hbm>> -> memref<100x128xf32, #tpu.memory_space<hbm>>
        %dma_start3A_166 = arith.constant 0 : i32
        %dma_start3A_167 = arith.constant 0 : i32
        %dma_start3A_168 = arith.constant 0 : i32
        %dma_start3A_169 = tpu.memref_slice %arg7[%dma_start3A_151, %dma_start3A_166, %dma_start3A_167, %dma_start3A_168] : memref<4x2x100x128xf32, #tpu.memory_space<vmem>> -> memref<1x2x100x128xf32, #tpu.memory_space<vmem>>
        %dma_start3A_170 = tpu.memref_squeeze %dma_start3A_169 : memref<1x2x100x128xf32, #tpu.memory_space<vmem>> -> memref<2x100x128xf32, #tpu.memory_space<vmem>>
        %dma_start3A_171 = arith.constant 0 : i32
        %dma_start3A_172 = arith.constant 0 : i32
        %dma_start3A_173 = tpu.memref_slice %dma_start3A_170[%dma_start3A_152, %dma_start3A_171, %dma_start3A_172] : memref<2x100x128xf32, #tpu.memory_space<vmem>> -> memref<1x100x128xf32, #tpu.memory_space<vmem>>
        %dma_start3A_174 = tpu.memref_squeeze %dma_start3A_173 : memref<1x100x128xf32, #tpu.memory_space<vmem>> -> memref<100x128xf32, #tpu.memory_space<vmem>>
        %dma_start3A_175 = arith.constant 0 : i32
        %dma_start3A_176 = arith.constant 0 : i32
        %dma_start3A_177 = tpu.memref_slice %arg3[%add3A, %dma_start3A_175, %dma_start3A_176] : memref<32x100x128xf32, #tpu.memory_space<hbm>> -> memref<1x100x128xf32, #tpu.memory_space<hbm>>
        %dma_start3A_178 = tpu.memref_squeeze %dma_start3A_177 : memref<1x100x128xf32, #tpu.memory_space<hbm>> -> memref<100x128xf32, #tpu.memory_space<hbm>>
        tpu.enqueue_dma source(%dma_start3A_178 : memref<100x128xf32, #tpu.memory_space<hbm>>) target(%dma_start3A_174 : memref<100x128xf32, #tpu.memory_space<vmem>>) target_semaphore(%arg9 : memref<!tpu.dma_semaphore, #tpu.memory_space<semaphore_mem>>)
      } else {
      }
      %ge3A_21 = arith.constant 1 : i32
      %ge3A_22 = arith.cmpi sge, %add3A_12, %ge3A_21 : i32
      %lt3A_23 = arith.constant 257 : i32
      %lt3A_24 = arith.cmpi slt, %add3A_12, %lt3A_23 : i32
      %and3A_25 = arith.andi %ge3A_22, %lt3A_24 : i1
      %convert_element_type3A_26 = arith.extui %and3A_25 : i1 to i32
      %cond3A_27 = arith.constant 0 : i32
      %cond3A_28 = arith.cmpi ne, %convert_element_type3A_26, %cond3A_27 : i32
      scf.if %cond3A_28 {
        %sub3A = arith.constant 1 : i32
        %sub3A_136 = arith.subi %add3A_12, %sub3A : i32
        %mul3A_137 = arith.constant 2 : i32
        %mul3A_138 = arith.muli %sub3A_136, %mul3A_137 : i32
        %add3A_139 = arith.addi %mul3A_2, %mul3A_138 : i32
        %dma_wait3A = arith.constant 3 : i32
        %dma_wait3A_140 = arith.constant 0 : i32
        %dma_wait3A_141 = arith.constant 0 : i32
        %dma_wait3A_142 = tpu.memref_slice %arg6[%dma_wait3A, %dma_wait3A_140, %dma_wait3A_141] : memref<4x2x100xi32, #tpu.memory_space<vmem>> -> memref<1x2x100xi32, #tpu.memory_space<vmem>>
        %dma_wait3A_143 = tpu.memref_squeeze %dma_wait3A_142 : memref<1x2x100xi32, #tpu.memory_space<vmem>> -> memref<2x100xi32, #tpu.memory_space<vmem>>
        %dma_wait3A_144 = arith.constant 0 : i32
        %dma_wait3A_145 = tpu.memref_slice %arg4[%add3A_139, %dma_wait3A_144] : memref<16384x100xi32, #tpu.memory_space<hbm>> -> memref<2x100xi32, #tpu.memory_space<hbm>>
        %dma_wait3A_146 = arith.constant 0 : i32
        %dma_wait3A_147 = arith.constant 0 : i32
        %dma_wait3A_148 = tpu.memref_slice %arg6[%dma_wait3A, %dma_wait3A_146, %dma_wait3A_147] : memref<4x2x100xi32, #tpu.memory_space<vmem>> -> memref<1x2x100xi32, #tpu.memory_space<vmem>>
        %dma_wait3A_149 = tpu.memref_squeeze %dma_wait3A_148 : memref<1x2x100xi32, #tpu.memory_space<vmem>> -> memref<2x100xi32, #tpu.memory_space<vmem>>
        %dma_wait3A_150 = arith.constant 0 : i32
        %dma_wait3A_151 = tpu.memref_slice %arg4[%add3A_139, %dma_wait3A_150] : memref<16384x100xi32, #tpu.memory_space<hbm>> -> memref<2x100xi32, #tpu.memory_space<hbm>>
        tpu.wait_dma2 semaphore(%arg12 : memref<!tpu.dma_semaphore, #tpu.memory_space<semaphore_mem>>) src(%dma_wait3A_151 : memref<2x100xi32, #tpu.memory_space<hbm>>) dst(%dma_wait3A_149 : memref<2x100xi32, #tpu.memory_space<vmem>>)
        %dma_start3A = arith.constant 3 : i32
        %dma_start3A_152 = arith.constant 0 : i32
        %dma_start3A_153 = arith.constant 3 : i32
        %dma_start3A_154 = arith.constant 0 : i32
        %dma_start3A_155 = arith.constant 0 : i32
        %dma_start3A_156 = arith.constant 0 : i32
        %dma_start3A_157 = arith.constant 0 : i32
        %dma_start3A_158 = tpu.memref_slice %arg7[%dma_start3A_153, %dma_start3A_155, %dma_start3A_156, %dma_start3A_157] : memref<4x2x100x128xf32, #tpu.memory_space<vmem>> -> memref<1x2x100x128xf32, #tpu.memory_space<vmem>>
        %dma_start3A_159 = tpu.memref_squeeze %dma_start3A_158 : memref<1x2x100x128xf32, #tpu.memory_space<vmem>> -> memref<2x100x128xf32, #tpu.memory_space<vmem>>
        %dma_start3A_160 = arith.constant 0 : i32
        %dma_start3A_161 = arith.constant 0 : i32
        %dma_start3A_162 = tpu.memref_slice %dma_start3A_159[%dma_start3A_154, %dma_start3A_160, %dma_start3A_161] : memref<2x100x128xf32, #tpu.memory_space<vmem>> -> memref<1x100x128xf32, #tpu.memory_space<vmem>>
        %dma_start3A_163 = tpu.memref_squeeze %dma_start3A_162 : memref<1x100x128xf32, #tpu.memory_space<vmem>> -> memref<100x128xf32, #tpu.memory_space<vmem>>
        %dma_start3A_164 = arith.constant 0 : i32
        %dma_start3A_165 = arith.constant 0 : i32
        %dma_start3A_166 = tpu.memref_slice %arg6[%dma_start3A, %dma_start3A_164, %dma_start3A_165] : memref<4x2x100xi32, #tpu.memory_space<vmem>> -> memref<1x2x100xi32, #tpu.memory_space<vmem>>
        %dma_start3A_167 = tpu.memref_squeeze %dma_start3A_166 : memref<1x2x100xi32, #tpu.memory_space<vmem>> -> memref<2x100xi32, #tpu.memory_space<vmem>>
        %dma_start3A_168 = arith.constant 0 : i32
        %dma_start3A_169 = tpu.memref_slice %dma_start3A_167[%dma_start3A_152, %dma_start3A_168] : memref<2x100xi32, #tpu.memory_space<vmem>> -> memref<1x100xi32, #tpu.memory_space<vmem>>
        %dma_start3A_170 = tpu.memref_squeeze %dma_start3A_169 : memref<1x100xi32, #tpu.memory_space<vmem>> -> memref<100xi32, #tpu.memory_space<vmem>>
        %dma_start3A_171 = arith.constant 0 : i32
        %dma_start3A_172 = arith.constant 0 : i32
        %dma_start3A_173 = tpu.memref_slice %arg2[%dma_start3A_171, %dma_start3A_172] : memref<100000x128xf32, #tpu.memory_space<hbm>> -> memref<100000x128xf32, #tpu.memory_space<hbm>>
        tpu.enqueue_indirect_dma source(%dma_start3A_173 : memref<100000x128xf32, #tpu.memory_space<hbm>>) target(%dma_start3A_163 : memref<100x128xf32, #tpu.memory_space<vmem>>) offsets(%dma_start3A_170 : memref<100xi32, #tpu.memory_space<vmem>>) semaphore(%arg16 : memref<!tpu.dma_semaphore, #tpu.memory_space<semaphore_mem>>)
        %dma_start3A_174 = arith.constant 3 : i32
        %dma_start3A_175 = arith.constant 1 : i32
        %dma_start3A_176 = arith.constant 3 : i32
        %dma_start3A_177 = arith.constant 1 : i32
        %dma_start3A_178 = arith.constant 0 : i32
        %dma_start3A_179 = arith.constant 0 : i32
        %dma_start3A_180 = arith.constant 0 : i32
        %dma_start3A_181 = tpu.memref_slice %arg7[%dma_start3A_176, %dma_start3A_178, %dma_start3A_179, %dma_start3A_180] : memref<4x2x100x128xf32, #tpu.memory_space<vmem>> -> memref<1x2x100x128xf32, #tpu.memory_space<vmem>>
        %dma_start3A_182 = tpu.memref_squeeze %dma_start3A_181 : memref<1x2x100x128xf32, #tpu.memory_space<vmem>> -> memref<2x100x128xf32, #tpu.memory_space<vmem>>
        %dma_start3A_183 = arith.constant 0 : i32
        %dma_start3A_184 = arith.constant 0 : i32
        %dma_start3A_185 = tpu.memref_slice %dma_start3A_182[%dma_start3A_177, %dma_start3A_183, %dma_start3A_184] : memref<2x100x128xf32, #tpu.memory_space<vmem>> -> memref<1x100x128xf32, #tpu.memory_space<vmem>>
        %dma_start3A_186 = tpu.memref_squeeze %dma_start3A_185 : memref<1x100x128xf32, #tpu.memory_space<vmem>> -> memref<100x128xf32, #tpu.memory_space<vmem>>
        %dma_start3A_187 = arith.constant 0 : i32
        %dma_start3A_188 = arith.constant 0 : i32
        %dma_start3A_189 = tpu.memref_slice %arg6[%dma_start3A_174, %dma_start3A_187, %dma_start3A_188] : memref<4x2x100xi32, #tpu.memory_space<vmem>> -> memref<1x2x100xi32, #tpu.memory_space<vmem>>
        %dma_start3A_190 = tpu.memref_squeeze %dma_start3A_189 : memref<1x2x100xi32, #tpu.memory_space<vmem>> -> memref<2x100xi32, #tpu.memory_space<vmem>>
        %dma_start3A_191 = arith.constant 0 : i32
        %dma_start3A_192 = tpu.memref_slice %dma_start3A_190[%dma_start3A_175, %dma_start3A_191] : memref<2x100xi32, #tpu.memory_space<vmem>> -> memref<1x100xi32, #tpu.memory_space<vmem>>
        %dma_start3A_193 = tpu.memref_squeeze %dma_start3A_192 : memref<1x100xi32, #tpu.memory_space<vmem>> -> memref<100xi32, #tpu.memory_space<vmem>>
        %dma_start3A_194 = arith.constant 0 : i32
        %dma_start3A_195 = arith.constant 0 : i32
        %dma_start3A_196 = tpu.memref_slice %arg2[%dma_start3A_194, %dma_start3A_195] : memref<100000x128xf32, #tpu.memory_space<hbm>> -> memref<100000x128xf32, #tpu.memory_space<hbm>>
        tpu.enqueue_indirect_dma source(%dma_start3A_196 : memref<100000x128xf32, #tpu.memory_space<hbm>>) target(%dma_start3A_186 : memref<100x128xf32, #tpu.memory_space<vmem>>) offsets(%dma_start3A_193 : memref<100xi32, #tpu.memory_space<vmem>>) semaphore(%arg16 : memref<!tpu.dma_semaphore, #tpu.memory_space<semaphore_mem>>)
      } else {
      }
      %ge3A_29 = arith.constant 2 : i32
      %ge3A_30 = arith.cmpi sge, %add3A_12, %ge3A_29 : i32
      %lt3A_31 = arith.constant 258 : i32
      %lt3A_32 = arith.cmpi slt, %add3A_12, %lt3A_31 : i32
      %and3A_33 = arith.andi %ge3A_30, %lt3A_32 : i1
      %convert_element_type3A_34 = arith.extui %and3A_33 : i1 to i32
      %cond3A_35 = arith.constant 0 : i32
      %cond3A_36 = arith.cmpi ne, %convert_element_type3A_34, %cond3A_35 : i32
      scf.if %cond3A_36 {
        %dma_wait3A = arith.constant 2 : i32
        %dma_wait3A_136 = arith.constant 0 : i32
        %dma_wait3A_137 = arith.constant 2 : i32
        %dma_wait3A_138 = arith.constant 0 : i32
        %dma_wait3A_139 = arith.constant 0 : i32
        %dma_wait3A_140 = arith.constant 0 : i32
        %dma_wait3A_141 = arith.constant 0 : i32
        %dma_wait3A_142 = tpu.memref_slice %arg7[%dma_wait3A_137, %dma_wait3A_139, %dma_wait3A_140, %dma_wait3A_141] : memref<4x2x100x128xf32, #tpu.memory_space<vmem>> -> memref<1x2x100x128xf32, #tpu.memory_space<vmem>>
        %dma_wait3A_143 = tpu.memref_squeeze %dma_wait3A_142 : memref<1x2x100x128xf32, #tpu.memory_space<vmem>> -> memref<2x100x128xf32, #tpu.memory_space<vmem>>
        %dma_wait3A_144 = arith.constant 0 : i32
        %dma_wait3A_145 = arith.constant 0 : i32
        %dma_wait3A_146 = tpu.memref_slice %dma_wait3A_143[%dma_wait3A_138, %dma_wait3A_144, %dma_wait3A_145] : memref<2x100x128xf32, #tpu.memory_space<vmem>> -> memref<1x100x128xf32, #tpu.memory_space<vmem>>
        %dma_wait3A_147 = tpu.memref_squeeze %dma_wait3A_146 : memref<1x100x128xf32, #tpu.memory_space<vmem>> -> memref<100x128xf32, #tpu.memory_space<vmem>>
        %dma_wait3A_148 = arith.constant 0 : i32
        %dma_wait3A_149 = arith.constant 0 : i32
        %dma_wait3A_150 = tpu.memref_slice %arg6[%dma_wait3A, %dma_wait3A_148, %dma_wait3A_149] : memref<4x2x100xi32, #tpu.memory_space<vmem>> -> memref<1x2x100xi32, #tpu.memory_space<vmem>>
        %dma_wait3A_151 = tpu.memref_squeeze %dma_wait3A_150 : memref<1x2x100xi32, #tpu.memory_space<vmem>> -> memref<2x100xi32, #tpu.memory_space<vmem>>
        %dma_wait3A_152 = arith.constant 0 : i32
        %dma_wait3A_153 = tpu.memref_slice %dma_wait3A_151[%dma_wait3A_136, %dma_wait3A_152] : memref<2x100xi32, #tpu.memory_space<vmem>> -> memref<1x100xi32, #tpu.memory_space<vmem>>
        %dma_wait3A_154 = tpu.memref_squeeze %dma_wait3A_153 : memref<1x100xi32, #tpu.memory_space<vmem>> -> memref<100xi32, #tpu.memory_space<vmem>>
        %dma_wait3A_155 = arith.constant 0 : i32
        %dma_wait3A_156 = arith.constant 0 : i32
        %dma_wait3A_157 = tpu.memref_slice %arg2[%dma_wait3A_155, %dma_wait3A_156] : memref<100000x128xf32, #tpu.memory_space<hbm>> -> memref<100000x128xf32, #tpu.memory_space<hbm>>
        tpu.wait_indirect_dma semaphore(%arg15 : memref<!tpu.dma_semaphore, #tpu.memory_space<semaphore_mem>>) src(%dma_wait3A_157 : memref<100000x128xf32, #tpu.memory_space<hbm>>) dst(%dma_wait3A_147 : memref<100x128xf32, #tpu.memory_space<vmem>>)
        %dma_wait3A_158 = arith.constant 2 : i32
        %dma_wait3A_159 = arith.constant 1 : i32
        %dma_wait3A_160 = arith.constant 2 : i32
        %dma_wait3A_161 = arith.constant 1 : i32
        %dma_wait3A_162 = arith.constant 0 : i32
        %dma_wait3A_163 = arith.constant 0 : i32
        %dma_wait3A_164 = arith.constant 0 : i32
        %dma_wait3A_165 = tpu.memref_slice %arg7[%dma_wait3A_160, %dma_wait3A_162, %dma_wait3A_163, %dma_wait3A_164] : memref<4x2x100x128xf32, #tpu.memory_space<vmem>> -> memref<1x2x100x128xf32, #tpu.memory_space<vmem>>
        %dma_wait3A_166 = tpu.memref_squeeze %dma_wait3A_165 : memref<1x2x100x128xf32, #tpu.memory_space<vmem>> -> memref<2x100x128xf32, #tpu.memory_space<vmem>>
        %dma_wait3A_167 = arith.constant 0 : i32
        %dma_wait3A_168 = arith.constant 0 : i32
        %dma_wait3A_169 = tpu.memref_slice %dma_wait3A_166[%dma_wait3A_161, %dma_wait3A_167, %dma_wait3A_168] : memref<2x100x128xf32, #tpu.memory_space<vmem>> -> memref<1x100x128xf32, #tpu.memory_space<vmem>>
        %dma_wait3A_170 = tpu.memref_squeeze %dma_wait3A_169 : memref<1x100x128xf32, #tpu.memory_space<vmem>> -> memref<100x128xf32, #tpu.memory_space<vmem>>
        %dma_wait3A_171 = arith.constant 0 : i32
        %dma_wait3A_172 = arith.constant 0 : i32
        %dma_wait3A_173 = tpu.memref_slice %arg6[%dma_wait3A_158, %dma_wait3A_171, %dma_wait3A_172] : memref<4x2x100xi32, #tpu.memory_space<vmem>> -> memref<1x2x100xi32, #tpu.memory_space<vmem>>
        %dma_wait3A_174 = tpu.memref_squeeze %dma_wait3A_173 : memref<1x2x100xi32, #tpu.memory_space<vmem>> -> memref<2x100xi32, #tpu.memory_space<vmem>>
        %dma_wait3A_175 = arith.constant 0 : i32
        %dma_wait3A_176 = tpu.memref_slice %dma_wait3A_174[%dma_wait3A_159, %dma_wait3A_175] : memref<2x100xi32, #tpu.memory_space<vmem>> -> memref<1x100xi32, #tpu.memory_space<vmem>>
        %dma_wait3A_177 = tpu.memref_squeeze %dma_wait3A_176 : memref<1x100xi32, #tpu.memory_space<vmem>> -> memref<100xi32, #tpu.memory_space<vmem>>
        %dma_wait3A_178 = arith.constant 0 : i32
        %dma_wait3A_179 = arith.constant 0 : i32
        %dma_wait3A_180 = tpu.memref_slice %arg2[%dma_wait3A_178, %dma_wait3A_179] : memref<100000x128xf32, #tpu.memory_space<hbm>> -> memref<100000x128xf32, #tpu.memory_space<hbm>>
        tpu.wait_indirect_dma semaphore(%arg15 : memref<!tpu.dma_semaphore, #tpu.memory_space<semaphore_mem>>) src(%dma_wait3A_180 : memref<100000x128xf32, #tpu.memory_space<hbm>>) dst(%dma_wait3A_170 : memref<100x128xf32, #tpu.memory_space<vmem>>)
        %scan3A_181 = arith.constant 0 : i32
        %scan3A_182 = arith.constant 0 : i32
        %scan3A_183 = arith.constant 100 : i32
        %scan3A_184 = arith.addi %scan3A_182, %scan3A_183 : i32
        %scan3A_185 = arith.constant 1 : i32
        scf.for %scan3A_207 = %scan3A_182 to %scan3A_184 step %scan3A_185  : i32 {
          %get3A = arith.constant 2 : i32
          %get3A_208 = arith.constant 1 : i32
          %get3A_209 = arith.index_cast %get3A : i32 to index
          %get3A_210 = arith.index_cast %get3A_208 : i32 to index
          %get3A_211 = arith.index_cast %scan3A_207 : i32 to index
          %get3A_212 = arith.constant 0 : index
          %get3A_213 = tpu.vector_load %arg7[%get3A_209, %get3A_210, %get3A_211, %get3A_212] {strides = array<i32>} : memref<4x2x100x128xf32, #tpu.memory_space<vmem>>, vector<1x1x1x16xf32>,
          %get3A_214 = vector.shape_cast %get3A_213 : vector<1x1x1x16xf32> to vector<16xf32>
          %get3A_215 = arith.index_cast %scan3A_207 : i32 to index
          %get3A_216 = arith.constant 0 : index
          %get3A_217 = tpu.vector_load %arg8[%get3A_215, %get3A_216] {strides = array<i32>} : memref<100x128xf32, #tpu.memory_space<vmem>>, vector<1x16xf32>,
          %get3A_218 = vector.shape_cast %get3A_217 : vector<1x16xf32> to vector<16xf32>
          %add3A_219 = arith.addf %get3A_214, %get3A_218 : vector<16xf32>
          %swap3A = arith.constant 2 : i32
          %swap3A_220 = arith.constant 1 : i32
          %swap3A_221 = arith.index_cast %swap3A : i32 to index
          %swap3A_222 = arith.index_cast %swap3A_220 : i32 to index
          %swap3A_223 = arith.index_cast %scan3A_207 : i32 to index
          %swap3A_224 = arith.constant 0 : index
          %swap3A_225 = tpu.vector_load %arg7[%swap3A_221, %swap3A_222, %swap3A_223, %swap3A_224] {strides = array<i32>} : memref<4x2x100x128xf32, #tpu.memory_space<vmem>>, vector<1x1x1x16xf32>,
          %swap3A_226 = vector.shape_cast %swap3A_225 : vector<1x1x1x16xf32> to vector<16xf32>
          %swap3A_227 = vector.shape_cast %add3A_219 : vector<16xf32> to vector<1x1x1x16xf32>
          tpu.vector_store %arg7[%swap3A_221, %swap3A_222, %swap3A_223, %swap3A_224], %swap3A_227 {strides = array<i32>} : memref<4x2x100x128xf32, #tpu.memory_space<vmem>>, vector<1x1x1x16xf32>,
          %get3A_228 = arith.constant 2 : i32
          %get3A_229 = arith.constant 1 : i32
          %get3A_230 = arith.index_cast %get3A_228 : i32 to index
          %get3A_231 = arith.index_cast %get3A_229 : i32 to index
          %get3A_232 = arith.index_cast %scan3A_207 : i32 to index
          %get3A_233 = arith.constant 16 : index
          %get3A_234 = tpu.vector_load %arg7[%get3A_230, %get3A_231, %get3A_232, %get3A_233] {strides = array<i32>} : memref<4x2x100x128xf32, #tpu.memory_space<vmem>>, vector<1x1x1x16xf32>,
          %get3A_235 = vector.shape_cast %get3A_234 : vector<1x1x1x16xf32> to vector<16xf32>
          %get3A_236 = arith.index_cast %scan3A_207 : i32 to index
          %get3A_237 = arith.constant 16 : index
          %get3A_238 = tpu.vector_load %arg8[%get3A_236, %get3A_237] {strides = array<i32>} : memref<100x128xf32, #tpu.memory_space<vmem>>, vector<1x16xf32>,
          %get3A_239 = vector.shape_cast %get3A_238 : vector<1x16xf32> to vector<16xf32>
          %add3A_240 = arith.addf %get3A_235, %get3A_239 : vector<16xf32>
          %swap3A_241 = arith.constant 2 : i32
          %swap3A_242 = arith.constant 1 : i32
          %swap3A_243 = arith.index_cast %swap3A_241 : i32 to index
          %swap3A_244 = arith.index_cast %swap3A_242 : i32 to index
          %swap3A_245 = arith.index_cast %scan3A_207 : i32 to index
          %swap3A_246 = arith.constant 16 : index
          %swap3A_247 = tpu.vector_load %arg7[%swap3A_243, %swap3A_244, %swap3A_245, %swap3A_246] {strides = array<i32>} : memref<4x2x100x128xf32, #tpu.memory_space<vmem>>, vector<1x1x1x16xf32>,
          %swap3A_248 = vector.shape_cast %swap3A_247 : vector<1x1x1x16xf32> to vector<16xf32>
          %swap3A_249 = vector.shape_cast %add3A_240 : vector<16xf32> to vector<1x1x1x16xf32>
          tpu.vector_store %arg7[%swap3A_243, %swap3A_244, %swap3A_245, %swap3A_246], %swap3A_249 {strides = array<i32>} : memref<4x2x100x128xf32, #tpu.memory_space<vmem>>, vector<1x1x1x16xf32>,
          %get3A_250 = arith.constant 2 : i32
          %get3A_251 = arith.constant 1 : i32
          %get3A_252 = arith.index_cast %get3A_250 : i32 to index
          %get3A_253 = arith.index_cast %get3A_251 : i32 to index
          %get3A_254 = arith.index_cast %scan3A_207 : i32 to index
          %get3A_255 = arith.constant 32 : index
          %get3A_256 = tpu.vector_load %arg7[%get3A_252, %get3A_253, %get3A_254, %get3A_255] {strides = array<i32>} : memref<4x2x100x128xf32, #tpu.memory_space<vmem>>, vector<1x1x1x16xf32>,
          %get3A_257 = vector.shape_cast %get3A_256 : vector<1x1x1x16xf32> to vector<16xf32>
          %get3A_258 = arith.index_cast %scan3A_207 : i32 to index
          %get3A_259 = arith.constant 32 : index
          %get3A_260 = tpu.vector_load %arg8[%get3A_258, %get3A_259] {strides = array<i32>} : memref<100x128xf32, #tpu.memory_space<vmem>>, vector<1x16xf32>,
          %get3A_261 = vector.shape_cast %get3A_260 : vector<1x16xf32> to vector<16xf32>
          %add3A_262 = arith.addf %get3A_257, %get3A_261 : vector<16xf32>
          %swap3A_263 = arith.constant 2 : i32
          %swap3A_264 = arith.constant 1 : i32
          %swap3A_265 = arith.index_cast %swap3A_263 : i32 to index
          %swap3A_266 = arith.index_cast %swap3A_264 : i32 to index
          %swap3A_267 = arith.index_cast %scan3A_207 : i32 to index
          %swap3A_268 = arith.constant 32 : index
          %swap3A_269 = tpu.vector_load %arg7[%swap3A_265, %swap3A_266, %swap3A_267, %swap3A_268] {strides = array<i32>} : memref<4x2x100x128xf32, #tpu.memory_space<vmem>>, vector<1x1x1x16xf32>,
          %swap3A_270 = vector.shape_cast %swap3A_269 : vector<1x1x1x16xf32> to vector<16xf32>
          %swap3A_271 = vector.shape_cast %add3A_262 : vector<16xf32> to vector<1x1x1x16xf32>
          tpu.vector_store %arg7[%swap3A_265, %swap3A_266, %swap3A_267, %swap3A_268], %swap3A_271 {strides = array<i32>} : memref<4x2x100x128xf32, #tpu.memory_space<vmem>>, vector<1x1x1x16xf32>,
          %get3A_272 = arith.constant 2 : i32
          %get3A_273 = arith.constant 1 : i32
          %get3A_274 = arith.index_cast %get3A_272 : i32 to index
          %get3A_275 = arith.index_cast %get3A_273 : i32 to index
          %get3A_276 = arith.index_cast %scan3A_207 : i32 to index
          %get3A_277 = arith.constant 48 : index
          %get3A_278 = tpu.vector_load %arg7[%get3A_274, %get3A_275, %get3A_276, %get3A_277] {strides = array<i32>} : memref<4x2x100x128xf32, #tpu.memory_space<vmem>>, vector<1x1x1x16xf32>,
          %get3A_279 = vector.shape_cast %get3A_278 : vector<1x1x1x16xf32> to vector<16xf32>
          %get3A_280 = arith.index_cast %scan3A_207 : i32 to index
          %get3A_281 = arith.constant 48 : index
          %get3A_282 = tpu.vector_load %arg8[%get3A_280, %get3A_281] {strides = array<i32>} : memref<100x128xf32, #tpu.memory_space<vmem>>, vector<1x16xf32>,
          %get3A_283 = vector.shape_cast %get3A_282 : vector<1x16xf32> to vector<16xf32>
          %add3A_284 = arith.addf %get3A_279, %get3A_283 : vector<16xf32>
          %swap3A_285 = arith.constant 2 : i32
          %swap3A_286 = arith.constant 1 : i32
          %swap3A_287 = arith.index_cast %swap3A_285 : i32 to index
          %swap3A_288 = arith.index_cast %swap3A_286 : i32 to index
          %swap3A_289 = arith.index_cast %scan3A_207 : i32 to index
          %swap3A_290 = arith.constant 48 : index
          %swap3A_291 = tpu.vector_load %arg7[%swap3A_287, %swap3A_288, %swap3A_289, %swap3A_290] {strides = array<i32>} : memref<4x2x100x128xf32, #tpu.memory_space<vmem>>, vector<1x1x1x16xf32>,
          %swap3A_292 = vector.shape_cast %swap3A_291 : vector<1x1x1x16xf32> to vector<16xf32>
          %swap3A_293 = vector.shape_cast %add3A_284 : vector<16xf32> to vector<1x1x1x16xf32>
          tpu.vector_store %arg7[%swap3A_287, %swap3A_288, %swap3A_289, %swap3A_290], %swap3A_293 {strides = array<i32>} : memref<4x2x100x128xf32, #tpu.memory_space<vmem>>, vector<1x1x1x16xf32>,
          %get3A_294 = arith.constant 2 : i32
          %get3A_295 = arith.constant 1 : i32
          %get3A_296 = arith.index_cast %get3A_294 : i32 to index
          %get3A_297 = arith.index_cast %get3A_295 : i32 to index
          %get3A_298 = arith.index_cast %scan3A_207 : i32 to index
          %get3A_299 = arith.constant 64 : index
          %get3A_300 = tpu.vector_load %arg7[%get3A_296, %get3A_297, %get3A_298, %get3A_299] {strides = array<i32>} : memref<4x2x100x128xf32, #tpu.memory_space<vmem>>, vector<1x1x1x16xf32>,
          %get3A_301 = vector.shape_cast %get3A_300 : vector<1x1x1x16xf32> to vector<16xf32>
          %get3A_302 = arith.index_cast %scan3A_207 : i32 to index
          %get3A_303 = arith.constant 64 : index
          %get3A_304 = tpu.vector_load %arg8[%get3A_302, %get3A_303] {strides = array<i32>} : memref<100x128xf32, #tpu.memory_space<vmem>>, vector<1x16xf32>,
          %get3A_305 = vector.shape_cast %get3A_304 : vector<1x16xf32> to vector<16xf32>
          %add3A_306 = arith.addf %get3A_301, %get3A_305 : vector<16xf32>
          %swap3A_307 = arith.constant 2 : i32
          %swap3A_308 = arith.constant 1 : i32
          %swap3A_309 = arith.index_cast %swap3A_307 : i32 to index
          %swap3A_310 = arith.index_cast %swap3A_308 : i32 to index
          %swap3A_311 = arith.index_cast %scan3A_207 : i32 to index
          %swap3A_312 = arith.constant 64 : index
          %swap3A_313 = tpu.vector_load %arg7[%swap3A_309, %swap3A_310, %swap3A_311, %swap3A_312] {strides = array<i32>} : memref<4x2x100x128xf32, #tpu.memory_space<vmem>>, vector<1x1x1x16xf32>,
          %swap3A_314 = vector.shape_cast %swap3A_313 : vector<1x1x1x16xf32> to vector<16xf32>
          %swap3A_315 = vector.shape_cast %add3A_306 : vector<16xf32> to vector<1x1x1x16xf32>
          tpu.vector_store %arg7[%swap3A_309, %swap3A_310, %swap3A_311, %swap3A_312], %swap3A_315 {strides = array<i32>} : memref<4x2x100x128xf32, #tpu.memory_space<vmem>>, vector<1x1x1x16xf32>,
          %get3A_316 = arith.constant 2 : i32
          %get3A_317 = arith.constant 1 : i32
          %get3A_318 = arith.index_cast %get3A_316 : i32 to index
          %get3A_319 = arith.index_cast %get3A_317 : i32 to index
          %get3A_320 = arith.index_cast %scan3A_207 : i32 to index
          %get3A_321 = arith.constant 80 : index
          %get3A_322 = tpu.vector_load %arg7[%get3A_318, %get3A_319, %get3A_320, %get3A_321] {strides = array<i32>} : memref<4x2x100x128xf32, #tpu.memory_space<vmem>>, vector<1x1x1x16xf32>,
          %get3A_323 = vector.shape_cast %get3A_322 : vector<1x1x1x16xf32> to vector<16xf32>
          %get3A_324 = arith.index_cast %scan3A_207 : i32 to index
          %get3A_325 = arith.constant 80 : index
          %get3A_326 = tpu.vector_load %arg8[%get3A_324, %get3A_325] {strides = array<i32>} : memref<100x128xf32, #tpu.memory_space<vmem>>, vector<1x16xf32>,
          %get3A_327 = vector.shape_cast %get3A_326 : vector<1x16xf32> to vector<16xf32>
          %add3A_328 = arith.addf %get3A_323, %get3A_327 : vector<16xf32>
          %swap3A_329 = arith.constant 2 : i32
          %swap3A_330 = arith.constant 1 : i32
          %swap3A_331 = arith.index_cast %swap3A_329 : i32 to index
          %swap3A_332 = arith.index_cast %swap3A_330 : i32 to index
          %swap3A_333 = arith.index_cast %scan3A_207 : i32 to index
          %swap3A_334 = arith.constant 80 : index
          %swap3A_335 = tpu.vector_load %arg7[%swap3A_331, %swap3A_332, %swap3A_333, %swap3A_334] {strides = array<i32>} : memref<4x2x100x128xf32, #tpu.memory_space<vmem>>, vector<1x1x1x16xf32>,
          %swap3A_336 = vector.shape_cast %swap3A_335 : vector<1x1x1x16xf32> to vector<16xf32>
          %swap3A_337 = vector.shape_cast %add3A_328 : vector<16xf32> to vector<1x1x1x16xf32>
          tpu.vector_store %arg7[%swap3A_331, %swap3A_332, %swap3A_333, %swap3A_334], %swap3A_337 {strides = array<i32>} : memref<4x2x100x128xf32, #tpu.memory_space<vmem>>, vector<1x1x1x16xf32>,
          %get3A_338 = arith.constant 2 : i32
          %get3A_339 = arith.constant 1 : i32
          %get3A_340 = arith.index_cast %get3A_338 : i32 to index
          %get3A_341 = arith.index_cast %get3A_339 : i32 to index
          %get3A_342 = arith.index_cast %scan3A_207 : i32 to index
          %get3A_343 = arith.constant 96 : index
          %get3A_344 = tpu.vector_load %arg7[%get3A_340, %get3A_341, %get3A_342, %get3A_343] {strides = array<i32>} : memref<4x2x100x128xf32, #tpu.memory_space<vmem>>, vector<1x1x1x16xf32>,
          %get3A_345 = vector.shape_cast %get3A_344 : vector<1x1x1x16xf32> to vector<16xf32>
          %get3A_346 = arith.index_cast %scan3A_207 : i32 to index
          %get3A_347 = arith.constant 96 : index
          %get3A_348 = tpu.vector_load %arg8[%get3A_346, %get3A_347] {strides = array<i32>} : memref<100x128xf32, #tpu.memory_space<vmem>>, vector<1x16xf32>,
          %get3A_349 = vector.shape_cast %get3A_348 : vector<1x16xf32> to vector<16xf32>
          %add3A_350 = arith.addf %get3A_345, %get3A_349 : vector<16xf32>
          %swap3A_351 = arith.constant 2 : i32
          %swap3A_352 = arith.constant 1 : i32
          %swap3A_353 = arith.index_cast %swap3A_351 : i32 to index
          %swap3A_354 = arith.index_cast %swap3A_352 : i32 to index
          %swap3A_355 = arith.index_cast %scan3A_207 : i32 to index
          %swap3A_356 = arith.constant 96 : index
          %swap3A_357 = tpu.vector_load %arg7[%swap3A_353, %swap3A_354, %swap3A_355, %swap3A_356] {strides = array<i32>} : memref<4x2x100x128xf32, #tpu.memory_space<vmem>>, vector<1x1x1x16xf32>,
          %swap3A_358 = vector.shape_cast %swap3A_357 : vector<1x1x1x16xf32> to vector<16xf32>
          %swap3A_359 = vector.shape_cast %add3A_350 : vector<16xf32> to vector<1x1x1x16xf32>
          tpu.vector_store %arg7[%swap3A_353, %swap3A_354, %swap3A_355, %swap3A_356], %swap3A_359 {strides = array<i32>} : memref<4x2x100x128xf32, #tpu.memory_space<vmem>>, vector<1x1x1x16xf32>,
          %get3A_360 = arith.constant 2 : i32
          %get3A_361 = arith.constant 1 : i32
          %get3A_362 = arith.index_cast %get3A_360 : i32 to index
          %get3A_363 = arith.index_cast %get3A_361 : i32 to index
          %get3A_364 = arith.index_cast %scan3A_207 : i32 to index
          %get3A_365 = arith.constant 112 : index
          %get3A_366 = tpu.vector_load %arg7[%get3A_362, %get3A_363, %get3A_364, %get3A_365] {strides = array<i32>} : memref<4x2x100x128xf32, #tpu.memory_space<vmem>>, vector<1x1x1x16xf32>,
          %get3A_367 = vector.shape_cast %get3A_366 : vector<1x1x1x16xf32> to vector<16xf32>
          %get3A_368 = arith.index_cast %scan3A_207 : i32 to index
          %get3A_369 = arith.constant 112 : index
          %get3A_370 = tpu.vector_load %arg8[%get3A_368, %get3A_369] {strides = array<i32>} : memref<100x128xf32, #tpu.memory_space<vmem>>, vector<1x16xf32>,
          %get3A_371 = vector.shape_cast %get3A_370 : vector<1x16xf32> to vector<16xf32>
          %add3A_372 = arith.addf %get3A_367, %get3A_371 : vector<16xf32>
          %swap3A_373 = arith.constant 2 : i32
          %swap3A_374 = arith.constant 1 : i32
          %swap3A_375 = arith.index_cast %swap3A_373 : i32 to index
          %swap3A_376 = arith.index_cast %swap3A_374 : i32 to index
          %swap3A_377 = arith.index_cast %scan3A_207 : i32 to index
          %swap3A_378 = arith.constant 112 : index
          %swap3A_379 = tpu.vector_load %arg7[%swap3A_375, %swap3A_376, %swap3A_377, %swap3A_378] {strides = array<i32>} : memref<4x2x100x128xf32, #tpu.memory_space<vmem>>, vector<1x1x1x16xf32>,
          %swap3A_380 = vector.shape_cast %swap3A_379 : vector<1x1x1x16xf32> to vector<16xf32>
          %swap3A_381 = vector.shape_cast %add3A_372 : vector<16xf32> to vector<1x1x1x16xf32>
          tpu.vector_store %arg7[%swap3A_375, %swap3A_376, %swap3A_377, %swap3A_378], %swap3A_381 {strides = array<i32>} : memref<4x2x100x128xf32, #tpu.memory_space<vmem>>, vector<1x1x1x16xf32>,
        }
        %scan3A_186 = arith.constant 100 : i32
        %sub3A = arith.constant 2 : i32
        %sub3A_187 = arith.subi %add3A_12, %sub3A : i32
        %mul3A_188 = arith.constant 2 : i32
        %mul3A_189 = arith.muli %sub3A_187, %mul3A_188 : i32
        %add3A_190 = arith.addi %mul3A_2, %mul3A_189 : i32
        %dma_start3A = arith.constant 2 : i32
        %dma_start3A_191 = arith.constant 0 : i32
        %dma_start3A_192 = arith.constant 0 : i32
        %dma_start3A_193 = arith.constant 0 : i32
        %dma_start3A_194 = tpu.memref_slice %arg7[%dma_start3A, %dma_start3A_191, %dma_start3A_192, %dma_start3A_193] : memref<4x2x100x128xf32, #tpu.memory_space<vmem>> -> memref<1x2x100x128xf32, #tpu.memory_space<vmem>>
        %dma_start3A_195 = tpu.memref_squeeze %dma_start3A_194 : memref<1x2x100x128xf32, #tpu.memory_space<vmem>> -> memref<2x100x128xf32, #tpu.memory_space<vmem>>
        %dma_start3A_196 = arith.constant 0 : i32
        %dma_start3A_197 = arith.constant 0 : i32
        %dma_start3A_198 = tpu.memref_slice %arg5[%add3A_190, %dma_start3A_196, %dma_start3A_197] : memref<16384x100x128xf32, #tpu.memory_space<hbm>> -> memref<2x100x128xf32, #tpu.memory_space<hbm>>
        %dma_start3A_199 = arith.constant 0 : i32
        %dma_start3A_200 = arith.constant 0 : i32
        %dma_start3A_201 = tpu.memref_slice %arg5[%add3A_190, %dma_start3A_199, %dma_start3A_200] : memref<16384x100x128xf32, #tpu.memory_space<hbm>> -> memref<2x100x128xf32, #tpu.memory_space<hbm>>
        %dma_start3A_202 = arith.constant 0 : i32
        %dma_start3A_203 = arith.constant 0 : i32
        %dma_start3A_204 = arith.constant 0 : i32
        %dma_start3A_205 = tpu.memref_slice %arg7[%dma_start3A, %dma_start3A_202, %dma_start3A_203, %dma_start3A_204] : memref<4x2x100x128xf32, #tpu.memory_space<vmem>> -> memref<1x2x100x128xf32, #tpu.memory_space<vmem>>
        %dma_start3A_206 = tpu.memref_squeeze %dma_start3A_205 : memref<1x2x100x128xf32, #tpu.memory_space<vmem>> -> memref<2x100x128xf32, #tpu.memory_space<vmem>>
        tpu.enqueue_dma source(%dma_start3A_206 : memref<2x100x128xf32, #tpu.memory_space<vmem>>) target(%dma_start3A_201 : memref<2x100x128xf32, #tpu.memory_space<hbm>>) target_semaphore(%arg19 : memref<!tpu.dma_semaphore, #tpu.memory_space<semaphore_mem>>)
      } else {
      }
      %mul3A_37 = arith.constant 4 : i32
      %mul3A_38 = arith.muli %scan3A_8, %mul3A_37 : i32
      %add3A_39 = arith.constant 1 : i32
      %add3A_40 = arith.addi %mul3A_38, %add3A_39 : i32
      %ge3A_41 = arith.constant 4 : i32
      %ge3A_42 = arith.cmpi sge, %add3A_40, %ge3A_41 : i32
      %lt3A_43 = arith.constant 260 : i32
      %lt3A_44 = arith.cmpi slt, %add3A_40, %lt3A_43 : i32
      %and3A_45 = arith.andi %ge3A_42, %lt3A_44 : i1
      %convert_element_type3A_46 = arith.extui %and3A_45 : i1 to i32
      %cond3A_47 = arith.constant 0 : i32
      %cond3A_48 = arith.cmpi ne, %convert_element_type3A_46, %cond3A_47 : i32
      scf.if %cond3A_48 {
        %sub3A = arith.constant 4 : i32
        %sub3A_136 = arith.subi %add3A_40, %sub3A : i32
        %mul3A_137 = arith.constant 2 : i32
        %mul3A_138 = arith.muli %sub3A_136, %mul3A_137 : i32
        %add3A_139 = arith.addi %mul3A_2, %mul3A_138 : i32
        %dma_wait3A = arith.constant 1 : i32
        %dma_wait3A_140 = arith.constant 0 : i32
        %dma_wait3A_141 = arith.constant 0 : i32
        %dma_wait3A_142 = arith.constant 0 : i32
        %dma_wait3A_143 = tpu.memref_slice %arg7[%dma_wait3A, %dma_wait3A_140, %dma_wait3A_141, %dma_wait3A_142] : memref<4x2x100x128xf32, #tpu.memory_space<vmem>> -> memref<1x2x100x128xf32, #tpu.memory_space<vmem>>
        %dma_wait3A_144 = tpu.memref_squeeze %dma_wait3A_143 : memref<1x2x100x128xf32, #tpu.memory_space<vmem>> -> memref<2x100x128xf32, #tpu.memory_space<vmem>>
        %dma_wait3A_145 = arith.constant 0 : i32
        %dma_wait3A_146 = arith.constant 0 : i32
        %dma_wait3A_147 = tpu.memref_slice %arg5[%add3A_139, %dma_wait3A_145, %dma_wait3A_146] : memref<16384x100x128xf32, #tpu.memory_space<hbm>> -> memref<2x100x128xf32, #tpu.memory_space<hbm>>
        %dma_wait3A_148 = arith.constant 0 : i32
        %dma_wait3A_149 = arith.constant 0 : i32
        %dma_wait3A_150 = tpu.memref_slice %arg5[%add3A_139, %dma_wait3A_148, %dma_wait3A_149] : memref<16384x100x128xf32, #tpu.memory_space<hbm>> -> memref<2x100x128xf32, #tpu.memory_space<hbm>>
        %dma_wait3A_151 = arith.constant 0 : i32
        %dma_wait3A_152 = arith.constant 0 : i32
        %dma_wait3A_153 = arith.constant 0 : i32
        %dma_wait3A_154 = tpu.memref_slice %arg7[%dma_wait3A, %dma_wait3A_151, %dma_wait3A_152, %dma_wait3A_153] : memref<4x2x100x128xf32, #tpu.memory_space<vmem>> -> memref<1x2x100x128xf32, #tpu.memory_space<vmem>>
        %dma_wait3A_155 = tpu.memref_squeeze %dma_wait3A_154 : memref<1x2x100x128xf32, #tpu.memory_space<vmem>> -> memref<2x100x128xf32, #tpu.memory_space<vmem>>
        tpu.wait_dma2 semaphore(%arg18 : memref<!tpu.dma_semaphore, #tpu.memory_space<semaphore_mem>>) src(%dma_wait3A_155 : memref<2x100x128xf32, #tpu.memory_space<vmem>>) dst(%dma_wait3A_150 : memref<2x100x128xf32, #tpu.memory_space<hbm>>)
      } else {
      }
      %lt3A_49 = arith.constant 256 : i32
      %lt3A_50 = arith.cmpi slt, %add3A_40, %lt3A_49 : i32
      %convert_element_type3A_51 = arith.extui %lt3A_50 : i1 to i32
      %cond3A_52 = arith.constant 0 : i32
      %cond3A_53 = arith.cmpi ne, %convert_element_type3A_51, %cond3A_52 : i32
      scf.if %cond3A_53 {
        %mul3A_136 = arith.constant 2 : i32
        %mul3A_137 = arith.muli %add3A_40, %mul3A_136 : i32
        %add3A_138 = arith.addi %mul3A_2, %mul3A_137 : i32
        %dma_start3A = arith.constant 1 : i32
        %dma_start3A_139 = arith.constant 0 : i32
        %dma_start3A_140 = arith.constant 0 : i32
        %dma_start3A_141 = tpu.memref_slice %arg6[%dma_start3A, %dma_start3A_139, %dma_start3A_140] : memref<4x2x100xi32, #tpu.memory_space<vmem>> -> memref<1x2x100xi32, #tpu.memory_space<vmem>>
        %dma_start3A_142 = tpu.memref_squeeze %dma_start3A_141 : memref<1x2x100xi32, #tpu.memory_space<vmem>> -> memref<2x100xi32, #tpu.memory_space<vmem>>
        %dma_start3A_143 = arith.constant 0 : i32
        %dma_start3A_144 = tpu.memref_slice %arg4[%add3A_138, %dma_start3A_143] : memref<16384x100xi32, #tpu.memory_space<hbm>> -> memref<2x100xi32, #tpu.memory_space<hbm>>
        %dma_start3A_145 = arith.constant 0 : i32
        %dma_start3A_146 = arith.constant 0 : i32
        %dma_start3A_147 = tpu.memref_slice %arg6[%dma_start3A, %dma_start3A_145, %dma_start3A_146] : memref<4x2x100xi32, #tpu.memory_space<vmem>> -> memref<1x2x100xi32, #tpu.memory_space<vmem>>
        %dma_start3A_148 = tpu.memref_squeeze %dma_start3A_147 : memref<1x2x100xi32, #tpu.memory_space<vmem>> -> memref<2x100xi32, #tpu.memory_space<vmem>>
        %dma_start3A_149 = arith.constant 0 : i32
        %dma_start3A_150 = tpu.memref_slice %arg4[%add3A_138, %dma_start3A_149] : memref<16384x100xi32, #tpu.memory_space<hbm>> -> memref<2x100xi32, #tpu.memory_space<hbm>>
        tpu.enqueue_dma source(%dma_start3A_150 : memref<2x100xi32, #tpu.memory_space<hbm>>) target(%dma_start3A_148 : memref<2x100xi32, #tpu.memory_space<vmem>>) target_semaphore(%arg10 : memref<!tpu.dma_semaphore, #tpu.memory_space<semaphore_mem>>)
      } else {
      }
      %ge3A_54 = arith.constant 1 : i32
      %ge3A_55 = arith.cmpi sge, %add3A_40, %ge3A_54 : i32
      %lt3A_56 = arith.constant 257 : i32
      %lt3A_57 = arith.cmpi slt, %add3A_40, %lt3A_56 : i32
      %and3A_58 = arith.andi %ge3A_55, %lt3A_57 : i1
      %convert_element_type3A_59 = arith.extui %and3A_58 : i1 to i32
      %cond3A_60 = arith.constant 0 : i32
      %cond3A_61 = arith.cmpi ne, %convert_element_type3A_59, %cond3A_60 : i32
      scf.if %cond3A_61 {
        %sub3A = arith.constant 1 : i32
        %sub3A_136 = arith.subi %add3A_40, %sub3A : i32
        %mul3A_137 = arith.constant 2 : i32
        %mul3A_138 = arith.muli %sub3A_136, %mul3A_137 : i32
        %add3A_139 = arith.addi %mul3A_2, %mul3A_138 : i32
        %dma_wait3A = arith.constant 0 : i32
        %dma_wait3A_140 = arith.constant 0 : i32
        %dma_wait3A_141 = arith.constant 0 : i32
        %dma_wait3A_142 = tpu.memref_slice %arg6[%dma_wait3A, %dma_wait3A_140, %dma_wait3A_141] : memref<4x2x100xi32, #tpu.memory_space<vmem>> -> memref<1x2x100xi32, #tpu.memory_space<vmem>>
        %dma_wait3A_143 = tpu.memref_squeeze %dma_wait3A_142 : memref<1x2x100xi32, #tpu.memory_space<vmem>> -> memref<2x100xi32, #tpu.memory_space<vmem>>
        %dma_wait3A_144 = arith.constant 0 : i32
        %dma_wait3A_145 = tpu.memref_slice %arg4[%add3A_139, %dma_wait3A_144] : memref<16384x100xi32, #tpu.memory_space<hbm>> -> memref<2x100xi32, #tpu.memory_space<hbm>>
        %dma_wait3A_146 = arith.constant 0 : i32
        %dma_wait3A_147 = arith.constant 0 : i32
        %dma_wait3A_148 = tpu.memref_slice %arg6[%dma_wait3A, %dma_wait3A_146, %dma_wait3A_147] : memref<4x2x100xi32, #tpu.memory_space<vmem>> -> memref<1x2x100xi32, #tpu.memory_space<vmem>>
        %dma_wait3A_149 = tpu.memref_squeeze %dma_wait3A_148 : memref<1x2x100xi32, #tpu.memory_space<vmem>> -> memref<2x100xi32, #tpu.memory_space<vmem>>
        %dma_wait3A_150 = arith.constant 0 : i32
        %dma_wait3A_151 = tpu.memref_slice %arg4[%add3A_139, %dma_wait3A_150] : memref<16384x100xi32, #tpu.memory_space<hbm>> -> memref<2x100xi32, #tpu.memory_space<hbm>>
        tpu.wait_dma2 semaphore(%arg9 : memref<!tpu.dma_semaphore, #tpu.memory_space<semaphore_mem>>) src(%dma_wait3A_151 : memref<2x100xi32, #tpu.memory_space<hbm>>) dst(%dma_wait3A_149 : memref<2x100xi32, #tpu.memory_space<vmem>>)
        %dma_wait3A_152 = arith.constant 0 : i32
        %dma_wait3A_153 = arith.constant 0 : i32
        %dma_wait3A_154 = arith.constant 0 : i32
        %dma_wait3A_155 = arith.constant 0 : i32
        %dma_wait3A_156 = arith.constant 0 : i32
        %dma_wait3A_157 = tpu.memref_slice %arg7[%dma_wait3A_152, %dma_wait3A_154, %dma_wait3A_155, %dma_wait3A_156] : memref<4x2x100x128xf32, #tpu.memory_space<vmem>> -> memref<1x2x100x128xf32, #tpu.memory_space<vmem>>
        %dma_wait3A_158 = tpu.memref_squeeze %dma_wait3A_157 : memref<1x2x100x128xf32, #tpu.memory_space<vmem>> -> memref<2x100x128xf32, #tpu.memory_space<vmem>>
        %dma_wait3A_159 = arith.constant 0 : i32
        %dma_wait3A_160 = arith.constant 0 : i32
        %dma_wait3A_161 = tpu.memref_slice %dma_wait3A_158[%dma_wait3A_153, %dma_wait3A_159, %dma_wait3A_160] : memref<2x100x128xf32, #tpu.memory_space<vmem>> -> memref<1x100x128xf32, #tpu.memory_space<vmem>>
        %dma_wait3A_162 = tpu.memref_squeeze %dma_wait3A_161 : memref<1x100x128xf32, #tpu.memory_space<vmem>> -> memref<100x128xf32, #tpu.memory_space<vmem>>
        %dma_wait3A_163 = arith.constant 0 : i32
        %dma_wait3A_164 = arith.constant 0 : i32
        %dma_wait3A_165 = tpu.memref_slice %arg3[%add3A, %dma_wait3A_163, %dma_wait3A_164] : memref<32x100x128xf32, #tpu.memory_space<hbm>> -> memref<1x100x128xf32, #tpu.memory_space<hbm>>
        %dma_wait3A_166 = tpu.memref_squeeze %dma_wait3A_165 : memref<1x100x128xf32, #tpu.memory_space<hbm>> -> memref<100x128xf32, #tpu.memory_space<hbm>>
        %dma_wait3A_167 = arith.constant 0 : i32
        %dma_wait3A_168 = arith.constant 0 : i32
        %dma_wait3A_169 = arith.constant 0 : i32
        %dma_wait3A_170 = tpu.memref_slice %arg7[%dma_wait3A_152, %dma_wait3A_167, %dma_wait3A_168, %dma_wait3A_169] : memref<4x2x100x128xf32, #tpu.memory_space<vmem>> -> memref<1x2x100x128xf32, #tpu.memory_space<vmem>>
        %dma_wait3A_171 = tpu.memref_squeeze %dma_wait3A_170 : memref<1x2x100x128xf32, #tpu.memory_space<vmem>> -> memref<2x100x128xf32, #tpu.memory_space<vmem>>
        %dma_wait3A_172 = arith.constant 0 : i32
        %dma_wait3A_173 = arith.constant 0 : i32
        %dma_wait3A_174 = tpu.memref_slice %dma_wait3A_171[%dma_wait3A_153, %dma_wait3A_172, %dma_wait3A_173] : memref<2x100x128xf32, #tpu.memory_space<vmem>> -> memref<1x100x128xf32, #tpu.memory_space<vmem>>
        %dma_wait3A_175 = tpu.memref_squeeze %dma_wait3A_174 : memref<1x100x128xf32, #tpu.memory_space<vmem>> -> memref<100x128xf32, #tpu.memory_space<vmem>>
        %dma_wait3A_176 = arith.constant 0 : i32
        %dma_wait3A_177 = arith.constant 0 : i32
        %dma_wait3A_178 = tpu.memref_slice %arg3[%add3A, %dma_wait3A_176, %dma_wait3A_177] : memref<32x100x128xf32, #tpu.memory_space<hbm>> -> memref<1x100x128xf32, #tpu.memory_space<hbm>>
        %dma_wait3A_179 = tpu.memref_squeeze %dma_wait3A_178 : memref<1x100x128xf32, #tpu.memory_space<hbm>> -> memref<100x128xf32, #tpu.memory_space<hbm>>
        tpu.wait_dma2 semaphore(%arg9 : memref<!tpu.dma_semaphore, #tpu.memory_space<semaphore_mem>>) src(%dma_wait3A_179 : memref<100x128xf32, #tpu.memory_space<hbm>>) dst(%dma_wait3A_175 : memref<100x128xf32, #tpu.memory_space<vmem>>)
        %dma_start3A = arith.constant 0 : i32
        %dma_start3A_180 = arith.constant 0 : i32
        %dma_start3A_181 = arith.constant 0 : i32
        %dma_start3A_182 = arith.constant 0 : i32
        %dma_start3A_183 = arith.constant 0 : i32
        %dma_start3A_184 = arith.constant 0 : i32
        %dma_start3A_185 = arith.constant 0 : i32
        %dma_start3A_186 = tpu.memref_slice %arg7[%dma_start3A_181, %dma_start3A_183, %dma_start3A_184, %dma_start3A_185] : memref<4x2x100x128xf32, #tpu.memory_space<vmem>> -> memref<1x2x100x128xf32, #tpu.memory_space<vmem>>
        %dma_start3A_187 = tpu.memref_squeeze %dma_start3A_186 : memref<1x2x100x128xf32, #tpu.memory_space<vmem>> -> memref<2x100x128xf32, #tpu.memory_space<vmem>>
        %dma_start3A_188 = arith.constant 0 : i32
        %dma_start3A_189 = arith.constant 0 : i32
        %dma_start3A_190 = tpu.memref_slice %dma_start3A_187[%dma_start3A_182, %dma_start3A_188, %dma_start3A_189] : memref<2x100x128xf32, #tpu.memory_space<vmem>> -> memref<1x100x128xf32, #tpu.memory_space<vmem>>
        %dma_start3A_191 = tpu.memref_squeeze %dma_start3A_190 : memref<1x100x128xf32, #tpu.memory_space<vmem>> -> memref<100x128xf32, #tpu.memory_space<vmem>>
        %dma_start3A_192 = arith.constant 0 : i32
        %dma_start3A_193 = arith.constant 0 : i32
        %dma_start3A_194 = tpu.memref_slice %arg6[%dma_start3A, %dma_start3A_192, %dma_start3A_193] : memref<4x2x100xi32, #tpu.memory_space<vmem>> -> memref<1x2x100xi32, #tpu.memory_space<vmem>>
        %dma_start3A_195 = tpu.memref_squeeze %dma_start3A_194 : memref<1x2x100xi32, #tpu.memory_space<vmem>> -> memref<2x100xi32, #tpu.memory_space<vmem>>
        %dma_start3A_196 = arith.constant 0 : i32
        %dma_start3A_197 = tpu.memref_slice %dma_start3A_195[%dma_start3A_180, %dma_start3A_196] : memref<2x100xi32, #tpu.memory_space<vmem>> -> memref<1x100xi32, #tpu.memory_space<vmem>>
        %dma_start3A_198 = tpu.memref_squeeze %dma_start3A_197 : memref<1x100xi32, #tpu.memory_space<vmem>> -> memref<100xi32, #tpu.memory_space<vmem>>
        %dma_start3A_199 = arith.constant 0 : i32
        %dma_start3A_200 = arith.constant 0 : i32
        %dma_start3A_201 = tpu.memref_slice %arg2[%dma_start3A_199, %dma_start3A_200] : memref<100000x128xf32, #tpu.memory_space<hbm>> -> memref<100000x128xf32, #tpu.memory_space<hbm>>
        tpu.enqueue_indirect_dma source(%dma_start3A_201 : memref<100000x128xf32, #tpu.memory_space<hbm>>) target(%dma_start3A_191 : memref<100x128xf32, #tpu.memory_space<vmem>>) offsets(%dma_start3A_198 : memref<100xi32, #tpu.memory_space<vmem>>) semaphore(%arg13 : memref<!tpu.dma_semaphore, #tpu.memory_space<semaphore_mem>>) {add = true}
        %dma_start3A_202 = arith.constant 0 : i32
        %dma_start3A_203 = arith.constant 1 : i32
        %dma_start3A_204 = arith.constant 0 : i32
        %dma_start3A_205 = arith.constant 1 : i32
        %dma_start3A_206 = arith.constant 0 : i32
        %dma_start3A_207 = arith.constant 0 : i32
        %dma_start3A_208 = arith.constant 0 : i32
        %dma_start3A_209 = tpu.memref_slice %arg7[%dma_start3A_204, %dma_start3A_206, %dma_start3A_207, %dma_start3A_208] : memref<4x2x100x128xf32, #tpu.memory_space<vmem>> -> memref<1x2x100x128xf32, #tpu.memory_space<vmem>>
        %dma_start3A_210 = tpu.memref_squeeze %dma_start3A_209 : memref<1x2x100x128xf32, #tpu.memory_space<vmem>> -> memref<2x100x128xf32, #tpu.memory_space<vmem>>
        %dma_start3A_211 = arith.constant 0 : i32
        %dma_start3A_212 = arith.constant 0 : i32
        %dma_start3A_213 = tpu.memref_slice %dma_start3A_210[%dma_start3A_205, %dma_start3A_211, %dma_start3A_212] : memref<2x100x128xf32, #tpu.memory_space<vmem>> -> memref<1x100x128xf32, #tpu.memory_space<vmem>>
        %dma_start3A_214 = tpu.memref_squeeze %dma_start3A_213 : memref<1x100x128xf32, #tpu.memory_space<vmem>> -> memref<100x128xf32, #tpu.memory_space<vmem>>
        %dma_start3A_215 = arith.constant 0 : i32
        %dma_start3A_216 = arith.constant 0 : i32
        %dma_start3A_217 = tpu.memref_slice %arg6[%dma_start3A_202, %dma_start3A_215, %dma_start3A_216] : memref<4x2x100xi32, #tpu.memory_space<vmem>> -> memref<1x2x100xi32, #tpu.memory_space<vmem>>
        %dma_start3A_218 = tpu.memref_squeeze %dma_start3A_217 : memref<1x2x100xi32, #tpu.memory_space<vmem>> -> memref<2x100xi32, #tpu.memory_space<vmem>>
        %dma_start3A_219 = arith.constant 0 : i32
        %dma_start3A_220 = tpu.memref_slice %dma_start3A_218[%dma_start3A_203, %dma_start3A_219] : memref<2x100xi32, #tpu.memory_space<vmem>> -> memref<1x100xi32, #tpu.memory_space<vmem>>
        %dma_start3A_221 = tpu.memref_squeeze %dma_start3A_220 : memref<1x100xi32, #tpu.memory_space<vmem>> -> memref<100xi32, #tpu.memory_space<vmem>>
        %dma_start3A_222 = arith.constant 0 : i32
        %dma_start3A_223 = arith.constant 0 : i32
        %dma_start3A_224 = tpu.memref_slice %arg2[%dma_start3A_222, %dma_start3A_223] : memref<100000x128xf32, #tpu.memory_space<hbm>> -> memref<100000x128xf32, #tpu.memory_space<hbm>>
        tpu.enqueue_indirect_dma source(%dma_start3A_224 : memref<100000x128xf32, #tpu.memory_space<hbm>>) target(%dma_start3A_214 : memref<100x128xf32, #tpu.memory_space<vmem>>) offsets(%dma_start3A_221 : memref<100xi32, #tpu.memory_space<vmem>>) semaphore(%arg13 : memref<!tpu.dma_semaphore, #tpu.memory_space<semaphore_mem>>)
      } else {
      }
      %ge3A_62 = arith.constant 2 : i32
      %ge3A_63 = arith.cmpi sge, %add3A_40, %ge3A_62 : i32
      %lt3A_64 = arith.constant 258 : i32
      %lt3A_65 = arith.cmpi slt, %add3A_40, %lt3A_64 : i32
      %and3A_66 = arith.andi %ge3A_63, %lt3A_65 : i1
      %convert_element_type3A_67 = arith.extui %and3A_66 : i1 to i32
      %cond3A_68 = arith.constant 0 : i32
      %cond3A_69 = arith.cmpi ne, %convert_element_type3A_67, %cond3A_68 : i32
      scf.if %cond3A_69 {
        %dma_wait3A = arith.constant 3 : i32
        %dma_wait3A_136 = arith.constant 0 : i32
        %dma_wait3A_137 = arith.constant 3 : i32
        %dma_wait3A_138 = arith.constant 0 : i32
        %dma_wait3A_139 = arith.constant 0 : i32
        %dma_wait3A_140 = arith.constant 0 : i32
        %dma_wait3A_141 = arith.constant 0 : i32
        %dma_wait3A_142 = tpu.memref_slice %arg7[%dma_wait3A_137, %dma_wait3A_139, %dma_wait3A_140, %dma_wait3A_141] : memref<4x2x100x128xf32, #tpu.memory_space<vmem>> -> memref<1x2x100x128xf32, #tpu.memory_space<vmem>>
        %dma_wait3A_143 = tpu.memref_squeeze %dma_wait3A_142 : memref<1x2x100x128xf32, #tpu.memory_space<vmem>> -> memref<2x100x128xf32, #tpu.memory_space<vmem>>
        %dma_wait3A_144 = arith.constant 0 : i32
        %dma_wait3A_145 = arith.constant 0 : i32
        %dma_wait3A_146 = tpu.memref_slice %dma_wait3A_143[%dma_wait3A_138, %dma_wait3A_144, %dma_wait3A_145] : memref<2x100x128xf32, #tpu.memory_space<vmem>> -> memref<1x100x128xf32, #tpu.memory_space<vmem>>
        %dma_wait3A_147 = tpu.memref_squeeze %dma_wait3A_146 : memref<1x100x128xf32, #tpu.memory_space<vmem>> -> memref<100x128xf32, #tpu.memory_space<vmem>>
        %dma_wait3A_148 = arith.constant 0 : i32
        %dma_wait3A_149 = arith.constant 0 : i32
        %dma_wait3A_150 = tpu.memref_slice %arg6[%dma_wait3A, %dma_wait3A_148, %dma_wait3A_149] : memref<4x2x100xi32, #tpu.memory_space<vmem>> -> memref<1x2x100xi32, #tpu.memory_space<vmem>>
        %dma_wait3A_151 = tpu.memref_squeeze %dma_wait3A_150 : memref<1x2x100xi32, #tpu.memory_space<vmem>> -> memref<2x100xi32, #tpu.memory_space<vmem>>
        %dma_wait3A_152 = arith.constant 0 : i32
        %dma_wait3A_153 = tpu.memref_slice %dma_wait3A_151[%dma_wait3A_136, %dma_wait3A_152] : memref<2x100xi32, #tpu.memory_space<vmem>> -> memref<1x100xi32, #tpu.memory_space<vmem>>
        %dma_wait3A_154 = tpu.memref_squeeze %dma_wait3A_153 : memref<1x100xi32, #tpu.memory_space<vmem>> -> memref<100xi32, #tpu.memory_space<vmem>>
        %dma_wait3A_155 = arith.constant 0 : i32
        %dma_wait3A_156 = arith.constant 0 : i32
        %dma_wait3A_157 = tpu.memref_slice %arg2[%dma_wait3A_155, %dma_wait3A_156] : memref<100000x128xf32, #tpu.memory_space<hbm>> -> memref<100000x128xf32, #tpu.memory_space<hbm>>
        tpu.wait_indirect_dma semaphore(%arg16 : memref<!tpu.dma_semaphore, #tpu.memory_space<semaphore_mem>>) src(%dma_wait3A_157 : memref<100000x128xf32, #tpu.memory_space<hbm>>) dst(%dma_wait3A_147 : memref<100x128xf32, #tpu.memory_space<vmem>>)
        %dma_wait3A_158 = arith.constant 3 : i32
        %dma_wait3A_159 = arith.constant 1 : i32
        %dma_wait3A_160 = arith.constant 3 : i32
        %dma_wait3A_161 = arith.constant 1 : i32
        %dma_wait3A_162 = arith.constant 0 : i32
        %dma_wait3A_163 = arith.constant 0 : i32
        %dma_wait3A_164 = arith.constant 0 : i32
        %dma_wait3A_165 = tpu.memref_slice %arg7[%dma_wait3A_160, %dma_wait3A_162, %dma_wait3A_163, %dma_wait3A_164] : memref<4x2x100x128xf32, #tpu.memory_space<vmem>> -> memref<1x2x100x128xf32, #tpu.memory_space<vmem>>
        %dma_wait3A_166 = tpu.memref_squeeze %dma_wait3A_165 : memref<1x2x100x128xf32, #tpu.memory_space<vmem>> -> memref<2x100x128xf32, #tpu.memory_space<vmem>>
        %dma_wait3A_167 = arith.constant 0 : i32
        %dma_wait3A_168 = arith.constant 0 : i32
        %dma_wait3A_169 = tpu.memref_slice %dma_wait3A_166[%dma_wait3A_161, %dma_wait3A_167, %dma_wait3A_168] : memref<2x100x128xf32, #tpu.memory_space<vmem>> -> memref<1x100x128xf32, #tpu.memory_space<vmem>>
        %dma_wait3A_170 = tpu.memref_squeeze %dma_wait3A_169 : memref<1x100x128xf32, #tpu.memory_space<vmem>> -> memref<100x128xf32, #tpu.memory_space<vmem>>
        %dma_wait3A_171 = arith.constant 0 : i32
        %dma_wait3A_172 = arith.constant 0 : i32
        %dma_wait3A_173 = tpu.memref_slice %arg6[%dma_wait3A_158, %dma_wait3A_171, %dma_wait3A_172] : memref<4x2x100xi32, #tpu.memory_space<vmem>> -> memref<1x2x100xi32, #tpu.memory_space<vmem>>
        %dma_wait3A_174 = tpu.memref_squeeze %dma_wait3A_173 : memref<1x2x100xi32, #tpu.memory_space<vmem>> -> memref<2x100xi32, #tpu.memory_space<vmem>>
        %dma_wait3A_175 = arith.constant 0 : i32
        %dma_wait3A_176 = tpu.memref_slice %dma_wait3A_174[%dma_wait3A_159, %dma_wait3A_175] : memref<2x100xi32, #tpu.memory_space<vmem>> -> memref<1x100xi32, #tpu.memory_space<vmem>>
        %dma_wait3A_177 = tpu.memref_squeeze %dma_wait3A_176 : memref<1x100xi32, #tpu.memory_space<vmem>> -> memref<100xi32, #tpu.memory_space<vmem>>
        %dma_wait3A_178 = arith.constant 0 : i32
        %dma_wait3A_179 = arith.constant 0 : i32
        %dma_wait3A_180 = tpu.memref_slice %arg2[%dma_wait3A_178, %dma_wait3A_179] : memref<100000x128xf32, #tpu.memory_space<hbm>> -> memref<100000x128xf32, #tpu.memory_space<hbm>>
        tpu.wait_indirect_dma semaphore(%arg16 : memref<!tpu.dma_semaphore, #tpu.memory_space<semaphore_mem>>) src(%dma_wait3A_180 : memref<100000x128xf32, #tpu.memory_space<hbm>>) dst(%dma_wait3A_170 : memref<100x128xf32, #tpu.memory_space<vmem>>)
        %scan3A_181 = arith.constant 0 : i32
        %scan3A_182 = arith.constant 0 : i32
        %scan3A_183 = arith.constant 100 : i32
        %scan3A_184 = arith.addi %scan3A_182, %scan3A_183 : i32
        %scan3A_185 = arith.constant 1 : i32
        scf.for %scan3A_207 = %scan3A_182 to %scan3A_184 step %scan3A_185  : i32 {
          %get3A = arith.constant 3 : i32
          %get3A_208 = arith.constant 0 : i32
          %get3A_209 = arith.index_cast %get3A : i32 to index
          %get3A_210 = arith.index_cast %get3A_208 : i32 to index
          %get3A_211 = arith.index_cast %scan3A_207 : i32 to index
          %get3A_212 = arith.constant 0 : index
          %get3A_213 = tpu.vector_load %arg7[%get3A_209, %get3A_210, %get3A_211, %get3A_212] {strides = array<i32>} : memref<4x2x100x128xf32, #tpu.memory_space<vmem>>, vector<1x1x1x16xf32>,
          %get3A_214 = vector.shape_cast %get3A_213 : vector<1x1x1x16xf32> to vector<16xf32>
          %get3A_215 = arith.index_cast %scan3A_207 : i32 to index
          %get3A_216 = arith.constant 0 : index
          %get3A_217 = tpu.vector_load %arg8[%get3A_215, %get3A_216] {strides = array<i32>} : memref<100x128xf32, #tpu.memory_space<vmem>>, vector<1x16xf32>,
          %get3A_218 = vector.shape_cast %get3A_217 : vector<1x16xf32> to vector<16xf32>
          %add3A_219 = arith.addf %get3A_214, %get3A_218 : vector<16xf32>
          %swap3A = arith.constant 3 : i32
          %swap3A_220 = arith.constant 0 : i32
          %swap3A_221 = arith.index_cast %swap3A : i32 to index
          %swap3A_222 = arith.index_cast %swap3A_220 : i32 to index
          %swap3A_223 = arith.index_cast %scan3A_207 : i32 to index
          %swap3A_224 = arith.constant 0 : index
          %swap3A_225 = tpu.vector_load %arg7[%swap3A_221, %swap3A_222, %swap3A_223, %swap3A_224] {strides = array<i32>} : memref<4x2x100x128xf32, #tpu.memory_space<vmem>>, vector<1x1x1x16xf32>,
          %swap3A_226 = vector.shape_cast %swap3A_225 : vector<1x1x1x16xf32> to vector<16xf32>
          %swap3A_227 = vector.shape_cast %add3A_219 : vector<16xf32> to vector<1x1x1x16xf32>
          tpu.vector_store %arg7[%swap3A_221, %swap3A_222, %swap3A_223, %swap3A_224], %swap3A_227 {strides = array<i32>} : memref<4x2x100x128xf32, #tpu.memory_space<vmem>>, vector<1x1x1x16xf32>,
          %get3A_228 = arith.constant 3 : i32
          %get3A_229 = arith.constant 0 : i32
          %get3A_230 = arith.index_cast %get3A_228 : i32 to index
          %get3A_231 = arith.index_cast %get3A_229 : i32 to index
          %get3A_232 = arith.index_cast %scan3A_207 : i32 to index
          %get3A_233 = arith.constant 16 : index
          %get3A_234 = tpu.vector_load %arg7[%get3A_230, %get3A_231, %get3A_232, %get3A_233] {strides = array<i32>} : memref<4x2x100x128xf32, #tpu.memory_space<vmem>>, vector<1x1x1x16xf32>,
          %get3A_235 = vector.shape_cast %get3A_234 : vector<1x1x1x16xf32> to vector<16xf32>
          %get3A_236 = arith.index_cast %scan3A_207 : i32 to index
          %get3A_237 = arith.constant 16 : index
          %get3A_238 = tpu.vector_load %arg8[%get3A_236, %get3A_237] {strides = array<i32>} : memref<100x128xf32, #tpu.memory_space<vmem>>, vector<1x16xf32>,
          %get3A_239 = vector.shape_cast %get3A_238 : vector<1x16xf32> to vector<16xf32>
          %add3A_240 = arith.addf %get3A_235, %get3A_239 : vector<16xf32>
          %swap3A_241 = arith.constant 3 : i32
          %swap3A_242 = arith.constant 0 : i32
          %swap3A_243 = arith.index_cast %swap3A_241 : i32 to index
          %swap3A_244 = arith.index_cast %swap3A_242 : i32 to index
          %swap3A_245 = arith.index_cast %scan3A_207 : i32 to index
          %swap3A_246 = arith.constant 16 : index
          %swap3A_247 = tpu.vector_load %arg7[%swap3A_243, %swap3A_244, %swap3A_245, %swap3A_246] {strides = array<i32>} : memref<4x2x100x128xf32, #tpu.memory_space<vmem>>, vector<1x1x1x16xf32>,
          %swap3A_248 = vector.shape_cast %swap3A_247 : vector<1x1x1x16xf32> to vector<16xf32>
          %swap3A_249 = vector.shape_cast %add3A_240 : vector<16xf32> to vector<1x1x1x16xf32>
          tpu.vector_store %arg7[%swap3A_243, %swap3A_244, %swap3A_245, %swap3A_246], %swap3A_249 {strides = array<i32>} : memref<4x2x100x128xf32, #tpu.memory_space<vmem>>, vector<1x1x1x16xf32>,
          %get3A_250 = arith.constant 3 : i32
          %get3A_251 = arith.constant 0 : i32
          %get3A_252 = arith.index_cast %get3A_250 : i32 to index
          %get3A_253 = arith.index_cast %get3A_251 : i32 to index
          %get3A_254 = arith.index_cast %scan3A_207 : i32 to index
          %get3A_255 = arith.constant 32 : index
          %get3A_256 = tpu.vector_load %arg7[%get3A_252, %get3A_253, %get3A_254, %get3A_255] {strides = array<i32>} : memref<4x2x100x128xf32, #tpu.memory_space<vmem>>, vector<1x1x1x16xf32>,
          %get3A_257 = vector.shape_cast %get3A_256 : vector<1x1x1x16xf32> to vector<16xf32>
          %get3A_258 = arith.index_cast %scan3A_207 : i32 to index
          %get3A_259 = arith.constant 32 : index
          %get3A_260 = tpu.vector_load %arg8[%get3A_258, %get3A_259] {strides = array<i32>} : memref<100x128xf32, #tpu.memory_space<vmem>>, vector<1x16xf32>,
          %get3A_261 = vector.shape_cast %get3A_260 : vector<1x16xf32> to vector<16xf32>
          %add3A_262 = arith.addf %get3A_257, %get3A_261 : vector<16xf32>
          %swap3A_263 = arith.constant 3 : i32
          %swap3A_264 = arith.constant 0 : i32
          %swap3A_265 = arith.index_cast %swap3A_263 : i32 to index
          %swap3A_266 = arith.index_cast %swap3A_264 : i32 to index
          %swap3A_267 = arith.index_cast %scan3A_207 : i32 to index
          %swap3A_268 = arith.constant 32 : index
          %swap3A_269 = tpu.vector_load %arg7[%swap3A_265, %swap3A_266, %swap3A_267, %swap3A_268] {strides = array<i32>} : memref<4x2x100x128xf32, #tpu.memory_space<vmem>>, vector<1x1x1x16xf32>,
          %swap3A_270 = vector.shape_cast %swap3A_269 : vector<1x1x1x16xf32> to vector<16xf32>
          %swap3A_271 = vector.shape_cast %add3A_262 : vector<16xf32> to vector<1x1x1x16xf32>
          tpu.vector_store %arg7[%swap3A_265, %swap3A_266, %swap3A_267, %swap3A_268], %swap3A_271 {strides = array<i32>} : memref<4x2x100x128xf32, #tpu.memory_space<vmem>>, vector<1x1x1x16xf32>,
          %get3A_272 = arith.constant 3 : i32
          %get3A_273 = arith.constant 0 : i32
          %get3A_274 = arith.index_cast %get3A_272 : i32 to index
          %get3A_275 = arith.index_cast %get3A_273 : i32 to index
          %get3A_276 = arith.index_cast %scan3A_207 : i32 to index
          %get3A_277 = arith.constant 48 : index
          %get3A_278 = tpu.vector_load %arg7[%get3A_274, %get3A_275, %get3A_276, %get3A_277] {strides = array<i32>} : memref<4x2x100x128xf32, #tpu.memory_space<vmem>>, vector<1x1x1x16xf32>,
          %get3A_279 = vector.shape_cast %get3A_278 : vector<1x1x1x16xf32> to vector<16xf32>
          %get3A_280 = arith.index_cast %scan3A_207 : i32 to index
          %get3A_281 = arith.constant 48 : index
          %get3A_282 = tpu.vector_load %arg8[%get3A_280, %get3A_281] {strides = array<i32>} : memref<100x128xf32, #tpu.memory_space<vmem>>, vector<1x16xf32>,
          %get3A_283 = vector.shape_cast %get3A_282 : vector<1x16xf32> to vector<16xf32>
          %add3A_284 = arith.addf %get3A_279, %get3A_283 : vector<16xf32>
          %swap3A_285 = arith.constant 3 : i32
          %swap3A_286 = arith.constant 0 : i32
          %swap3A_287 = arith.index_cast %swap3A_285 : i32 to index
          %swap3A_288 = arith.index_cast %swap3A_286 : i32 to index
          %swap3A_289 = arith.index_cast %scan3A_207 : i32 to index
          %swap3A_290 = arith.constant 48 : index
          %swap3A_291 = tpu.vector_load %arg7[%swap3A_287, %swap3A_288, %swap3A_289, %swap3A_290] {strides = array<i32>} : memref<4x2x100x128xf32, #tpu.memory_space<vmem>>, vector<1x1x1x16xf32>,
          %swap3A_292 = vector.shape_cast %swap3A_291 : vector<1x1x1x16xf32> to vector<16xf32>
          %swap3A_293 = vector.shape_cast %add3A_284 : vector<16xf32> to vector<1x1x1x16xf32>
          tpu.vector_store %arg7[%swap3A_287, %swap3A_288, %swap3A_289, %swap3A_290], %swap3A_293 {strides = array<i32>} : memref<4x2x100x128xf32, #tpu.memory_space<vmem>>, vector<1x1x1x16xf32>,
          %get3A_294 = arith.constant 3 : i32
          %get3A_295 = arith.constant 0 : i32
          %get3A_296 = arith.index_cast %get3A_294 : i32 to index
          %get3A_297 = arith.index_cast %get3A_295 : i32 to index
          %get3A_298 = arith.index_cast %scan3A_207 : i32 to index
          %get3A_299 = arith.constant 64 : index
          %get3A_300 = tpu.vector_load %arg7[%get3A_296, %get3A_297, %get3A_298, %get3A_299] {strides = array<i32>} : memref<4x2x100x128xf32, #tpu.memory_space<vmem>>, vector<1x1x1x16xf32>,
          %get3A_301 = vector.shape_cast %get3A_300 : vector<1x1x1x16xf32> to vector<16xf32>
          %get3A_302 = arith.index_cast %scan3A_207 : i32 to index
          %get3A_303 = arith.constant 64 : index
          %get3A_304 = tpu.vector_load %arg8[%get3A_302, %get3A_303] {strides = array<i32>} : memref<100x128xf32, #tpu.memory_space<vmem>>, vector<1x16xf32>,
          %get3A_305 = vector.shape_cast %get3A_304 : vector<1x16xf32> to vector<16xf32>
          %add3A_306 = arith.addf %get3A_301, %get3A_305 : vector<16xf32>
          %swap3A_307 = arith.constant 3 : i32
          %swap3A_308 = arith.constant 0 : i32
          %swap3A_309 = arith.index_cast %swap3A_307 : i32 to index
          %swap3A_310 = arith.index_cast %swap3A_308 : i32 to index
          %swap3A_311 = arith.index_cast %scan3A_207 : i32 to index
          %swap3A_312 = arith.constant 64 : index
          %swap3A_313 = tpu.vector_load %arg7[%swap3A_309, %swap3A_310, %swap3A_311, %swap3A_312] {strides = array<i32>} : memref<4x2x100x128xf32, #tpu.memory_space<vmem>>, vector<1x1x1x16xf32>,
          %swap3A_314 = vector.shape_cast %swap3A_313 : vector<1x1x1x16xf32> to vector<16xf32>
          %swap3A_315 = vector.shape_cast %add3A_306 : vector<16xf32> to vector<1x1x1x16xf32>
          tpu.vector_store %arg7[%swap3A_309, %swap3A_310, %swap3A_311, %swap3A_312], %swap3A_315 {strides = array<i32>} : memref<4x2x100x128xf32, #tpu.memory_space<vmem>>, vector<1x1x1x16xf32>,
          %get3A_316 = arith.constant 3 : i32
          %get3A_317 = arith.constant 0 : i32
          %get3A_318 = arith.index_cast %get3A_316 : i32 to index
          %get3A_319 = arith.index_cast %get3A_317 : i32 to index
          %get3A_320 = arith.index_cast %scan3A_207 : i32 to index
          %get3A_321 = arith.constant 80 : index
          %get3A_322 = tpu.vector_load %arg7[%get3A_318, %get3A_319, %get3A_320, %get3A_321] {strides = array<i32>} : memref<4x2x100x128xf32, #tpu.memory_space<vmem>>, vector<1x1x1x16xf32>,
          %get3A_323 = vector.shape_cast %get3A_322 : vector<1x1x1x16xf32> to vector<16xf32>
          %get3A_324 = arith.index_cast %scan3A_207 : i32 to index
          %get3A_325 = arith.constant 80 : index
          %get3A_326 = tpu.vector_load %arg8[%get3A_324, %get3A_325] {strides = array<i32>} : memref<100x128xf32, #tpu.memory_space<vmem>>, vector<1x16xf32>,
          %get3A_327 = vector.shape_cast %get3A_326 : vector<1x16xf32> to vector<16xf32>
          %add3A_328 = arith.addf %get3A_323, %get3A_327 : vector<16xf32>
          %swap3A_329 = arith.constant 3 : i32
          %swap3A_330 = arith.constant 0 : i32
          %swap3A_331 = arith.index_cast %swap3A_329 : i32 to index
          %swap3A_332 = arith.index_cast %swap3A_330 : i32 to index
          %swap3A_333 = arith.index_cast %scan3A_207 : i32 to index
          %swap3A_334 = arith.constant 80 : index
          %swap3A_335 = tpu.vector_load %arg7[%swap3A_331, %swap3A_332, %swap3A_333, %swap3A_334] {strides = array<i32>} : memref<4x2x100x128xf32, #tpu.memory_space<vmem>>, vector<1x1x1x16xf32>,
          %swap3A_336 = vector.shape_cast %swap3A_335 : vector<1x1x1x16xf32> to vector<16xf32>
          %swap3A_337 = vector.shape_cast %add3A_328 : vector<16xf32> to vector<1x1x1x16xf32>
          tpu.vector_store %arg7[%swap3A_331, %swap3A_332, %swap3A_333, %swap3A_334], %swap3A_337 {strides = array<i32>} : memref<4x2x100x128xf32, #tpu.memory_space<vmem>>, vector<1x1x1x16xf32>,
          %get3A_338 = arith.constant 3 : i32
          %get3A_339 = arith.constant 0 : i32
          %get3A_340 = arith.index_cast %get3A_338 : i32 to index
          %get3A_341 = arith.index_cast %get3A_339 : i32 to index
          %get3A_342 = arith.index_cast %scan3A_207 : i32 to index
          %get3A_343 = arith.constant 96 : index
          %get3A_344 = tpu.vector_load %arg7[%get3A_340, %get3A_341, %get3A_342, %get3A_343] {strides = array<i32>} : memref<4x2x100x128xf32, #tpu.memory_space<vmem>>, vector<1x1x1x16xf32>,
          %get3A_345 = vector.shape_cast %get3A_344 : vector<1x1x1x16xf32> to vector<16xf32>
          %get3A_346 = arith.index_cast %scan3A_207 : i32 to index
          %get3A_347 = arith.constant 96 : index
          %get3A_348 = tpu.vector_load %arg8[%get3A_346, %get3A_347] {strides = array<i32>} : memref<100x128xf32, #tpu.memory_space<vmem>>, vector<1x16xf32>,
          %get3A_349 = vector.shape_cast %get3A_348 : vector<1x16xf32> to vector<16xf32>
          %add3A_350 = arith.addf %get3A_345, %get3A_349 : vector<16xf32>
          %swap3A_351 = arith.constant 3 : i32
          %swap3A_352 = arith.constant 0 : i32
          %swap3A_353 = arith.index_cast %swap3A_351 : i32 to index
          %swap3A_354 = arith.index_cast %swap3A_352 : i32 to index
          %swap3A_355 = arith.index_cast %scan3A_207 : i32 to index
          %swap3A_356 = arith.constant 96 : index
          %swap3A_357 = tpu.vector_load %arg7[%swap3A_353, %swap3A_354, %swap3A_355, %swap3A_356] {strides = array<i32>} : memref<4x2x100x128xf32, #tpu.memory_space<vmem>>, vector<1x1x1x16xf32>,
          %swap3A_358 = vector.shape_cast %swap3A_357 : vector<1x1x1x16xf32> to vector<16xf32>
          %swap3A_359 = vector.shape_cast %add3A_350 : vector<16xf32> to vector<1x1x1x16xf32>
          tpu.vector_store %arg7[%swap3A_353, %swap3A_354, %swap3A_355, %swap3A_356], %swap3A_359 {strides = array<i32>} : memref<4x2x100x128xf32, #tpu.memory_space<vmem>>, vector<1x1x1x16xf32>,
          %get3A_360 = arith.constant 3 : i32
          %get3A_361 = arith.constant 0 : i32
          %get3A_362 = arith.index_cast %get3A_360 : i32 to index
          %get3A_363 = arith.index_cast %get3A_361 : i32 to index
          %get3A_364 = arith.index_cast %scan3A_207 : i32 to index
          %get3A_365 = arith.constant 112 : index
          %get3A_366 = tpu.vector_load %arg7[%get3A_362, %get3A_363, %get3A_364, %get3A_365] {strides = array<i32>} : memref<4x2x100x128xf32, #tpu.memory_space<vmem>>, vector<1x1x1x16xf32>,
          %get3A_367 = vector.shape_cast %get3A_366 : vector<1x1x1x16xf32> to vector<16xf32>
          %get3A_368 = arith.index_cast %scan3A_207 : i32 to index
          %get3A_369 = arith.constant 112 : index
          %get3A_370 = tpu.vector_load %arg8[%get3A_368, %get3A_369] {strides = array<i32>} : memref<100x128xf32, #tpu.memory_space<vmem>>, vector<1x16xf32>,
          %get3A_371 = vector.shape_cast %get3A_370 : vector<1x16xf32> to vector<16xf32>
          %add3A_372 = arith.addf %get3A_367, %get3A_371 : vector<16xf32>
          %swap3A_373 = arith.constant 3 : i32
          %swap3A_374 = arith.constant 0 : i32
          %swap3A_375 = arith.index_cast %swap3A_373 : i32 to index
          %swap3A_376 = arith.index_cast %swap3A_374 : i32 to index
          %swap3A_377 = arith.index_cast %scan3A_207 : i32 to index
          %swap3A_378 = arith.constant 112 : index
          %swap3A_379 = tpu.vector_load %arg7[%swap3A_375, %swap3A_376, %swap3A_377, %swap3A_378] {strides = array<i32>} : memref<4x2x100x128xf32, #tpu.memory_space<vmem>>, vector<1x1x1x16xf32>,
          %swap3A_380 = vector.shape_cast %swap3A_379 : vector<1x1x1x16xf32> to vector<16xf32>
          %swap3A_381 = vector.shape_cast %add3A_372 : vector<16xf32> to vector<1x1x1x16xf32>
          tpu.vector_store %arg7[%swap3A_375, %swap3A_376, %swap3A_377, %swap3A_378], %swap3A_381 {strides = array<i32>} : memref<4x2x100x128xf32, #tpu.memory_space<vmem>>, vector<1x1x1x16xf32>,
          %get3A_382 = arith.constant 3 : i32
          %get3A_383 = arith.constant 1 : i32
          %get3A_384 = arith.index_cast %get3A_382 : i32 to index
          %get3A_385 = arith.index_cast %get3A_383 : i32 to index
          %get3A_386 = arith.index_cast %scan3A_207 : i32 to index
          %get3A_387 = arith.constant 0 : index
          %get3A_388 = tpu.vector_load %arg7[%get3A_384, %get3A_385, %get3A_386, %get3A_387] {strides = array<i32>} : memref<4x2x100x128xf32, #tpu.memory_space<vmem>>, vector<1x1x1x16xf32>,
          %get3A_389 = vector.shape_cast %get3A_388 : vector<1x1x1x16xf32> to vector<16xf32>
          %get3A_390 = arith.index_cast %scan3A_207 : i32 to index
          %get3A_391 = arith.constant 0 : index
          %get3A_392 = tpu.vector_load %arg8[%get3A_390, %get3A_391] {strides = array<i32>} : memref<100x128xf32, #tpu.memory_space<vmem>>, vector<1x16xf32>,
          %get3A_393 = vector.shape_cast %get3A_392 : vector<1x16xf32> to vector<16xf32>
          %add3A_394 = arith.addf %get3A_389, %get3A_393 : vector<16xf32>
          %swap3A_395 = arith.constant 3 : i32
          %swap3A_396 = arith.constant 1 : i32
          %swap3A_397 = arith.index_cast %swap3A_395 : i32 to index
          %swap3A_398 = arith.index_cast %swap3A_396 : i32 to index
          %swap3A_399 = arith.index_cast %scan3A_207 : i32 to index
          %swap3A_400 = arith.constant 0 : index
          %swap3A_401 = tpu.vector_load %arg7[%swap3A_397, %swap3A_398, %swap3A_399, %swap3A_400] {strides = array<i32>} : memref<4x2x100x128xf32, #tpu.memory_space<vmem>>, vector<1x1x1x16xf32>,
          %swap3A_402 = vector.shape_cast %swap3A_401 : vector<1x1x1x16xf32> to vector<16xf32>
          %swap3A_403 = vector.shape_cast %add3A_394 : vector<16xf32> to vector<1x1x1x16xf32>
          tpu.vector_store %arg7[%swap3A_397, %swap3A_398, %swap3A_399, %swap3A_400], %swap3A_403 {strides = array<i32>} : memref<4x2x100x128xf32, #tpu.memory_space<vmem>>, vector<1x1x1x16xf32>,
          %get3A_404 = arith.constant 3 : i32
          %get3A_405 = arith.constant 1 : i32
          %get3A_406 = arith.index_cast %get3A_404 : i32 to index
          %get3A_407 = arith.index_cast %get3A_405 : i32 to index
          %get3A_408 = arith.index_cast %scan3A_207 : i32 to index
          %get3A_409 = arith.constant 16 : index
          %get3A_410 = tpu.vector_load %arg7[%get3A_406, %get3A_407, %get3A_408, %get3A_409] {strides = array<i32>} : memref<4x2x100x128xf32, #tpu.memory_space<vmem>>, vector<1x1x1x16xf32>,
          %get3A_411 = vector.shape_cast %get3A_410 : vector<1x1x1x16xf32> to vector<16xf32>
          %get3A_412 = arith.index_cast %scan3A_207 : i32 to index
          %get3A_413 = arith.constant 16 : index
          %get3A_414 = tpu.vector_load %arg8[%get3A_412, %get3A_413] {strides = array<i32>} : memref<100x128xf32, #tpu.memory_space<vmem>>, vector<1x16xf32>,
          %get3A_415 = vector.shape_cast %get3A_414 : vector<1x16xf32> to vector<16xf32>
          %add3A_416 = arith.addf %get3A_411, %get3A_415 : vector<16xf32>
          %swap3A_417 = arith.constant 3 : i32
          %swap3A_418 = arith.constant 1 : i32
          %swap3A_419 = arith.index_cast %swap3A_417 : i32 to index
          %swap3A_420 = arith.index_cast %swap3A_418 : i32 to index
          %swap3A_421 = arith.index_cast %scan3A_207 : i32 to index
          %swap3A_422 = arith.constant 16 : index
          %swap3A_423 = tpu.vector_load %arg7[%swap3A_419, %swap3A_420, %swap3A_421, %swap3A_422] {strides = array<i32>} : memref<4x2x100x128xf32, #tpu.memory_space<vmem>>, vector<1x1x1x16xf32>,
          %swap3A_424 = vector.shape_cast %swap3A_423 : vector<1x1x1x16xf32> to vector<16xf32>
          %swap3A_425 = vector.shape_cast %add3A_416 : vector<16xf32> to vector<1x1x1x16xf32>
          tpu.vector_store %arg7[%swap3A_419, %swap3A_420, %swap3A_421, %swap3A_422], %swap3A_425 {strides = array<i32>} : memref<4x2x100x128xf32, #tpu.memory_space<vmem>>, vector<1x1x1x16xf32>,
          %get3A_426 = arith.constant 3 : i32
          %get3A_427 = arith.constant 1 : i32
          %get3A_428 = arith.index_cast %get3A_426 : i32 to index
          %get3A_429 = arith.index_cast %get3A_427 : i32 to index
          %get3A_430 = arith.index_cast %scan3A_207 : i32 to index
          %get3A_431 = arith.constant 32 : index
          %get3A_432 = tpu.vector_load %arg7[%get3A_428, %get3A_429, %get3A_430, %get3A_431] {strides = array<i32>} : memref<4x2x100x128xf32, #tpu.memory_space<vmem>>, vector<1x1x1x16xf32>,
          %get3A_433 = vector.shape_cast %get3A_432 : vector<1x1x1x16xf32> to vector<16xf32>
          %get3A_434 = arith.index_cast %scan3A_207 : i32 to index
          %get3A_435 = arith.constant 32 : index
          %get3A_436 = tpu.vector_load %arg8[%get3A_434, %get3A_435] {strides = array<i32>} : memref<100x128xf32, #tpu.memory_space<vmem>>, vector<1x16xf32>,
          %get3A_437 = vector.shape_cast %get3A_436 : vector<1x16xf32> to vector<16xf32>
          %add3A_438 = arith.addf %get3A_433, %get3A_437 : vector<16xf32>
          %swap3A_439 = arith.constant 3 : i32
          %swap3A_440 = arith.constant 1 : i32
          %swap3A_441 = arith.index_cast %swap3A_439 : i32 to index
          %swap3A_442 = arith.index_cast %swap3A_440 : i32 to index
          %swap3A_443 = arith.index_cast %scan3A_207 : i32 to index
          %swap3A_444 = arith.constant 32 : index
          %swap3A_445 = tpu.vector_load %arg7[%swap3A_441, %swap3A_442, %swap3A_443, %swap3A_444] {strides = array<i32>} : memref<4x2x100x128xf32, #tpu.memory_space<vmem>>, vector<1x1x1x16xf32>,
          %swap3A_446 = vector.shape_cast %swap3A_445 : vector<1x1x1x16xf32> to vector<16xf32>
          %swap3A_447 = vector.shape_cast %add3A_438 : vector<16xf32> to vector<1x1x1x16xf32>
          tpu.vector_store %arg7[%swap3A_441, %swap3A_442, %swap3A_443, %swap3A_444], %swap3A_447 {strides = array<i32>} : memref<4x2x100x128xf32, #tpu.memory_space<vmem>>, vector<1x1x1x16xf32>,
          %get3A_448 = arith.constant 3 : i32
          %get3A_449 = arith.constant 1 : i32
          %get3A_450 = arith.index_cast %get3A_448 : i32 to index
          %get3A_451 = arith.index_cast %get3A_449 : i32 to index
          %get3A_452 = arith.index_cast %scan3A_207 : i32 to index
          %get3A_453 = arith.constant 48 : index
          %get3A_454 = tpu.vector_load %arg7[%get3A_450, %get3A_451, %get3A_452, %get3A_453] {strides = array<i32>} : memref<4x2x100x128xf32, #tpu.memory_space<vmem>>, vector<1x1x1x16xf32>,
          %get3A_455 = vector.shape_cast %get3A_454 : vector<1x1x1x16xf32> to vector<16xf32>
          %get3A_456 = arith.index_cast %scan3A_207 : i32 to index
          %get3A_457 = arith.constant 48 : index
          %get3A_458 = tpu.vector_load %arg8[%get3A_456, %get3A_457] {strides = array<i32>} : memref<100x128xf32, #tpu.memory_space<vmem>>, vector<1x16xf32>,
          %get3A_459 = vector.shape_cast %get3A_458 : vector<1x16xf32> to vector<16xf32>
          %add3A_460 = arith.addf %get3A_455, %get3A_459 : vector<16xf32>
          %swap3A_461 = arith.constant 3 : i32
          %swap3A_462 = arith.constant 1 : i32
          %swap3A_463 = arith.index_cast %swap3A_461 : i32 to index
          %swap3A_464 = arith.index_cast %swap3A_462 : i32 to index
          %swap3A_465 = arith.index_cast %scan3A_207 : i32 to index
          %swap3A_466 = arith.constant 48 : index
          %swap3A_467 = tpu.vector_load %arg7[%swap3A_463, %swap3A_464, %swap3A_465, %swap3A_466] {strides = array<i32>} : memref<4x2x100x128xf32, #tpu.memory_space<vmem>>, vector<1x1x1x16xf32>,
          %swap3A_468 = vector.shape_cast %swap3A_467 : vector<1x1x1x16xf32> to vector<16xf32>
          %swap3A_469 = vector.shape_cast %add3A_460 : vector<16xf32> to vector<1x1x1x16xf32>
          tpu.vector_store %arg7[%swap3A_463, %swap3A_464, %swap3A_465, %swap3A_466], %swap3A_469 {strides = array<i32>} : memref<4x2x100x128xf32, #tpu.memory_space<vmem>>, vector<1x1x1x16xf32>,
          %get3A_470 = arith.constant 3 : i32
          %get3A_471 = arith.constant 1 : i32
          %get3A_472 = arith.index_cast %get3A_470 : i32 to index
          %get3A_473 = arith.index_cast %get3A_471 : i32 to index
          %get3A_474 = arith.index_cast %scan3A_207 : i32 to index
          %get3A_475 = arith.constant 64 : index
          %get3A_476 = tpu.vector_load %arg7[%get3A_472, %get3A_473, %get3A_474, %get3A_475] {strides = array<i32>} : memref<4x2x100x128xf32, #tpu.memory_space<vmem>>, vector<1x1x1x16xf32>,
          %get3A_477 = vector.shape_cast %get3A_476 : vector<1x1x1x16xf32> to vector<16xf32>
          %get3A_478 = arith.index_cast %scan3A_207 : i32 to index
          %get3A_479 = arith.constant 64 : index
          %get3A_480 = tpu.vector_load %arg8[%get3A_478, %get3A_479] {strides = array<i32>} : memref<100x128xf32, #tpu.memory_space<vmem>>, vector<1x16xf32>,
          %get3A_481 = vector.shape_cast %get3A_480 : vector<1x16xf32> to vector<16xf32>
          %add3A_482 = arith.addf %get3A_477, %get3A_481 : vector<16xf32>
          %swap3A_483 = arith.constant 3 : i32
          %swap3A_484 = arith.constant 1 : i32
          %swap3A_485 = arith.index_cast %swap3A_483 : i32 to index
          %swap3A_486 = arith.index_cast %swap3A_484 : i32 to index
          %swap3A_487 = arith.index_cast %scan3A_207 : i32 to index
          %swap3A_488 = arith.constant 64 : index
          %swap3A_489 = tpu.vector_load %arg7[%swap3A_485, %swap3A_486, %swap3A_487, %swap3A_488] {strides = array<i32>} : memref<4x2x100x128xf32, #tpu.memory_space<vmem>>, vector<1x1x1x16xf32>,
          %swap3A_490 = vector.shape_cast %swap3A_489 : vector<1x1x1x16xf32> to vector<16xf32>
          %swap3A_491 = vector.shape_cast %add3A_482 : vector<16xf32> to vector<1x1x1x16xf32>
          tpu.vector_store %arg7[%swap3A_485, %swap3A_486, %swap3A_487, %swap3A_488], %swap3A_491 {strides = array<i32>} : memref<4x2x100x128xf32, #tpu.memory_space<vmem>>, vector<1x1x1x16xf32>,
          %get3A_492 = arith.constant 3 : i32
          %get3A_493 = arith.constant 1 : i32
          %get3A_494 = arith.index_cast %get3A_492 : i32 to index
          %get3A_495 = arith.index_cast %get3A_493 : i32 to index
          %get3A_496 = arith.index_cast %scan3A_207 : i32 to index
          %get3A_497 = arith.constant 80 : index
          %get3A_498 = tpu.vector_load %arg7[%get3A_494, %get3A_495, %get3A_496, %get3A_497] {strides = array<i32>} : memref<4x2x100x128xf32, #tpu.memory_space<vmem>>, vector<1x1x1x16xf32>,
          %get3A_499 = vector.shape_cast %get3A_498 : vector<1x1x1x16xf32> to vector<16xf32>
          %get3A_500 = arith.index_cast %scan3A_207 : i32 to index
          %get3A_501 = arith.constant 80 : index
          %get3A_502 = tpu.vector_load %arg8[%get3A_500, %get3A_501] {strides = array<i32>} : memref<100x128xf32, #tpu.memory_space<vmem>>, vector<1x16xf32>,
          %get3A_503 = vector.shape_cast %get3A_502 : vector<1x16xf32> to vector<16xf32>
          %add3A_504 = arith.addf %get3A_499, %get3A_503 : vector<16xf32>
          %swap3A_505 = arith.constant 3 : i32
          %swap3A_506 = arith.constant 1 : i32
          %swap3A_507 = arith.index_cast %swap3A_505 : i32 to index
          %swap3A_508 = arith.index_cast %swap3A_506 : i32 to index
          %swap3A_509 = arith.index_cast %scan3A_207 : i32 to index
          %swap3A_510 = arith.constant 80 : index
          %swap3A_511 = tpu.vector_load %arg7[%swap3A_507, %swap3A_508, %swap3A_509, %swap3A_510] {strides = array<i32>} : memref<4x2x100x128xf32, #tpu.memory_space<vmem>>, vector<1x1x1x16xf32>,
          %swap3A_512 = vector.shape_cast %swap3A_511 : vector<1x1x1x16xf32> to vector<16xf32>
          %swap3A_513 = vector.shape_cast %add3A_504 : vector<16xf32> to vector<1x1x1x16xf32>
          tpu.vector_store %arg7[%swap3A_507, %swap3A_508, %swap3A_509, %swap3A_510], %swap3A_513 {strides = array<i32>} : memref<4x2x100x128xf32, #tpu.memory_space<vmem>>, vector<1x1x1x16xf32>,
          %get3A_514 = arith.constant 3 : i32
          %get3A_515 = arith.constant 1 : i32
          %get3A_516 = arith.index_cast %get3A_514 : i32 to index
          %get3A_517 = arith.index_cast %get3A_515 : i32 to index
          %get3A_518 = arith.index_cast %scan3A_207 : i32 to index
          %get3A_519 = arith.constant 96 : index
          %get3A_520 = tpu.vector_load %arg7[%get3A_516, %get3A_517, %get3A_518, %get3A_519] {strides = array<i32>} : memref<4x2x100x128xf32, #tpu.memory_space<vmem>>, vector<1x1x1x16xf32>,
          %get3A_521 = vector.shape_cast %get3A_520 : vector<1x1x1x16xf32> to vector<16xf32>
          %get3A_522 = arith.index_cast %scan3A_207 : i32 to index
          %get3A_523 = arith.constant 96 : index
          %get3A_524 = tpu.vector_load %arg8[%get3A_522, %get3A_523] {strides = array<i32>} : memref<100x128xf32, #tpu.memory_space<vmem>>, vector<1x16xf32>,
          %get3A_525 = vector.shape_cast %get3A_524 : vector<1x16xf32> to vector<16xf32>
          %add3A_526 = arith.addf %get3A_521, %get3A_525 : vector<16xf32>
          %swap3A_527 = arith.constant 3 : i32
          %swap3A_528 = arith.constant 1 : i32
          %swap3A_529 = arith.index_cast %swap3A_527 : i32 to index
          %swap3A_530 = arith.index_cast %swap3A_528 : i32 to index
          %swap3A_531 = arith.index_cast %scan3A_207 : i32 to index
          %swap3A_532 = arith.constant 96 : index
          %swap3A_533 = tpu.vector_load %arg7[%swap3A_529, %swap3A_530, %swap3A_531, %swap3A_532] {strides = array<i32>} : memref<4x2x100x128xf32, #tpu.memory_space<vmem>>, vector<1x1x1x16xf32>,
          %swap3A_534 = vector.shape_cast %swap3A_533 : vector<1x1x1x16xf32> to vector<16xf32>
          %swap3A_535 = vector.shape_cast %add3A_526 : vector<16xf32> to vector<1x1x1x16xf32>
          tpu.vector_store %arg7[%swap3A_529, %swap3A_530, %swap3A_531, %swap3A_532], %swap3A_535 {strides = array<i32>} : memref<4x2x100x128xf32, #tpu.memory_space<vmem>>, vector<1x1x1x16xf32>,
          %get3A_536 = arith.constant 3 : i32
          %get3A_537 = arith.constant 1 : i32
          %get3A_538 = arith.index_cast %get3A_536 : i32 to index
          %get3A_539 = arith.index_cast %get3A_537 : i32 to index
          %get3A_540 = arith.index_cast %scan3A_207 : i32 to index
          %get3A_541 = arith.constant 112 : index
          %get3A_542 = tpu.vector_load %arg7[%get3A_538, %get3A_539, %get3A_540, %get3A_541] {strides = array<i32>} : memref<4x2x100x128xf32, #tpu.memory_space<vmem>>, vector<1x1x1x16xf32>,
          %get3A_543 = vector.shape_cast %get3A_542 : vector<1x1x1x16xf32> to vector<16xf32>
          %get3A_544 = arith.index_cast %scan3A_207 : i32 to index
          %get3A_545 = arith.constant 112 : index
          %get3A_546 = tpu.vector_load %arg8[%get3A_544, %get3A_545] {strides = array<i32>} : memref<100x128xf32, #tpu.memory_space<vmem>>, vector<1x16xf32>,
          %get3A_547 = vector.shape_cast %get3A_546 : vector<1x16xf32> to vector<16xf32>
          %add3A_548 = arith.addf %get3A_543, %get3A_547 : vector<16xf32>
          %swap3A_549 = arith.constant 3 : i32
          %swap3A_550 = arith.constant 1 : i32
          %swap3A_551 = arith.index_cast %swap3A_549 : i32 to index
          %swap3A_552 = arith.index_cast %swap3A_550 : i32 to index
          %swap3A_553 = arith.index_cast %scan3A_207 : i32 to index
          %swap3A_554 = arith.constant 112 : index
          %swap3A_555 = tpu.vector_load %arg7[%swap3A_551, %swap3A_552, %swap3A_553, %swap3A_554] {strides = array<i32>} : memref<4x2x100x128xf32, #tpu.memory_space<vmem>>, vector<1x1x1x16xf32>,
          %swap3A_556 = vector.shape_cast %swap3A_555 : vector<1x1x1x16xf32> to vector<16xf32>
          %swap3A_557 = vector.shape_cast %add3A_548 : vector<16xf32> to vector<1x1x1x16xf32>
          tpu.vector_store %arg7[%swap3A_551, %swap3A_552, %swap3A_553, %swap3A_554], %swap3A_557 {strides = array<i32>} : memref<4x2x100x128xf32, #tpu.memory_space<vmem>>, vector<1x1x1x16xf32>,
        }
        %scan3A_186 = arith.constant 100 : i32
        %sub3A = arith.constant 2 : i32
        %sub3A_187 = arith.subi %add3A_40, %sub3A : i32
        %mul3A_188 = arith.constant 2 : i32
        %mul3A_189 = arith.muli %sub3A_187, %mul3A_188 : i32
        %add3A_190 = arith.addi %mul3A_2, %mul3A_189 : i32
        %dma_start3A = arith.constant 3 : i32
        %dma_start3A_191 = arith.constant 0 : i32
        %dma_start3A_192 = arith.constant 0 : i32
        %dma_start3A_193 = arith.constant 0 : i32
        %dma_start3A_194 = tpu.memref_slice %arg7[%dma_start3A, %dma_start3A_191, %dma_start3A_192, %dma_start3A_193] : memref<4x2x100x128xf32, #tpu.memory_space<vmem>> -> memref<1x2x100x128xf32, #tpu.memory_space<vmem>>
        %dma_start3A_195 = tpu.memref_squeeze %dma_start3A_194 : memref<1x2x100x128xf32, #tpu.memory_space<vmem>> -> memref<2x100x128xf32, #tpu.memory_space<vmem>>
        %dma_start3A_196 = arith.constant 0 : i32
        %dma_start3A_197 = arith.constant 0 : i32
        %dma_start3A_198 = tpu.memref_slice %arg5[%add3A_190, %dma_start3A_196, %dma_start3A_197] : memref<16384x100x128xf32, #tpu.memory_space<hbm>> -> memref<2x100x128xf32, #tpu.memory_space<hbm>>
        %dma_start3A_199 = arith.constant 0 : i32
        %dma_start3A_200 = arith.constant 0 : i32
        %dma_start3A_201 = tpu.memref_slice %arg5[%add3A_190, %dma_start3A_199, %dma_start3A_200] : memref<16384x100x128xf32, #tpu.memory_space<hbm>> -> memref<2x100x128xf32, #tpu.memory_space<hbm>>
        %dma_start3A_202 = arith.constant 0 : i32
        %dma_start3A_203 = arith.constant 0 : i32
        %dma_start3A_204 = arith.constant 0 : i32
        %dma_start3A_205 = tpu.memref_slice %arg7[%dma_start3A, %dma_start3A_202, %dma_start3A_203, %dma_start3A_204] : memref<4x2x100x128xf32, #tpu.memory_space<vmem>> -> memref<1x2x100x128xf32, #tpu.memory_space<vmem>>
        %dma_start3A_206 = tpu.memref_squeeze %dma_start3A_205 : memref<1x2x100x128xf32, #tpu.memory_space<vmem>> -> memref<2x100x128xf32, #tpu.memory_space<vmem>>
        tpu.enqueue_dma source(%dma_start3A_206 : memref<2x100x128xf32, #tpu.memory_space<vmem>>) target(%dma_start3A_201 : memref<2x100x128xf32, #tpu.memory_space<hbm>>) target_semaphore(%arg20 : memref<!tpu.dma_semaphore, #tpu.memory_space<semaphore_mem>>)
      } else {
      }
      %mul3A_70 = arith.constant 4 : i32
      %mul3A_71 = arith.muli %scan3A_8, %mul3A_70 : i32
      %add3A_72 = arith.constant 2 : i32
      %add3A_73 = arith.addi %mul3A_71, %add3A_72 : i32
      %ge3A_74 = arith.constant 4 : i32
      %ge3A_75 = arith.cmpi sge, %add3A_73, %ge3A_74 : i32
      %lt3A_76 = arith.constant 260 : i32
      %lt3A_77 = arith.cmpi slt, %add3A_73, %lt3A_76 : i32
      %and3A_78 = arith.andi %ge3A_75, %lt3A_77 : i1
      %convert_element_type3A_79 = arith.extui %and3A_78 : i1 to i32
      %cond3A_80 = arith.constant 0 : i32
      %cond3A_81 = arith.cmpi ne, %convert_element_type3A_79, %cond3A_80 : i32
      scf.if %cond3A_81 {
        %sub3A = arith.constant 4 : i32
        %sub3A_136 = arith.subi %add3A_73, %sub3A : i32
        %mul3A_137 = arith.constant 2 : i32
        %mul3A_138 = arith.muli %sub3A_136, %mul3A_137 : i32
        %add3A_139 = arith.addi %mul3A_2, %mul3A_138 : i32
        %dma_wait3A = arith.constant 2 : i32
        %dma_wait3A_140 = arith.constant 0 : i32
        %dma_wait3A_141 = arith.constant 0 : i32
        %dma_wait3A_142 = arith.constant 0 : i32
        %dma_wait3A_143 = tpu.memref_slice %arg7[%dma_wait3A, %dma_wait3A_140, %dma_wait3A_141, %dma_wait3A_142] : memref<4x2x100x128xf32, #tpu.memory_space<vmem>> -> memref<1x2x100x128xf32, #tpu.memory_space<vmem>>
        %dma_wait3A_144 = tpu.memref_squeeze %dma_wait3A_143 : memref<1x2x100x128xf32, #tpu.memory_space<vmem>> -> memref<2x100x128xf32, #tpu.memory_space<vmem>>
        %dma_wait3A_145 = arith.constant 0 : i32
        %dma_wait3A_146 = arith.constant 0 : i32
        %dma_wait3A_147 = tpu.memref_slice %arg5[%add3A_139, %dma_wait3A_145, %dma_wait3A_146] : memref<16384x100x128xf32, #tpu.memory_space<hbm>> -> memref<2x100x128xf32, #tpu.memory_space<hbm>>
        %dma_wait3A_148 = arith.constant 0 : i32
        %dma_wait3A_149 = arith.constant 0 : i32
        %dma_wait3A_150 = tpu.memref_slice %arg5[%add3A_139, %dma_wait3A_148, %dma_wait3A_149] : memref<16384x100x128xf32, #tpu.memory_space<hbm>> -> memref<2x100x128xf32, #tpu.memory_space<hbm>>
        %dma_wait3A_151 = arith.constant 0 : i32
        %dma_wait3A_152 = arith.constant 0 : i32
        %dma_wait3A_153 = arith.constant 0 : i32
        %dma_wait3A_154 = tpu.memref_slice %arg7[%dma_wait3A, %dma_wait3A_151, %dma_wait3A_152, %dma_wait3A_153] : memref<4x2x100x128xf32, #tpu.memory_space<vmem>> -> memref<1x2x100x128xf32, #tpu.memory_space<vmem>>
        %dma_wait3A_155 = tpu.memref_squeeze %dma_wait3A_154 : memref<1x2x100x128xf32, #tpu.memory_space<vmem>> -> memref<2x100x128xf32, #tpu.memory_space<vmem>>
        tpu.wait_dma2 semaphore(%arg19 : memref<!tpu.dma_semaphore, #tpu.memory_space<semaphore_mem>>) src(%dma_wait3A_155 : memref<2x100x128xf32, #tpu.memory_space<vmem>>) dst(%dma_wait3A_150 : memref<2x100x128xf32, #tpu.memory_space<hbm>>)
      } else {
      }
      %lt3A_82 = arith.constant 256 : i32
      %lt3A_83 = arith.cmpi slt, %add3A_73, %lt3A_82 : i32
      %convert_element_type3A_84 = arith.extui %lt3A_83 : i1 to i32
      %cond3A_85 = arith.constant 0 : i32
      %cond3A_86 = arith.cmpi ne, %convert_element_type3A_84, %cond3A_85 : i32
      scf.if %cond3A_86 {
        %mul3A_136 = arith.constant 2 : i32
        %mul3A_137 = arith.muli %add3A_73, %mul3A_136 : i32
        %add3A_138 = arith.addi %mul3A_2, %mul3A_137 : i32
        %dma_start3A = arith.constant 2 : i32
        %dma_start3A_139 = arith.constant 0 : i32
        %dma_start3A_140 = arith.constant 0 : i32
        %dma_start3A_141 = tpu.memref_slice %arg6[%dma_start3A, %dma_start3A_139, %dma_start3A_140] : memref<4x2x100xi32, #tpu.memory_space<vmem>> -> memref<1x2x100xi32, #tpu.memory_space<vmem>>
        %dma_start3A_142 = tpu.memref_squeeze %dma_start3A_141 : memref<1x2x100xi32, #tpu.memory_space<vmem>> -> memref<2x100xi32, #tpu.memory_space<vmem>>
        %dma_start3A_143 = arith.constant 0 : i32
        %dma_start3A_144 = tpu.memref_slice %arg4[%add3A_138, %dma_start3A_143] : memref<16384x100xi32, #tpu.memory_space<hbm>> -> memref<2x100xi32, #tpu.memory_space<hbm>>
        %dma_start3A_145 = arith.constant 0 : i32
        %dma_start3A_146 = arith.constant 0 : i32
        %dma_start3A_147 = tpu.memref_slice %arg6[%dma_start3A, %dma_start3A_145, %dma_start3A_146] : memref<4x2x100xi32, #tpu.memory_space<vmem>> -> memref<1x2x100xi32, #tpu.memory_space<vmem>>
        %dma_start3A_148 = tpu.memref_squeeze %dma_start3A_147 : memref<1x2x100xi32, #tpu.memory_space<vmem>> -> memref<2x100xi32, #tpu.memory_space<vmem>>
        %dma_start3A_149 = arith.constant 0 : i32
        %dma_start3A_150 = tpu.memref_slice %arg4[%add3A_138, %dma_start3A_149] : memref<16384x100xi32, #tpu.memory_space<hbm>> -> memref<2x100xi32, #tpu.memory_space<hbm>>
        tpu.enqueue_dma source(%dma_start3A_150 : memref<2x100xi32, #tpu.memory_space<hbm>>) target(%dma_start3A_148 : memref<2x100xi32, #tpu.memory_space<vmem>>) target_semaphore(%arg11 : memref<!tpu.dma_semaphore, #tpu.memory_space<semaphore_mem>>)
        %dma_start3A_151 = arith.constant 2 : i32
        %dma_start3A_152 = arith.constant 0 : i32
        %dma_start3A_153 = arith.constant 0 : i32
        %dma_start3A_154 = arith.constant 0 : i32
        %dma_start3A_155 = arith.constant 0 : i32
        %dma_start3A_156 = tpu.memref_slice %arg7[%dma_start3A_151, %dma_start3A_153, %dma_start3A_154, %dma_start3A_155] : memref<4x2x100x128xf32, #tpu.memory_space<vmem>> -> memref<1x2x100x128xf32, #tpu.memory_space<vmem>>
        %dma_start3A_157 = tpu.memref_squeeze %dma_start3A_156 : memref<1x2x100x128xf32, #tpu.memory_space<vmem>> -> memref<2x100x128xf32, #tpu.memory_space<vmem>>
        %dma_start3A_158 = arith.constant 0 : i32
        %dma_start3A_159 = arith.constant 0 : i32
        %dma_start3A_160 = tpu.memref_slice %dma_start3A_157[%dma_start3A_152, %dma_start3A_158, %dma_start3A_159] : memref<2x100x128xf32, #tpu.memory_space<vmem>> -> memref<1x100x128xf32, #tpu.memory_space<vmem>>
        %dma_start3A_161 = tpu.memref_squeeze %dma_start3A_160 : memref<1x100x128xf32, #tpu.memory_space<vmem>> -> memref<100x128xf32, #tpu.memory_space<vmem>>
        %dma_start3A_162 = arith.constant 0 : i32
        %dma_start3A_163 = arith.constant 0 : i32
        %dma_start3A_164 = tpu.memref_slice %arg3[%add3A, %dma_start3A_162, %dma_start3A_163] : memref<32x100x128xf32, #tpu.memory_space<hbm>> -> memref<1x100x128xf32, #tpu.memory_space<hbm>>
        %dma_start3A_165 = tpu.memref_squeeze %dma_start3A_164 : memref<1x100x128xf32, #tpu.memory_space<hbm>> -> memref<100x128xf32, #tpu.memory_space<hbm>>
        %dma_start3A_166 = arith.constant 0 : i32
        %dma_start3A_167 = arith.constant 0 : i32
        %dma_start3A_168 = arith.constant 0 : i32
        %dma_start3A_169 = tpu.memref_slice %arg7[%dma_start3A_151, %dma_start3A_166, %dma_start3A_167, %dma_start3A_168] : memref<4x2x100x128xf32, #tpu.memory_space<vmem>> -> memref<1x2x100x128xf32, #tpu.memory_space<vmem>>
        %dma_start3A_170 = tpu.memref_squeeze %dma_start3A_169 : memref<1x2x100x128xf32, #tpu.memory_space<vmem>> -> memref<2x100x128xf32, #tpu.memory_space<vmem>>
        %dma_start3A_171 = arith.constant 0 : i32
        %dma_start3A_172 = arith.constant 0 : i32
        %dma_start3A_173 = tpu.memref_slice %dma_start3A_170[%dma_start3A_152, %dma_start3A_171, %dma_start3A_172] : memref<2x100x128xf32, #tpu.memory_space<vmem>> -> memref<1x100x128xf32, #tpu.memory_space<vmem>>
        %dma_start3A_174 = tpu.memref_squeeze %dma_start3A_173 : memref<1x100x128xf32, #tpu.memory_space<vmem>> -> memref<100x128xf32, #tpu.memory_space<vmem>>
        %dma_start3A_175 = arith.constant 0 : i32
        %dma_start3A_176 = arith.constant 0 : i32
        %dma_start3A_177 = tpu.memref_slice %arg3[%add3A, %dma_start3A_175, %dma_start3A_176] : memref<32x100x128xf32, #tpu.memory_space<hbm>> -> memref<1x100x128xf32, #tpu.memory_space<hbm>>
        %dma_start3A_178 = tpu.memref_squeeze %dma_start3A_177 : memref<1x100x128xf32, #tpu.memory_space<hbm>> -> memref<100x128xf32, #tpu.memory_space<hbm>>
        tpu.enqueue_dma source(%dma_start3A_178 : memref<100x128xf32, #tpu.memory_space<hbm>>) target(%dma_start3A_174 : memref<100x128xf32, #tpu.memory_space<vmem>>) target_semaphore(%arg11 : memref<!tpu.dma_semaphore, #tpu.memory_space<semaphore_mem>>)
      } else {
      }
      %ge3A_87 = arith.constant 1 : i32
      %ge3A_88 = arith.cmpi sge, %add3A_73, %ge3A_87 : i32
      %lt3A_89 = arith.constant 257 : i32
      %lt3A_90 = arith.cmpi slt, %add3A_73, %lt3A_89 : i32
      %and3A_91 = arith.andi %ge3A_88, %lt3A_90 : i1
      %convert_element_type3A_92 = arith.extui %and3A_91 : i1 to i32
      %cond3A_93 = arith.constant 0 : i32
      %cond3A_94 = arith.cmpi ne, %convert_element_type3A_92, %cond3A_93 : i32
      scf.if %cond3A_94 {
        %sub3A = arith.constant 1 : i32
        %sub3A_136 = arith.subi %add3A_73, %sub3A : i32
        %mul3A_137 = arith.constant 2 : i32
        %mul3A_138 = arith.muli %sub3A_136, %mul3A_137 : i32
        %add3A_139 = arith.addi %mul3A_2, %mul3A_138 : i32
        %dma_wait3A = arith.constant 1 : i32
        %dma_wait3A_140 = arith.constant 0 : i32
        %dma_wait3A_141 = arith.constant 0 : i32
        %dma_wait3A_142 = tpu.memref_slice %arg6[%dma_wait3A, %dma_wait3A_140, %dma_wait3A_141] : memref<4x2x100xi32, #tpu.memory_space<vmem>> -> memref<1x2x100xi32, #tpu.memory_space<vmem>>
        %dma_wait3A_143 = tpu.memref_squeeze %dma_wait3A_142 : memref<1x2x100xi32, #tpu.memory_space<vmem>> -> memref<2x100xi32, #tpu.memory_space<vmem>>
        %dma_wait3A_144 = arith.constant 0 : i32
        %dma_wait3A_145 = tpu.memref_slice %arg4[%add3A_139, %dma_wait3A_144] : memref<16384x100xi32, #tpu.memory_space<hbm>> -> memref<2x100xi32, #tpu.memory_space<hbm>>
        %dma_wait3A_146 = arith.constant 0 : i32
        %dma_wait3A_147 = arith.constant 0 : i32
        %dma_wait3A_148 = tpu.memref_slice %arg6[%dma_wait3A, %dma_wait3A_146, %dma_wait3A_147] : memref<4x2x100xi32, #tpu.memory_space<vmem>> -> memref<1x2x100xi32, #tpu.memory_space<vmem>>
        %dma_wait3A_149 = tpu.memref_squeeze %dma_wait3A_148 : memref<1x2x100xi32, #tpu.memory_space<vmem>> -> memref<2x100xi32, #tpu.memory_space<vmem>>
        %dma_wait3A_150 = arith.constant 0 : i32
        %dma_wait3A_151 = tpu.memref_slice %arg4[%add3A_139, %dma_wait3A_150] : memref<16384x100xi32, #tpu.memory_space<hbm>> -> memref<2x100xi32, #tpu.memory_space<hbm>>
        tpu.wait_dma2 semaphore(%arg10 : memref<!tpu.dma_semaphore, #tpu.memory_space<semaphore_mem>>) src(%dma_wait3A_151 : memref<2x100xi32, #tpu.memory_space<hbm>>) dst(%dma_wait3A_149 : memref<2x100xi32, #tpu.memory_space<vmem>>)
        %dma_start3A = arith.constant 1 : i32
        %dma_start3A_152 = arith.constant 0 : i32
        %dma_start3A_153 = arith.constant 1 : i32
        %dma_start3A_154 = arith.constant 0 : i32
        %dma_start3A_155 = arith.constant 0 : i32
        %dma_start3A_156 = arith.constant 0 : i32
        %dma_start3A_157 = arith.constant 0 : i32
        %dma_start3A_158 = tpu.memref_slice %arg7[%dma_start3A_153, %dma_start3A_155, %dma_start3A_156, %dma_start3A_157] : memref<4x2x100x128xf32, #tpu.memory_space<vmem>> -> memref<1x2x100x128xf32, #tpu.memory_space<vmem>>
        %dma_start3A_159 = tpu.memref_squeeze %dma_start3A_158 : memref<1x2x100x128xf32, #tpu.memory_space<vmem>> -> memref<2x100x128xf32, #tpu.memory_space<vmem>>
        %dma_start3A_160 = arith.constant 0 : i32
        %dma_start3A_161 = arith.constant 0 : i32
        %dma_start3A_162 = tpu.memref_slice %dma_start3A_159[%dma_start3A_154, %dma_start3A_160, %dma_start3A_161] : memref<2x100x128xf32, #tpu.memory_space<vmem>> -> memref<1x100x128xf32, #tpu.memory_space<vmem>>
        %dma_start3A_163 = tpu.memref_squeeze %dma_start3A_162 : memref<1x100x128xf32, #tpu.memory_space<vmem>> -> memref<100x128xf32, #tpu.memory_space<vmem>>
        %dma_start3A_164 = arith.constant 0 : i32
        %dma_start3A_165 = arith.constant 0 : i32
        %dma_start3A_166 = tpu.memref_slice %arg6[%dma_start3A, %dma_start3A_164, %dma_start3A_165] : memref<4x2x100xi32, #tpu.memory_space<vmem>> -> memref<1x2x100xi32, #tpu.memory_space<vmem>>
        %dma_start3A_167 = tpu.memref_squeeze %dma_start3A_166 : memref<1x2x100xi32, #tpu.memory_space<vmem>> -> memref<2x100xi32, #tpu.memory_space<vmem>>
        %dma_start3A_168 = arith.constant 0 : i32
        %dma_start3A_169 = tpu.memref_slice %dma_start3A_167[%dma_start3A_152, %dma_start3A_168] : memref<2x100xi32, #tpu.memory_space<vmem>> -> memref<1x100xi32, #tpu.memory_space<vmem>>
        %dma_start3A_170 = tpu.memref_squeeze %dma_start3A_169 : memref<1x100xi32, #tpu.memory_space<vmem>> -> memref<100xi32, #tpu.memory_space<vmem>>
        %dma_start3A_171 = arith.constant 0 : i32
        %dma_start3A_172 = arith.constant 0 : i32
        %dma_start3A_173 = tpu.memref_slice %arg2[%dma_start3A_171, %dma_start3A_172] : memref<100000x128xf32, #tpu.memory_space<hbm>> -> memref<100000x128xf32, #tpu.memory_space<hbm>>
        tpu.enqueue_indirect_dma source(%dma_start3A_173 : memref<100000x128xf32, #tpu.memory_space<hbm>>) target(%dma_start3A_163 : memref<100x128xf32, #tpu.memory_space<vmem>>) offsets(%dma_start3A_170 : memref<100xi32, #tpu.memory_space<vmem>>) semaphore(%arg14 : memref<!tpu.dma_semaphore, #tpu.memory_space<semaphore_mem>>)
        %dma_start3A_174 = arith.constant 1 : i32
        %dma_start3A_175 = arith.constant 1 : i32
        %dma_start3A_176 = arith.constant 1 : i32
        %dma_start3A_177 = arith.constant 1 : i32
        %dma_start3A_178 = arith.constant 0 : i32
        %dma_start3A_179 = arith.constant 0 : i32
        %dma_start3A_180 = arith.constant 0 : i32
        %dma_start3A_181 = tpu.memref_slice %arg7[%dma_start3A_176, %dma_start3A_178, %dma_start3A_179, %dma_start3A_180] : memref<4x2x100x128xf32, #tpu.memory_space<vmem>> -> memref<1x2x100x128xf32, #tpu.memory_space<vmem>>
        %dma_start3A_182 = tpu.memref_squeeze %dma_start3A_181 : memref<1x2x100x128xf32, #tpu.memory_space<vmem>> -> memref<2x100x128xf32, #tpu.memory_space<vmem>>
        %dma_start3A_183 = arith.constant 0 : i32
        %dma_start3A_184 = arith.constant 0 : i32
        %dma_start3A_185 = tpu.memref_slice %dma_start3A_182[%dma_start3A_177, %dma_start3A_183, %dma_start3A_184] : memref<2x100x128xf32, #tpu.memory_space<vmem>> -> memref<1x100x128xf32, #tpu.memory_space<vmem>>
        %dma_start3A_186 = tpu.memref_squeeze %dma_start3A_185 : memref<1x100x128xf32, #tpu.memory_space<vmem>> -> memref<100x128xf32, #tpu.memory_space<vmem>>
        %dma_start3A_187 = arith.constant 0 : i32
        %dma_start3A_188 = arith.constant 0 : i32
        %dma_start3A_189 = tpu.memref_slice %arg6[%dma_start3A_174, %dma_start3A_187, %dma_start3A_188] : memref<4x2x100xi32, #tpu.memory_space<vmem>> -> memref<1x2x100xi32, #tpu.memory_space<vmem>>
        %dma_start3A_190 = tpu.memref_squeeze %dma_start3A_189 : memref<1x2x100xi32, #tpu.memory_space<vmem>> -> memref<2x100xi32, #tpu.memory_space<vmem>>
        %dma_start3A_191 = arith.constant 0 : i32
        %dma_start3A_192 = tpu.memref_slice %dma_start3A_190[%dma_start3A_175, %dma_start3A_191] : memref<2x100xi32, #tpu.memory_space<vmem>> -> memref<1x100xi32, #tpu.memory_space<vmem>>
        %dma_start3A_193 = tpu.memref_squeeze %dma_start3A_192 : memref<1x100xi32, #tpu.memory_space<vmem>> -> memref<100xi32, #tpu.memory_space<vmem>>
        %dma_start3A_194 = arith.constant 0 : i32
        %dma_start3A_195 = arith.constant 0 : i32
        %dma_start3A_196 = tpu.memref_slice %arg2[%dma_start3A_194, %dma_start3A_195] : memref<100000x128xf32, #tpu.memory_space<hbm>> -> memref<100000x128xf32, #tpu.memory_space<hbm>>
        tpu.enqueue_indirect_dma source(%dma_start3A_196 : memref<100000x128xf32, #tpu.memory_space<hbm>>) target(%dma_start3A_186 : memref<100x128xf32, #tpu.memory_space<vmem>>) offsets(%dma_start3A_193 : memref<100xi32, #tpu.memory_space<vmem>>) semaphore(%arg14 : memref<!tpu.dma_semaphore, #tpu.memory_space<semaphore_mem>>)
      } else {
      }
      %ge3A_95 = arith.constant 2 : i32
      %ge3A_96 = arith.cmpi sge, %add3A_73, %ge3A_95 : i32
      %lt3A_97 = arith.constant 258 : i32
      %lt3A_98 = arith.cmpi slt, %add3A_73, %lt3A_97 : i32
      %and3A_99 = arith.andi %ge3A_96, %lt3A_98 : i1
      %convert_element_type3A_100 = arith.extui %and3A_99 : i1 to i32
      %cond3A_101 = arith.constant 0 : i32
      %cond3A_102 = arith.cmpi ne, %convert_element_type3A_100, %cond3A_101 : i32
      scf.if %cond3A_102 {
        %dma_wait3A = arith.constant 0 : i32
        %dma_wait3A_136 = arith.constant 0 : i32
        %dma_wait3A_137 = arith.constant 0 : i32
        %dma_wait3A_138 = arith.constant 0 : i32
        %dma_wait3A_139 = arith.constant 0 : i32
        %dma_wait3A_140 = arith.constant 0 : i32
        %dma_wait3A_141 = arith.constant 0 : i32
        %dma_wait3A_142 = tpu.memref_slice %arg7[%dma_wait3A_137, %dma_wait3A_139, %dma_wait3A_140, %dma_wait3A_141] : memref<4x2x100x128xf32, #tpu.memory_space<vmem>> -> memref<1x2x100x128xf32, #tpu.memory_space<vmem>>
        %dma_wait3A_143 = tpu.memref_squeeze %dma_wait3A_142 : memref<1x2x100x128xf32, #tpu.memory_space<vmem>> -> memref<2x100x128xf32, #tpu.memory_space<vmem>>
        %dma_wait3A_144 = arith.constant 0 : i32
        %dma_wait3A_145 = arith.constant 0 : i32
        %dma_wait3A_146 = tpu.memref_slice %dma_wait3A_143[%dma_wait3A_138, %dma_wait3A_144, %dma_wait3A_145] : memref<2x100x128xf32, #tpu.memory_space<vmem>> -> memref<1x100x128xf32, #tpu.memory_space<vmem>>
        %dma_wait3A_147 = tpu.memref_squeeze %dma_wait3A_146 : memref<1x100x128xf32, #tpu.memory_space<vmem>> -> memref<100x128xf32, #tpu.memory_space<vmem>>
        %dma_wait3A_148 = arith.constant 0 : i32
        %dma_wait3A_149 = arith.constant 0 : i32
        %dma_wait3A_150 = tpu.memref_slice %arg6[%dma_wait3A, %dma_wait3A_148, %dma_wait3A_149] : memref<4x2x100xi32, #tpu.memory_space<vmem>> -> memref<1x2x100xi32, #tpu.memory_space<vmem>>
        %dma_wait3A_151 = tpu.memref_squeeze %dma_wait3A_150 : memref<1x2x100xi32, #tpu.memory_space<vmem>> -> memref<2x100xi32, #tpu.memory_space<vmem>>
        %dma_wait3A_152 = arith.constant 0 : i32
        %dma_wait3A_153 = tpu.memref_slice %dma_wait3A_151[%dma_wait3A_136, %dma_wait3A_152] : memref<2x100xi32, #tpu.memory_space<vmem>> -> memref<1x100xi32, #tpu.memory_space<vmem>>
        %dma_wait3A_154 = tpu.memref_squeeze %dma_wait3A_153 : memref<1x100xi32, #tpu.memory_space<vmem>> -> memref<100xi32, #tpu.memory_space<vmem>>
        %dma_wait3A_155 = arith.constant 0 : i32
        %dma_wait3A_156 = arith.constant 0 : i32
        %dma_wait3A_157 = tpu.memref_slice %arg2[%dma_wait3A_155, %dma_wait3A_156] : memref<100000x128xf32, #tpu.memory_space<hbm>> -> memref<100000x128xf32, #tpu.memory_space<hbm>>
        tpu.wait_indirect_dma semaphore(%arg13 : memref<!tpu.dma_semaphore, #tpu.memory_space<semaphore_mem>>) src(%dma_wait3A_157 : memref<100000x128xf32, #tpu.memory_space<hbm>>) dst(%dma_wait3A_147 : memref<100x128xf32, #tpu.memory_space<vmem>>)
        %dma_wait3A_158 = arith.constant 0 : i32
        %dma_wait3A_159 = arith.constant 1 : i32
        %dma_wait3A_160 = arith.constant 0 : i32
        %dma_wait3A_161 = arith.constant 1 : i32
        %dma_wait3A_162 = arith.constant 0 : i32
        %dma_wait3A_163 = arith.constant 0 : i32
        %dma_wait3A_164 = arith.constant 0 : i32
        %dma_wait3A_165 = tpu.memref_slice %arg7[%dma_wait3A_160, %dma_wait3A_162, %dma_wait3A_163, %dma_wait3A_164] : memref<4x2x100x128xf32, #tpu.memory_space<vmem>> -> memref<1x2x100x128xf32, #tpu.memory_space<vmem>>
        %dma_wait3A_166 = tpu.memref_squeeze %dma_wait3A_165 : memref<1x2x100x128xf32, #tpu.memory_space<vmem>> -> memref<2x100x128xf32, #tpu.memory_space<vmem>>
        %dma_wait3A_167 = arith.constant 0 : i32
        %dma_wait3A_168 = arith.constant 0 : i32
        %dma_wait3A_169 = tpu.memref_slice %dma_wait3A_166[%dma_wait3A_161, %dma_wait3A_167, %dma_wait3A_168] : memref<2x100x128xf32, #tpu.memory_space<vmem>> -> memref<1x100x128xf32, #tpu.memory_space<vmem>>
        %dma_wait3A_170 = tpu.memref_squeeze %dma_wait3A_169 : memref<1x100x128xf32, #tpu.memory_space<vmem>> -> memref<100x128xf32, #tpu.memory_space<vmem>>
        %dma_wait3A_171 = arith.constant 0 : i32
        %dma_wait3A_172 = arith.constant 0 : i32
        %dma_wait3A_173 = tpu.memref_slice %arg6[%dma_wait3A_158, %dma_wait3A_171, %dma_wait3A_172] : memref<4x2x100xi32, #tpu.memory_space<vmem>> -> memref<1x2x100xi32, #tpu.memory_space<vmem>>
        %dma_wait3A_174 = tpu.memref_squeeze %dma_wait3A_173 : memref<1x2x100xi32, #tpu.memory_space<vmem>> -> memref<2x100xi32, #tpu.memory_space<vmem>>
        %dma_wait3A_175 = arith.constant 0 : i32
        %dma_wait3A_176 = tpu.memref_slice %dma_wait3A_174[%dma_wait3A_159, %dma_wait3A_175] : memref<2x100xi32, #tpu.memory_space<vmem>> -> memref<1x100xi32, #tpu.memory_space<vmem>>
        %dma_wait3A_177 = tpu.memref_squeeze %dma_wait3A_176 : memref<1x100xi32, #tpu.memory_space<vmem>> -> memref<100xi32, #tpu.memory_space<vmem>>
        %dma_wait3A_178 = arith.constant 0 : i32
        %dma_wait3A_179 = arith.constant 0 : i32
        %dma_wait3A_180 = tpu.memref_slice %arg2[%dma_wait3A_178, %dma_wait3A_179] : memref<100000x128xf32, #tpu.memory_space<hbm>> -> memref<100000x128xf32, #tpu.memory_space<hbm>>
        tpu.wait_indirect_dma semaphore(%arg13 : memref<!tpu.dma_semaphore, #tpu.memory_space<semaphore_mem>>) src(%dma_wait3A_180 : memref<100000x128xf32, #tpu.memory_space<hbm>>) dst(%dma_wait3A_170 : memref<100x128xf32, #tpu.memory_space<vmem>>)
        %scan3A_181 = arith.constant 0 : i32
        %scan3A_182 = arith.constant 0 : i32
        %scan3A_183 = arith.constant 100 : i32
        %scan3A_184 = arith.addi %scan3A_182, %scan3A_183 : i32
        %scan3A_185 = arith.constant 1 : i32
        scf.for %scan3A_207 = %scan3A_182 to %scan3A_184 step %scan3A_185  : i32 {
          %get3A = arith.constant 0 : i32
          %get3A_208 = arith.constant 1 : i32
          %get3A_209 = arith.index_cast %get3A : i32 to index
          %get3A_210 = arith.index_cast %get3A_208 : i32 to index
          %get3A_211 = arith.index_cast %scan3A_207 : i32 to index
          %get3A_212 = arith.constant 0 : index
          %get3A_213 = tpu.vector_load %arg7[%get3A_209, %get3A_210, %get3A_211, %get3A_212] {strides = array<i32>} : memref<4x2x100x128xf32, #tpu.memory_space<vmem>>, vector<1x1x1x16xf32>,
          %get3A_214 = vector.shape_cast %get3A_213 : vector<1x1x1x16xf32> to vector<16xf32>
          %get3A_215 = arith.index_cast %scan3A_207 : i32 to index
          %get3A_216 = arith.constant 0 : index
          %get3A_217 = tpu.vector_load %arg8[%get3A_215, %get3A_216] {strides = array<i32>} : memref<100x128xf32, #tpu.memory_space<vmem>>, vector<1x16xf32>,
          %get3A_218 = vector.shape_cast %get3A_217 : vector<1x16xf32> to vector<16xf32>
          %add3A_219 = arith.addf %get3A_214, %get3A_218 : vector<16xf32>
          %swap3A = arith.constant 0 : i32
          %swap3A_220 = arith.constant 1 : i32
          %swap3A_221 = arith.index_cast %swap3A : i32 to index
          %swap3A_222 = arith.index_cast %swap3A_220 : i32 to index
          %swap3A_223 = arith.index_cast %scan3A_207 : i32 to index
          %swap3A_224 = arith.constant 0 : index
          %swap3A_225 = tpu.vector_load %arg7[%swap3A_221, %swap3A_222, %swap3A_223, %swap3A_224] {strides = array<i32>} : memref<4x2x100x128xf32, #tpu.memory_space<vmem>>, vector<1x1x1x16xf32>,
          %swap3A_226 = vector.shape_cast %swap3A_225 : vector<1x1x1x16xf32> to vector<16xf32>
          %swap3A_227 = vector.shape_cast %add3A_219 : vector<16xf32> to vector<1x1x1x16xf32>
          tpu.vector_store %arg7[%swap3A_221, %swap3A_222, %swap3A_223, %swap3A_224], %swap3A_227 {strides = array<i32>} : memref<4x2x100x128xf32, #tpu.memory_space<vmem>>, vector<1x1x1x16xf32>,
          %get3A_228 = arith.constant 0 : i32
          %get3A_229 = arith.constant 1 : i32
          %get3A_230 = arith.index_cast %get3A_228 : i32 to index
          %get3A_231 = arith.index_cast %get3A_229 : i32 to index
          %get3A_232 = arith.index_cast %scan3A_207 : i32 to index
          %get3A_233 = arith.constant 16 : index
          %get3A_234 = tpu.vector_load %arg7[%get3A_230, %get3A_231, %get3A_232, %get3A_233] {strides = array<i32>} : memref<4x2x100x128xf32, #tpu.memory_space<vmem>>, vector<1x1x1x16xf32>,
          %get3A_235 = vector.shape_cast %get3A_234 : vector<1x1x1x16xf32> to vector<16xf32>
          %get3A_236 = arith.index_cast %scan3A_207 : i32 to index
          %get3A_237 = arith.constant 16 : index
          %get3A_238 = tpu.vector_load %arg8[%get3A_236, %get3A_237] {strides = array<i32>} : memref<100x128xf32, #tpu.memory_space<vmem>>, vector<1x16xf32>,
          %get3A_239 = vector.shape_cast %get3A_238 : vector<1x16xf32> to vector<16xf32>
          %add3A_240 = arith.addf %get3A_235, %get3A_239 : vector<16xf32>
          %swap3A_241 = arith.constant 0 : i32
          %swap3A_242 = arith.constant 1 : i32
          %swap3A_243 = arith.index_cast %swap3A_241 : i32 to index
          %swap3A_244 = arith.index_cast %swap3A_242 : i32 to index
          %swap3A_245 = arith.index_cast %scan3A_207 : i32 to index
          %swap3A_246 = arith.constant 16 : index
          %swap3A_247 = tpu.vector_load %arg7[%swap3A_243, %swap3A_244, %swap3A_245, %swap3A_246] {strides = array<i32>} : memref<4x2x100x128xf32, #tpu.memory_space<vmem>>, vector<1x1x1x16xf32>,
          %swap3A_248 = vector.shape_cast %swap3A_247 : vector<1x1x1x16xf32> to vector<16xf32>
          %swap3A_249 = vector.shape_cast %add3A_240 : vector<16xf32> to vector<1x1x1x16xf32>
          tpu.vector_store %arg7[%swap3A_243, %swap3A_244, %swap3A_245, %swap3A_246], %swap3A_249 {strides = array<i32>} : memref<4x2x100x128xf32, #tpu.memory_space<vmem>>, vector<1x1x1x16xf32>,
          %get3A_250 = arith.constant 0 : i32
          %get3A_251 = arith.constant 1 : i32
          %get3A_252 = arith.index_cast %get3A_250 : i32 to index
          %get3A_253 = arith.index_cast %get3A_251 : i32 to index
          %get3A_254 = arith.index_cast %scan3A_207 : i32 to index
          %get3A_255 = arith.constant 32 : index
          %get3A_256 = tpu.vector_load %arg7[%get3A_252, %get3A_253, %get3A_254, %get3A_255] {strides = array<i32>} : memref<4x2x100x128xf32, #tpu.memory_space<vmem>>, vector<1x1x1x16xf32>,
          %get3A_257 = vector.shape_cast %get3A_256 : vector<1x1x1x16xf32> to vector<16xf32>
          %get3A_258 = arith.index_cast %scan3A_207 : i32 to index
          %get3A_259 = arith.constant 32 : index
          %get3A_260 = tpu.vector_load %arg8[%get3A_258, %get3A_259] {strides = array<i32>} : memref<100x128xf32, #tpu.memory_space<vmem>>, vector<1x16xf32>,
          %get3A_261 = vector.shape_cast %get3A_260 : vector<1x16xf32> to vector<16xf32>
          %add3A_262 = arith.addf %get3A_257, %get3A_261 : vector<16xf32>
          %swap3A_263 = arith.constant 0 : i32
          %swap3A_264 = arith.constant 1 : i32
          %swap3A_265 = arith.index_cast %swap3A_263 : i32 to index
          %swap3A_266 = arith.index_cast %swap3A_264 : i32 to index
          %swap3A_267 = arith.index_cast %scan3A_207 : i32 to index
          %swap3A_268 = arith.constant 32 : index
          %swap3A_269 = tpu.vector_load %arg7[%swap3A_265, %swap3A_266, %swap3A_267, %swap3A_268] {strides = array<i32>} : memref<4x2x100x128xf32, #tpu.memory_space<vmem>>, vector<1x1x1x16xf32>,
          %swap3A_270 = vector.shape_cast %swap3A_269 : vector<1x1x1x16xf32> to vector<16xf32>
          %swap3A_271 = vector.shape_cast %add3A_262 : vector<16xf32> to vector<1x1x1x16xf32>
          tpu.vector_store %arg7[%swap3A_265, %swap3A_266, %swap3A_267, %swap3A_268], %swap3A_271 {strides = array<i32>} : memref<4x2x100x128xf32, #tpu.memory_space<vmem>>, vector<1x1x1x16xf32>,
          %get3A_272 = arith.constant 0 : i32
          %get3A_273 = arith.constant 1 : i32
          %get3A_274 = arith.index_cast %get3A_272 : i32 to index
          %get3A_275 = arith.index_cast %get3A_273 : i32 to index
          %get3A_276 = arith.index_cast %scan3A_207 : i32 to index
          %get3A_277 = arith.constant 48 : index
          %get3A_278 = tpu.vector_load %arg7[%get3A_274, %get3A_275, %get3A_276, %get3A_277] {strides = array<i32>} : memref<4x2x100x128xf32, #tpu.memory_space<vmem>>, vector<1x1x1x16xf32>,
          %get3A_279 = vector.shape_cast %get3A_278 : vector<1x1x1x16xf32> to vector<16xf32>
          %get3A_280 = arith.index_cast %scan3A_207 : i32 to index
          %get3A_281 = arith.constant 48 : index
          %get3A_282 = tpu.vector_load %arg8[%get3A_280, %get3A_281] {strides = array<i32>} : memref<100x128xf32, #tpu.memory_space<vmem>>, vector<1x16xf32>,
          %get3A_283 = vector.shape_cast %get3A_282 : vector<1x16xf32> to vector<16xf32>
          %add3A_284 = arith.addf %get3A_279, %get3A_283 : vector<16xf32>
          %swap3A_285 = arith.constant 0 : i32
          %swap3A_286 = arith.constant 1 : i32
          %swap3A_287 = arith.index_cast %swap3A_285 : i32 to index
          %swap3A_288 = arith.index_cast %swap3A_286 : i32 to index
          %swap3A_289 = arith.index_cast %scan3A_207 : i32 to index
          %swap3A_290 = arith.constant 48 : index
          %swap3A_291 = tpu.vector_load %arg7[%swap3A_287, %swap3A_288, %swap3A_289, %swap3A_290] {strides = array<i32>} : memref<4x2x100x128xf32, #tpu.memory_space<vmem>>, vector<1x1x1x16xf32>,
          %swap3A_292 = vector.shape_cast %swap3A_291 : vector<1x1x1x16xf32> to vector<16xf32>
          %swap3A_293 = vector.shape_cast %add3A_284 : vector<16xf32> to vector<1x1x1x16xf32>
          tpu.vector_store %arg7[%swap3A_287, %swap3A_288, %swap3A_289, %swap3A_290], %swap3A_293 {strides = array<i32>} : memref<4x2x100x128xf32, #tpu.memory_space<vmem>>, vector<1x1x1x16xf32>,
          %get3A_294 = arith.constant 0 : i32
          %get3A_295 = arith.constant 1 : i32
          %get3A_296 = arith.index_cast %get3A_294 : i32 to index
          %get3A_297 = arith.index_cast %get3A_295 : i32 to index
          %get3A_298 = arith.index_cast %scan3A_207 : i32 to index
          %get3A_299 = arith.constant 64 : index
          %get3A_300 = tpu.vector_load %arg7[%get3A_296, %get3A_297, %get3A_298, %get3A_299] {strides = array<i32>} : memref<4x2x100x128xf32, #tpu.memory_space<vmem>>, vector<1x1x1x16xf32>,
          %get3A_301 = vector.shape_cast %get3A_300 : vector<1x1x1x16xf32> to vector<16xf32>
          %get3A_302 = arith.index_cast %scan3A_207 : i32 to index
          %get3A_303 = arith.constant 64 : index
          %get3A_304 = tpu.vector_load %arg8[%get3A_302, %get3A_303] {strides = array<i32>} : memref<100x128xf32, #tpu.memory_space<vmem>>, vector<1x16xf32>,
          %get3A_305 = vector.shape_cast %get3A_304 : vector<1x16xf32> to vector<16xf32>
          %add3A_306 = arith.addf %get3A_301, %get3A_305 : vector<16xf32>
          %swap3A_307 = arith.constant 0 : i32
          %swap3A_308 = arith.constant 1 : i32
          %swap3A_309 = arith.index_cast %swap3A_307 : i32 to index
          %swap3A_310 = arith.index_cast %swap3A_308 : i32 to index
          %swap3A_311 = arith.index_cast %scan3A_207 : i32 to index
          %swap3A_312 = arith.constant 64 : index
          %swap3A_313 = tpu.vector_load %arg7[%swap3A_309, %swap3A_310, %swap3A_311, %swap3A_312] {strides = array<i32>} : memref<4x2x100x128xf32, #tpu.memory_space<vmem>>, vector<1x1x1x16xf32>,
          %swap3A_314 = vector.shape_cast %swap3A_313 : vector<1x1x1x16xf32> to vector<16xf32>
          %swap3A_315 = vector.shape_cast %add3A_306 : vector<16xf32> to vector<1x1x1x16xf32>
          tpu.vector_store %arg7[%swap3A_309, %swap3A_310, %swap3A_311, %swap3A_312], %swap3A_315 {strides = array<i32>} : memref<4x2x100x128xf32, #tpu.memory_space<vmem>>, vector<1x1x1x16xf32>,
          %get3A_316 = arith.constant 0 : i32
          %get3A_317 = arith.constant 1 : i32
          %get3A_318 = arith.index_cast %get3A_316 : i32 to index
          %get3A_319 = arith.index_cast %get3A_317 : i32 to index
          %get3A_320 = arith.index_cast %scan3A_207 : i32 to index
          %get3A_321 = arith.constant 80 : index
          %get3A_322 = tpu.vector_load %arg7[%get3A_318, %get3A_319, %get3A_320, %get3A_321] {strides = array<i32>} : memref<4x2x100x128xf32, #tpu.memory_space<vmem>>, vector<1x1x1x16xf32>,
          %get3A_323 = vector.shape_cast %get3A_322 : vector<1x1x1x16xf32> to vector<16xf32>
          %get3A_324 = arith.index_cast %scan3A_207 : i32 to index
          %get3A_325 = arith.constant 80 : index
          %get3A_326 = tpu.vector_load %arg8[%get3A_324, %get3A_325] {strides = array<i32>} : memref<100x128xf32, #tpu.memory_space<vmem>>, vector<1x16xf32>,
          %get3A_327 = vector.shape_cast %get3A_326 : vector<1x16xf32> to vector<16xf32>
          %add3A_328 = arith.addf %get3A_323, %get3A_327 : vector<16xf32>
          %swap3A_329 = arith.constant 0 : i32
          %swap3A_330 = arith.constant 1 : i32
          %swap3A_331 = arith.index_cast %swap3A_329 : i32 to index
          %swap3A_332 = arith.index_cast %swap3A_330 : i32 to index
          %swap3A_333 = arith.index_cast %scan3A_207 : i32 to index
          %swap3A_334 = arith.constant 80 : index
          %swap3A_335 = tpu.vector_load %arg7[%swap3A_331, %swap3A_332, %swap3A_333, %swap3A_334] {strides = array<i32>} : memref<4x2x100x128xf32, #tpu.memory_space<vmem>>, vector<1x1x1x16xf32>,
          %swap3A_336 = vector.shape_cast %swap3A_335 : vector<1x1x1x16xf32> to vector<16xf32>
          %swap3A_337 = vector.shape_cast %add3A_328 : vector<16xf32> to vector<1x1x1x16xf32>
          tpu.vector_store %arg7[%swap3A_331, %swap3A_332, %swap3A_333, %swap3A_334], %swap3A_337 {strides = array<i32>} : memref<4x2x100x128xf32, #tpu.memory_space<vmem>>, vector<1x1x1x16xf32>,
          %get3A_338 = arith.constant 0 : i32
          %get3A_339 = arith.constant 1 : i32
          %get3A_340 = arith.index_cast %get3A_338 : i32 to index
          %get3A_341 = arith.index_cast %get3A_339 : i32 to index
          %get3A_342 = arith.index_cast %scan3A_207 : i32 to index
          %get3A_343 = arith.constant 96 : index
          %get3A_344 = tpu.vector_load %arg7[%get3A_340, %get3A_341, %get3A_342, %get3A_343] {strides = array<i32>} : memref<4x2x100x128xf32, #tpu.memory_space<vmem>>, vector<1x1x1x16xf32>,
          %get3A_345 = vector.shape_cast %get3A_344 : vector<1x1x1x16xf32> to vector<16xf32>
          %get3A_346 = arith.index_cast %scan3A_207 : i32 to index
          %get3A_347 = arith.constant 96 : index
          %get3A_348 = tpu.vector_load %arg8[%get3A_346, %get3A_347] {strides = array<i32>} : memref<100x128xf32, #tpu.memory_space<vmem>>, vector<1x16xf32>,
          %get3A_349 = vector.shape_cast %get3A_348 : vector<1x16xf32> to vector<16xf32>
          %add3A_350 = arith.addf %get3A_345, %get3A_349 : vector<16xf32>
          %swap3A_351 = arith.constant 0 : i32
          %swap3A_352 = arith.constant 1 : i32
          %swap3A_353 = arith.index_cast %swap3A_351 : i32 to index
          %swap3A_354 = arith.index_cast %swap3A_352 : i32 to index
          %swap3A_355 = arith.index_cast %scan3A_207 : i32 to index
          %swap3A_356 = arith.constant 96 : index
          %swap3A_357 = tpu.vector_load %arg7[%swap3A_353, %swap3A_354, %swap3A_355, %swap3A_356] {strides = array<i32>} : memref<4x2x100x128xf32, #tpu.memory_space<vmem>>, vector<1x1x1x16xf32>,
          %swap3A_358 = vector.shape_cast %swap3A_357 : vector<1x1x1x16xf32> to vector<16xf32>
          %swap3A_359 = vector.shape_cast %add3A_350 : vector<16xf32> to vector<1x1x1x16xf32>
          tpu.vector_store %arg7[%swap3A_353, %swap3A_354, %swap3A_355, %swap3A_356], %swap3A_359 {strides = array<i32>} : memref<4x2x100x128xf32, #tpu.memory_space<vmem>>, vector<1x1x1x16xf32>,
          %get3A_360 = arith.constant 0 : i32
          %get3A_361 = arith.constant 1 : i32
          %get3A_362 = arith.index_cast %get3A_360 : i32 to index
          %get3A_363 = arith.index_cast %get3A_361 : i32 to index
          %get3A_364 = arith.index_cast %scan3A_207 : i32 to index
          %get3A_365 = arith.constant 112 : index
          %get3A_366 = tpu.vector_load %arg7[%get3A_362, %get3A_363, %get3A_364, %get3A_365] {strides = array<i32>} : memref<4x2x100x128xf32, #tpu.memory_space<vmem>>, vector<1x1x1x16xf32>,
          %get3A_367 = vector.shape_cast %get3A_366 : vector<1x1x1x16xf32> to vector<16xf32>
          %get3A_368 = arith.index_cast %scan3A_207 : i32 to index
          %get3A_369 = arith.constant 112 : index
          %get3A_370 = tpu.vector_load %arg8[%get3A_368, %get3A_369] {strides = array<i32>} : memref<100x128xf32, #tpu.memory_space<vmem>>, vector<1x16xf32>,
          %get3A_371 = vector.shape_cast %get3A_370 : vector<1x16xf32> to vector<16xf32>
          %add3A_372 = arith.addf %get3A_367, %get3A_371 : vector<16xf32>
          %swap3A_373 = arith.constant 0 : i32
          %swap3A_374 = arith.constant 1 : i32
          %swap3A_375 = arith.index_cast %swap3A_373 : i32 to index
          %swap3A_376 = arith.index_cast %swap3A_374 : i32 to index
          %swap3A_377 = arith.index_cast %scan3A_207 : i32 to index
          %swap3A_378 = arith.constant 112 : index
          %swap3A_379 = tpu.vector_load %arg7[%swap3A_375, %swap3A_376, %swap3A_377, %swap3A_378] {strides = array<i32>} : memref<4x2x100x128xf32, #tpu.memory_space<vmem>>, vector<1x1x1x16xf32>,
          %swap3A_380 = vector.shape_cast %swap3A_379 : vector<1x1x1x16xf32> to vector<16xf32>
          %swap3A_381 = vector.shape_cast %add3A_372 : vector<16xf32> to vector<1x1x1x16xf32>
          tpu.vector_store %arg7[%swap3A_375, %swap3A_376, %swap3A_377, %swap3A_378], %swap3A_381 {strides = array<i32>} : memref<4x2x100x128xf32, #tpu.memory_space<vmem>>, vector<1x1x1x16xf32>,
        }
        %scan3A_186 = arith.constant 100 : i32
        %sub3A = arith.constant 2 : i32
        %sub3A_187 = arith.subi %add3A_73, %sub3A : i32
        %mul3A_188 = arith.constant 2 : i32
        %mul3A_189 = arith.muli %sub3A_187, %mul3A_188 : i32
        %add3A_190 = arith.addi %mul3A_2, %mul3A_189 : i32
        %dma_start3A = arith.constant 0 : i32
        %dma_start3A_191 = arith.constant 0 : i32
        %dma_start3A_192 = arith.constant 0 : i32
        %dma_start3A_193 = arith.constant 0 : i32
        %dma_start3A_194 = tpu.memref_slice %arg7[%dma_start3A, %dma_start3A_191, %dma_start3A_192, %dma_start3A_193] : memref<4x2x100x128xf32, #tpu.memory_space<vmem>> -> memref<1x2x100x128xf32, #tpu.memory_space<vmem>>
        %dma_start3A_195 = tpu.memref_squeeze %dma_start3A_194 : memref<1x2x100x128xf32, #tpu.memory_space<vmem>> -> memref<2x100x128xf32, #tpu.memory_space<vmem>>
        %dma_start3A_196 = arith.constant 0 : i32
        %dma_start3A_197 = arith.constant 0 : i32
        %dma_start3A_198 = tpu.memref_slice %arg5[%add3A_190, %dma_start3A_196, %dma_start3A_197] : memref<16384x100x128xf32, #tpu.memory_space<hbm>> -> memref<2x100x128xf32, #tpu.memory_space<hbm>>
        %dma_start3A_199 = arith.constant 0 : i32
        %dma_start3A_200 = arith.constant 0 : i32
        %dma_start3A_201 = tpu.memref_slice %arg5[%add3A_190, %dma_start3A_199, %dma_start3A_200] : memref<16384x100x128xf32, #tpu.memory_space<hbm>> -> memref<2x100x128xf32, #tpu.memory_space<hbm>>
        %dma_start3A_202 = arith.constant 0 : i32
        %dma_start3A_203 = arith.constant 0 : i32
        %dma_start3A_204 = arith.constant 0 : i32
        %dma_start3A_205 = tpu.memref_slice %arg7[%dma_start3A, %dma_start3A_202, %dma_start3A_203, %dma_start3A_204] : memref<4x2x100x128xf32, #tpu.memory_space<vmem>> -> memref<1x2x100x128xf32, #tpu.memory_space<vmem>>
        %dma_start3A_206 = tpu.memref_squeeze %dma_start3A_205 : memref<1x2x100x128xf32, #tpu.memory_space<vmem>> -> memref<2x100x128xf32, #tpu.memory_space<vmem>>
        tpu.enqueue_dma source(%dma_start3A_206 : memref<2x100x128xf32, #tpu.memory_space<vmem>>) target(%dma_start3A_201 : memref<2x100x128xf32, #tpu.memory_space<hbm>>) target_semaphore(%arg17 : memref<!tpu.dma_semaphore, #tpu.memory_space<semaphore_mem>>)
      } else {
      }
      %mul3A_103 = arith.constant 4 : i32
      %mul3A_104 = arith.muli %scan3A_8, %mul3A_103 : i32
      %add3A_105 = arith.constant 3 : i32
      %add3A_106 = arith.addi %mul3A_104, %add3A_105 : i32
      %ge3A_107 = arith.constant 4 : i32
      %ge3A_108 = arith.cmpi sge, %add3A_106, %ge3A_107 : i32
      %lt3A_109 = arith.constant 260 : i32
      %lt3A_110 = arith.cmpi slt, %add3A_106, %lt3A_109 : i32
      %and3A_111 = arith.andi %ge3A_108, %lt3A_110 : i1
      %convert_element_type3A_112 = arith.extui %and3A_111 : i1 to i32
      %cond3A_113 = arith.constant 0 : i32
      %cond3A_114 = arith.cmpi ne, %convert_element_type3A_112, %cond3A_113 : i32
      scf.if %cond3A_114 {
        %sub3A = arith.constant 4 : i32
        %sub3A_136 = arith.subi %add3A_106, %sub3A : i32
        %mul3A_137 = arith.constant 2 : i32
        %mul3A_138 = arith.muli %sub3A_136, %mul3A_137 : i32
        %add3A_139 = arith.addi %mul3A_2, %mul3A_138 : i32
        %dma_wait3A = arith.constant 3 : i32
        %dma_wait3A_140 = arith.constant 0 : i32
        %dma_wait3A_141 = arith.constant 0 : i32
        %dma_wait3A_142 = arith.constant 0 : i32
        %dma_wait3A_143 = tpu.memref_slice %arg7[%dma_wait3A, %dma_wait3A_140, %dma_wait3A_141, %dma_wait3A_142] : memref<4x2x100x128xf32, #tpu.memory_space<vmem>> -> memref<1x2x100x128xf32, #tpu.memory_space<vmem>>
        %dma_wait3A_144 = tpu.memref_squeeze %dma_wait3A_143 : memref<1x2x100x128xf32, #tpu.memory_space<vmem>> -> memref<2x100x128xf32, #tpu.memory_space<vmem>>
        %dma_wait3A_145 = arith.constant 0 : i32
        %dma_wait3A_146 = arith.constant 0 : i32
        %dma_wait3A_147 = tpu.memref_slice %arg5[%add3A_139, %dma_wait3A_145, %dma_wait3A_146] : memref<16384x100x128xf32, #tpu.memory_space<hbm>> -> memref<2x100x128xf32, #tpu.memory_space<hbm>>
        %dma_wait3A_148 = arith.constant 0 : i32
        %dma_wait3A_149 = arith.constant 0 : i32
        %dma_wait3A_150 = tpu.memref_slice %arg5[%add3A_139, %dma_wait3A_148, %dma_wait3A_149] : memref<16384x100x128xf32, #tpu.memory_space<hbm>> -> memref<2x100x128xf32, #tpu.memory_space<hbm>>
        %dma_wait3A_151 = arith.constant 0 : i32
        %dma_wait3A_152 = arith.constant 0 : i32
        %dma_wait3A_153 = arith.constant 0 : i32
        %dma_wait3A_154 = tpu.memref_slice %arg7[%dma_wait3A, %dma_wait3A_151, %dma_wait3A_152, %dma_wait3A_153] : memref<4x2x100x128xf32, #tpu.memory_space<vmem>> -> memref<1x2x100x128xf32, #tpu.memory_space<vmem>>
        %dma_wait3A_155 = tpu.memref_squeeze %dma_wait3A_154 : memref<1x2x100x128xf32, #tpu.memory_space<vmem>> -> memref<2x100x128xf32, #tpu.memory_space<vmem>>
        tpu.wait_dma2 semaphore(%arg20 : memref<!tpu.dma_semaphore, #tpu.memory_space<semaphore_mem>>) src(%dma_wait3A_155 : memref<2x100x128xf32, #tpu.memory_space<vmem>>) dst(%dma_wait3A_150 : memref<2x100x128xf32, #tpu.memory_space<hbm>>)
      } else {
      }
      %lt3A_115 = arith.constant 256 : i32
      %lt3A_116 = arith.cmpi slt, %add3A_106, %lt3A_115 : i32
      %convert_element_type3A_117 = arith.extui %lt3A_116 : i1 to i32
      %cond3A_118 = arith.constant 0 : i32
      %cond3A_119 = arith.cmpi ne, %convert_element_type3A_117, %cond3A_118 : i32
      scf.if %cond3A_119 {
        %mul3A_136 = arith.constant 2 : i32
        %mul3A_137 = arith.muli %add3A_106, %mul3A_136 : i32
        %add3A_138 = arith.addi %mul3A_2, %mul3A_137 : i32
        %dma_start3A = arith.constant 3 : i32
        %dma_start3A_139 = arith.constant 0 : i32
        %dma_start3A_140 = arith.constant 0 : i32
        %dma_start3A_141 = tpu.memref_slice %arg6[%dma_start3A, %dma_start3A_139, %dma_start3A_140] : memref<4x2x100xi32, #tpu.memory_space<vmem>> -> memref<1x2x100xi32, #tpu.memory_space<vmem>>
        %dma_start3A_142 = tpu.memref_squeeze %dma_start3A_141 : memref<1x2x100xi32, #tpu.memory_space<vmem>> -> memref<2x100xi32, #tpu.memory_space<vmem>>
        %dma_start3A_143 = arith.constant 0 : i32
        %dma_start3A_144 = tpu.memref_slice %arg4[%add3A_138, %dma_start3A_143] : memref<16384x100xi32, #tpu.memory_space<hbm>> -> memref<2x100xi32, #tpu.memory_space<hbm>>
        %dma_start3A_145 = arith.constant 0 : i32
        %dma_start3A_146 = arith.constant 0 : i32
        %dma_start3A_147 = tpu.memref_slice %arg6[%dma_start3A, %dma_start3A_145, %dma_start3A_146] : memref<4x2x100xi32, #tpu.memory_space<vmem>> -> memref<1x2x100xi32, #tpu.memory_space<vmem>>
        %dma_start3A_148 = tpu.memref_squeeze %dma_start3A_147 : memref<1x2x100xi32, #tpu.memory_space<vmem>> -> memref<2x100xi32, #tpu.memory_space<vmem>>
        %dma_start3A_149 = arith.constant 0 : i32
        %dma_start3A_150 = tpu.memref_slice %arg4[%add3A_138, %dma_start3A_149] : memref<16384x100xi32, #tpu.memory_space<hbm>> -> memref<2x100xi32, #tpu.memory_space<hbm>>
        tpu.enqueue_dma source(%dma_start3A_150 : memref<2x100xi32, #tpu.memory_space<hbm>>) target(%dma_start3A_148 : memref<2x100xi32, #tpu.memory_space<vmem>>) target_semaphore(%arg12 : memref<!tpu.dma_semaphore, #tpu.memory_space<semaphore_mem>>)
      } else {
      }
      %ge3A_120 = arith.constant 1 : i32
      %ge3A_121 = arith.cmpi sge, %add3A_106, %ge3A_120 : i32
      %lt3A_122 = arith.constant 257 : i32
      %lt3A_123 = arith.cmpi slt, %add3A_106, %lt3A_122 : i32
      %and3A_124 = arith.andi %ge3A_121, %lt3A_123 : i1
      %convert_element_type3A_125 = arith.extui %and3A_124 : i1 to i32
      %cond3A_126 = arith.constant 0 : i32
      %cond3A_127 = arith.cmpi ne, %convert_element_type3A_125, %cond3A_126 : i32
      scf.if %cond3A_127 {
        %sub3A = arith.constant 1 : i32
        %sub3A_136 = arith.subi %add3A_106, %sub3A : i32
        %mul3A_137 = arith.constant 2 : i32
        %mul3A_138 = arith.muli %sub3A_136, %mul3A_137 : i32
        %add3A_139 = arith.addi %mul3A_2, %mul3A_138 : i32
        %dma_wait3A = arith.constant 2 : i32
        %dma_wait3A_140 = arith.constant 0 : i32
        %dma_wait3A_141 = arith.constant 0 : i32
        %dma_wait3A_142 = tpu.memref_slice %arg6[%dma_wait3A, %dma_wait3A_140, %dma_wait3A_141] : memref<4x2x100xi32, #tpu.memory_space<vmem>> -> memref<1x2x100xi32, #tpu.memory_space<vmem>>
        %dma_wait3A_143 = tpu.memref_squeeze %dma_wait3A_142 : memref<1x2x100xi32, #tpu.memory_space<vmem>> -> memref<2x100xi32, #tpu.memory_space<vmem>>
        %dma_wait3A_144 = arith.constant 0 : i32
        %dma_wait3A_145 = tpu.memref_slice %arg4[%add3A_139, %dma_wait3A_144] : memref<16384x100xi32, #tpu.memory_space<hbm>> -> memref<2x100xi32, #tpu.memory_space<hbm>>
        %dma_wait3A_146 = arith.constant 0 : i32
        %dma_wait3A_147 = arith.constant 0 : i32
        %dma_wait3A_148 = tpu.memref_slice %arg6[%dma_wait3A, %dma_wait3A_146, %dma_wait3A_147] : memref<4x2x100xi32, #tpu.memory_space<vmem>> -> memref<1x2x100xi32, #tpu.memory_space<vmem>>
        %dma_wait3A_149 = tpu.memref_squeeze %dma_wait3A_148 : memref<1x2x100xi32, #tpu.memory_space<vmem>> -> memref<2x100xi32, #tpu.memory_space<vmem>>
        %dma_wait3A_150 = arith.constant 0 : i32
        %dma_wait3A_151 = tpu.memref_slice %arg4[%add3A_139, %dma_wait3A_150] : memref<16384x100xi32, #tpu.memory_space<hbm>> -> memref<2x100xi32, #tpu.memory_space<hbm>>
        tpu.wait_dma2 semaphore(%arg11 : memref<!tpu.dma_semaphore, #tpu.memory_space<semaphore_mem>>) src(%dma_wait3A_151 : memref<2x100xi32, #tpu.memory_space<hbm>>) dst(%dma_wait3A_149 : memref<2x100xi32, #tpu.memory_space<vmem>>)
        %dma_wait3A_152 = arith.constant 2 : i32
        %dma_wait3A_153 = arith.constant 0 : i32
        %dma_wait3A_154 = arith.constant 0 : i32
        %dma_wait3A_155 = arith.constant 0 : i32
        %dma_wait3A_156 = arith.constant 0 : i32
        %dma_wait3A_157 = tpu.memref_slice %arg7[%dma_wait3A_152, %dma_wait3A_154, %dma_wait3A_155, %dma_wait3A_156] : memref<4x2x100x128xf32, #tpu.memory_space<vmem>> -> memref<1x2x100x128xf32, #tpu.memory_space<vmem>>
        %dma_wait3A_158 = tpu.memref_squeeze %dma_wait3A_157 : memref<1x2x100x128xf32, #tpu.memory_space<vmem>> -> memref<2x100x128xf32, #tpu.memory_space<vmem>>
        %dma_wait3A_159 = arith.constant 0 : i32
        %dma_wait3A_160 = arith.constant 0 : i32
        %dma_wait3A_161 = tpu.memref_slice %dma_wait3A_158[%dma_wait3A_153, %dma_wait3A_159, %dma_wait3A_160] : memref<2x100x128xf32, #tpu.memory_space<vmem>> -> memref<1x100x128xf32, #tpu.memory_space<vmem>>
        %dma_wait3A_162 = tpu.memref_squeeze %dma_wait3A_161 : memref<1x100x128xf32, #tpu.memory_space<vmem>> -> memref<100x128xf32, #tpu.memory_space<vmem>>
        %dma_wait3A_163 = arith.constant 0 : i32
        %dma_wait3A_164 = arith.constant 0 : i32
        %dma_wait3A_165 = tpu.memref_slice %arg3[%add3A, %dma_wait3A_163, %dma_wait3A_164] : memref<32x100x128xf32, #tpu.memory_space<hbm>> -> memref<1x100x128xf32, #tpu.memory_space<hbm>>
        %dma_wait3A_166 = tpu.memref_squeeze %dma_wait3A_165 : memref<1x100x128xf32, #tpu.memory_space<hbm>> -> memref<100x128xf32, #tpu.memory_space<hbm>>
        %dma_wait3A_167 = arith.constant 0 : i32
        %dma_wait3A_168 = arith.constant 0 : i32
        %dma_wait3A_169 = arith.constant 0 : i32
        %dma_wait3A_170 = tpu.memref_slice %arg7[%dma_wait3A_152, %dma_wait3A_167, %dma_wait3A_168, %dma_wait3A_169] : memref<4x2x100x128xf32, #tpu.memory_space<vmem>> -> memref<1x2x100x128xf32, #tpu.memory_space<vmem>>
        %dma_wait3A_171 = tpu.memref_squeeze %dma_wait3A_170 : memref<1x2x100x128xf32, #tpu.memory_space<vmem>> -> memref<2x100x128xf32, #tpu.memory_space<vmem>>
        %dma_wait3A_172 = arith.constant 0 : i32
        %dma_wait3A_173 = arith.constant 0 : i32
        %dma_wait3A_174 = tpu.memref_slice %dma_wait3A_171[%dma_wait3A_153, %dma_wait3A_172, %dma_wait3A_173] : memref<2x100x128xf32, #tpu.memory_space<vmem>> -> memref<1x100x128xf32, #tpu.memory_space<vmem>>
        %dma_wait3A_175 = tpu.memref_squeeze %dma_wait3A_174 : memref<1x100x128xf32, #tpu.memory_space<vmem>> -> memref<100x128xf32, #tpu.memory_space<vmem>>
        %dma_wait3A_176 = arith.constant 0 : i32
        %dma_wait3A_177 = arith.constant 0 : i32
        %dma_wait3A_178 = tpu.memref_slice %arg3[%add3A, %dma_wait3A_176, %dma_wait3A_177] : memref<32x100x128xf32, #tpu.memory_space<hbm>> -> memref<1x100x128xf32, #tpu.memory_space<hbm>>
        %dma_wait3A_179 = tpu.memref_squeeze %dma_wait3A_178 : memref<1x100x128xf32, #tpu.memory_space<hbm>> -> memref<100x128xf32, #tpu.memory_space<hbm>>
        tpu.wait_dma2 semaphore(%arg11 : memref<!tpu.dma_semaphore, #tpu.memory_space<semaphore_mem>>) src(%dma_wait3A_179 : memref<100x128xf32, #tpu.memory_space<hbm>>) dst(%dma_wait3A_175 : memref<100x128xf32, #tpu.memory_space<vmem>>)
        %dma_start3A = arith.constant 2 : i32
        %dma_start3A_180 = arith.constant 0 : i32
        %dma_start3A_181 = arith.constant 2 : i32
        %dma_start3A_182 = arith.constant 0 : i32
        %dma_start3A_183 = arith.constant 0 : i32
        %dma_start3A_184 = arith.constant 0 : i32
        %dma_start3A_185 = arith.constant 0 : i32
        %dma_start3A_186 = tpu.memref_slice %arg7[%dma_start3A_181, %dma_start3A_183, %dma_start3A_184, %dma_start3A_185] : memref<4x2x100x128xf32, #tpu.memory_space<vmem>> -> memref<1x2x100x128xf32, #tpu.memory_space<vmem>>
        %dma_start3A_187 = tpu.memref_squeeze %dma_start3A_186 : memref<1x2x100x128xf32, #tpu.memory_space<vmem>> -> memref<2x100x128xf32, #tpu.memory_space<vmem>>
        %dma_start3A_188 = arith.constant 0 : i32
        %dma_start3A_189 = arith.constant 0 : i32
        %dma_start3A_190 = tpu.memref_slice %dma_start3A_187[%dma_start3A_182, %dma_start3A_188, %dma_start3A_189] : memref<2x100x128xf32, #tpu.memory_space<vmem>> -> memref<1x100x128xf32, #tpu.memory_space<vmem>>
        %dma_start3A_191 = tpu.memref_squeeze %dma_start3A_190 : memref<1x100x128xf32, #tpu.memory_space<vmem>> -> memref<100x128xf32, #tpu.memory_space<vmem>>
        %dma_start3A_192 = arith.constant 0 : i32
        %dma_start3A_193 = arith.constant 0 : i32
        %dma_start3A_194 = tpu.memref_slice %arg6[%dma_start3A, %dma_start3A_192, %dma_start3A_193] : memref<4x2x100xi32, #tpu.memory_space<vmem>> -> memref<1x2x100xi32, #tpu.memory_space<vmem>>
        %dma_start3A_195 = tpu.memref_squeeze %dma_start3A_194 : memref<1x2x100xi32, #tpu.memory_space<vmem>> -> memref<2x100xi32, #tpu.memory_space<vmem>>
        %dma_start3A_196 = arith.constant 0 : i32
        %dma_start3A_197 = tpu.memref_slice %dma_start3A_195[%dma_start3A_180, %dma_start3A_196] : memref<2x100xi32, #tpu.memory_space<vmem>> -> memref<1x100xi32, #tpu.memory_space<vmem>>
        %dma_start3A_198 = tpu.memref_squeeze %dma_start3A_197 : memref<1x100xi32, #tpu.memory_space<vmem>> -> memref<100xi32, #tpu.memory_space<vmem>>
        %dma_start3A_199 = arith.constant 0 : i32
        %dma_start3A_200 = arith.constant 0 : i32
        %dma_start3A_201 = tpu.memref_slice %arg2[%dma_start3A_199, %dma_start3A_200] : memref<100000x128xf32, #tpu.memory_space<hbm>> -> memref<100000x128xf32, #tpu.memory_space<hbm>>
        tpu.enqueue_indirect_dma source(%dma_start3A_201 : memref<100000x128xf32, #tpu.memory_space<hbm>>) target(%dma_start3A_191 : memref<100x128xf32, #tpu.memory_space<vmem>>) offsets(%dma_start3A_198 : memref<100xi32, #tpu.memory_space<vmem>>) semaphore(%arg15 : memref<!tpu.dma_semaphore, #tpu.memory_space<semaphore_mem>>) {add = true}
        %dma_start3A_202 = arith.constant 2 : i32
        %dma_start3A_203 = arith.constant 1 : i32
        %dma_start3A_204 = arith.constant 2 : i32
        %dma_start3A_205 = arith.constant 1 : i32
        %dma_start3A_206 = arith.constant 0 : i32
        %dma_start3A_207 = arith.constant 0 : i32
        %dma_start3A_208 = arith.constant 0 : i32
        %dma_start3A_209 = tpu.memref_slice %arg7[%dma_start3A_204, %dma_start3A_206, %dma_start3A_207, %dma_start3A_208] : memref<4x2x100x128xf32, #tpu.memory_space<vmem>> -> memref<1x2x100x128xf32, #tpu.memory_space<vmem>>
        %dma_start3A_210 = tpu.memref_squeeze %dma_start3A_209 : memref<1x2x100x128xf32, #tpu.memory_space<vmem>> -> memref<2x100x128xf32, #tpu.memory_space<vmem>>
        %dma_start3A_211 = arith.constant 0 : i32
        %dma_start3A_212 = arith.constant 0 : i32
        %dma_start3A_213 = tpu.memref_slice %dma_start3A_210[%dma_start3A_205, %dma_start3A_211, %dma_start3A_212] : memref<2x100x128xf32, #tpu.memory_space<vmem>> -> memref<1x100x128xf32, #tpu.memory_space<vmem>>
        %dma_start3A_214 = tpu.memref_squeeze %dma_start3A_213 : memref<1x100x128xf32, #tpu.memory_space<vmem>> -> memref<100x128xf32, #tpu.memory_space<vmem>>
        %dma_start3A_215 = arith.constant 0 : i32
        %dma_start3A_216 = arith.constant 0 : i32
        %dma_start3A_217 = tpu.memref_slice %arg6[%dma_start3A_202, %dma_start3A_215, %dma_start3A_216] : memref<4x2x100xi32, #tpu.memory_space<vmem>> -> memref<1x2x100xi32, #tpu.memory_space<vmem>>
        %dma_start3A_218 = tpu.memref_squeeze %dma_start3A_217 : memref<1x2x100xi32, #tpu.memory_space<vmem>> -> memref<2x100xi32, #tpu.memory_space<vmem>>
        %dma_start3A_219 = arith.constant 0 : i32
        %dma_start3A_220 = tpu.memref_slice %dma_start3A_218[%dma_start3A_203, %dma_start3A_219] : memref<2x100xi32, #tpu.memory_space<vmem>> -> memref<1x100xi32, #tpu.memory_space<vmem>>
        %dma_start3A_221 = tpu.memref_squeeze %dma_start3A_220 : memref<1x100xi32, #tpu.memory_space<vmem>> -> memref<100xi32, #tpu.memory_space<vmem>>
        %dma_start3A_222 = arith.constant 0 : i32
        %dma_start3A_223 = arith.constant 0 : i32
        %dma_start3A_224 = tpu.memref_slice %arg2[%dma_start3A_222, %dma_start3A_223] : memref<100000x128xf32, #tpu.memory_space<hbm>> -> memref<100000x128xf32, #tpu.memory_space<hbm>>
        tpu.enqueue_indirect_dma source(%dma_start3A_224 : memref<100000x128xf32, #tpu.memory_space<hbm>>) target(%dma_start3A_214 : memref<100x128xf32, #tpu.memory_space<vmem>>) offsets(%dma_start3A_221 : memref<100xi32, #tpu.memory_space<vmem>>) semaphore(%arg15 : memref<!tpu.dma_semaphore, #tpu.memory_space<semaphore_mem>>)
      } else {
      }
      %ge3A_128 = arith.constant 2 : i32
      %ge3A_129 = arith.cmpi sge, %add3A_106, %ge3A_128 : i32
      %lt3A_130 = arith.constant 258 : i32
      %lt3A_131 = arith.cmpi slt, %add3A_106, %lt3A_130 : i32
      %and3A_132 = arith.andi %ge3A_129, %lt3A_131 : i1
      %convert_element_type3A_133 = arith.extui %and3A_132 : i1 to i32
      %cond3A_134 = arith.constant 0 : i32
      %cond3A_135 = arith.cmpi ne, %convert_element_type3A_133, %cond3A_134 : i32
      scf.if %cond3A_135 {
        %dma_wait3A = arith.constant 1 : i32
        %dma_wait3A_136 = arith.constant 0 : i32
        %dma_wait3A_137 = arith.constant 1 : i32
        %dma_wait3A_138 = arith.constant 0 : i32
        %dma_wait3A_139 = arith.constant 0 : i32
        %dma_wait3A_140 = arith.constant 0 : i32
        %dma_wait3A_141 = arith.constant 0 : i32
        %dma_wait3A_142 = tpu.memref_slice %arg7[%dma_wait3A_137, %dma_wait3A_139, %dma_wait3A_140, %dma_wait3A_141] : memref<4x2x100x128xf32, #tpu.memory_space<vmem>> -> memref<1x2x100x128xf32, #tpu.memory_space<vmem>>
        %dma_wait3A_143 = tpu.memref_squeeze %dma_wait3A_142 : memref<1x2x100x128xf32, #tpu.memory_space<vmem>> -> memref<2x100x128xf32, #tpu.memory_space<vmem>>
        %dma_wait3A_144 = arith.constant 0 : i32
        %dma_wait3A_145 = arith.constant 0 : i32
        %dma_wait3A_146 = tpu.memref_slice %dma_wait3A_143[%dma_wait3A_138, %dma_wait3A_144, %dma_wait3A_145] : memref<2x100x128xf32, #tpu.memory_space<vmem>> -> memref<1x100x128xf32, #tpu.memory_space<vmem>>
        %dma_wait3A_147 = tpu.memref_squeeze %dma_wait3A_146 : memref<1x100x128xf32, #tpu.memory_space<vmem>> -> memref<100x128xf32, #tpu.memory_space<vmem>>
        %dma_wait3A_148 = arith.constant 0 : i32
        %dma_wait3A_149 = arith.constant 0 : i32
        %dma_wait3A_150 = tpu.memref_slice %arg6[%dma_wait3A, %dma_wait3A_148, %dma_wait3A_149] : memref<4x2x100xi32, #tpu.memory_space<vmem>> -> memref<1x2x100xi32, #tpu.memory_space<vmem>>
        %dma_wait3A_151 = tpu.memref_squeeze %dma_wait3A_150 : memref<1x2x100xi32, #tpu.memory_space<vmem>> -> memref<2x100xi32, #tpu.memory_space<vmem>>
        %dma_wait3A_152 = arith.constant 0 : i32
        %dma_wait3A_153 = tpu.memref_slice %dma_wait3A_151[%dma_wait3A_136, %dma_wait3A_152] : memref<2x100xi32, #tpu.memory_space<vmem>> -> memref<1x100xi32, #tpu.memory_space<vmem>>
        %dma_wait3A_154 = tpu.memref_squeeze %dma_wait3A_153 : memref<1x100xi32, #tpu.memory_space<vmem>> -> memref<100xi32, #tpu.memory_space<vmem>>
        %dma_wait3A_155 = arith.constant 0 : i32
        %dma_wait3A_156 = arith.constant 0 : i32
        %dma_wait3A_157 = tpu.memref_slice %arg2[%dma_wait3A_155, %dma_wait3A_156] : memref<100000x128xf32, #tpu.memory_space<hbm>> -> memref<100000x128xf32, #tpu.memory_space<hbm>>
        tpu.wait_indirect_dma semaphore(%arg14 : memref<!tpu.dma_semaphore, #tpu.memory_space<semaphore_mem>>) src(%dma_wait3A_157 : memref<100000x128xf32, #tpu.memory_space<hbm>>) dst(%dma_wait3A_147 : memref<100x128xf32, #tpu.memory_space<vmem>>)
        %dma_wait3A_158 = arith.constant 1 : i32
        %dma_wait3A_159 = arith.constant 1 : i32
        %dma_wait3A_160 = arith.constant 1 : i32
        %dma_wait3A_161 = arith.constant 1 : i32
        %dma_wait3A_162 = arith.constant 0 : i32
        %dma_wait3A_163 = arith.constant 0 : i32
        %dma_wait3A_164 = arith.constant 0 : i32
        %dma_wait3A_165 = tpu.memref_slice %arg7[%dma_wait3A_160, %dma_wait3A_162, %dma_wait3A_163, %dma_wait3A_164] : memref<4x2x100x128xf32, #tpu.memory_space<vmem>> -> memref<1x2x100x128xf32, #tpu.memory_space<vmem>>
        %dma_wait3A_166 = tpu.memref_squeeze %dma_wait3A_165 : memref<1x2x100x128xf32, #tpu.memory_space<vmem>> -> memref<2x100x128xf32, #tpu.memory_space<vmem>>
        %dma_wait3A_167 = arith.constant 0 : i32
        %dma_wait3A_168 = arith.constant 0 : i32
        %dma_wait3A_169 = tpu.memref_slice %dma_wait3A_166[%dma_wait3A_161, %dma_wait3A_167, %dma_wait3A_168] : memref<2x100x128xf32, #tpu.memory_space<vmem>> -> memref<1x100x128xf32, #tpu.memory_space<vmem>>
        %dma_wait3A_170 = tpu.memref_squeeze %dma_wait3A_169 : memref<1x100x128xf32, #tpu.memory_space<vmem>> -> memref<100x128xf32, #tpu.memory_space<vmem>>
        %dma_wait3A_171 = arith.constant 0 : i32
        %dma_wait3A_172 = arith.constant 0 : i32
        %dma_wait3A_173 = tpu.memref_slice %arg6[%dma_wait3A_158, %dma_wait3A_171, %dma_wait3A_172] : memref<4x2x100xi32, #tpu.memory_space<vmem>> -> memref<1x2x100xi32, #tpu.memory_space<vmem>>
        %dma_wait3A_174 = tpu.memref_squeeze %dma_wait3A_173 : memref<1x2x100xi32, #tpu.memory_space<vmem>> -> memref<2x100xi32, #tpu.memory_space<vmem>>
        %dma_wait3A_175 = arith.constant 0 : i32
        %dma_wait3A_176 = tpu.memref_slice %dma_wait3A_174[%dma_wait3A_159, %dma_wait3A_175] : memref<2x100xi32, #tpu.memory_space<vmem>> -> memref<1x100xi32, #tpu.memory_space<vmem>>
        %dma_wait3A_177 = tpu.memref_squeeze %dma_wait3A_176 : memref<1x100xi32, #tpu.memory_space<vmem>> -> memref<100xi32, #tpu.memory_space<vmem>>
        %dma_wait3A_178 = arith.constant 0 : i32
        %dma_wait3A_179 = arith.constant 0 : i32
        %dma_wait3A_180 = tpu.memref_slice %arg2[%dma_wait3A_178, %dma_wait3A_179] : memref<100000x128xf32, #tpu.memory_space<hbm>> -> memref<100000x128xf32, #tpu.memory_space<hbm>>
        tpu.wait_indirect_dma semaphore(%arg14 : memref<!tpu.dma_semaphore, #tpu.memory_space<semaphore_mem>>) src(%dma_wait3A_180 : memref<100000x128xf32, #tpu.memory_space<hbm>>) dst(%dma_wait3A_170 : memref<100x128xf32, #tpu.memory_space<vmem>>)
        %scan3A_181 = arith.constant 0 : i32
        %scan3A_182 = arith.constant 0 : i32
        %scan3A_183 = arith.constant 100 : i32
        %scan3A_184 = arith.addi %scan3A_182, %scan3A_183 : i32
        %scan3A_185 = arith.constant 1 : i32
        scf.for %scan3A_207 = %scan3A_182 to %scan3A_184 step %scan3A_185  : i32 {
          %get3A = arith.constant 1 : i32
          %get3A_208 = arith.constant 0 : i32
          %get3A_209 = arith.index_cast %get3A : i32 to index
          %get3A_210 = arith.index_cast %get3A_208 : i32 to index
          %get3A_211 = arith.index_cast %scan3A_207 : i32 to index
          %get3A_212 = arith.constant 0 : index
          %get3A_213 = tpu.vector_load %arg7[%get3A_209, %get3A_210, %get3A_211, %get3A_212] {strides = array<i32>} : memref<4x2x100x128xf32, #tpu.memory_space<vmem>>, vector<1x1x1x16xf32>,
          %get3A_214 = vector.shape_cast %get3A_213 : vector<1x1x1x16xf32> to vector<16xf32>
          %get3A_215 = arith.index_cast %scan3A_207 : i32 to index
          %get3A_216 = arith.constant 0 : index
          %get3A_217 = tpu.vector_load %arg8[%get3A_215, %get3A_216] {strides = array<i32>} : memref<100x128xf32, #tpu.memory_space<vmem>>, vector<1x16xf32>,
          %get3A_218 = vector.shape_cast %get3A_217 : vector<1x16xf32> to vector<16xf32>
          %add3A_219 = arith.addf %get3A_214, %get3A_218 : vector<16xf32>
          %swap3A = arith.constant 1 : i32
          %swap3A_220 = arith.constant 0 : i32
          %swap3A_221 = arith.index_cast %swap3A : i32 to index
          %swap3A_222 = arith.index_cast %swap3A_220 : i32 to index
          %swap3A_223 = arith.index_cast %scan3A_207 : i32 to index
          %swap3A_224 = arith.constant 0 : index
          %swap3A_225 = tpu.vector_load %arg7[%swap3A_221, %swap3A_222, %swap3A_223, %swap3A_224] {strides = array<i32>} : memref<4x2x100x128xf32, #tpu.memory_space<vmem>>, vector<1x1x1x16xf32>,
          %swap3A_226 = vector.shape_cast %swap3A_225 : vector<1x1x1x16xf32> to vector<16xf32>
          %swap3A_227 = vector.shape_cast %add3A_219 : vector<16xf32> to vector<1x1x1x16xf32>
          tpu.vector_store %arg7[%swap3A_221, %swap3A_222, %swap3A_223, %swap3A_224], %swap3A_227 {strides = array<i32>} : memref<4x2x100x128xf32, #tpu.memory_space<vmem>>, vector<1x1x1x16xf32>,
          %get3A_228 = arith.constant 1 : i32
          %get3A_229 = arith.constant 0 : i32
          %get3A_230 = arith.index_cast %get3A_228 : i32 to index
          %get3A_231 = arith.index_cast %get3A_229 : i32 to index
          %get3A_232 = arith.index_cast %scan3A_207 : i32 to index
          %get3A_233 = arith.constant 16 : index
          %get3A_234 = tpu.vector_load %arg7[%get3A_230, %get3A_231, %get3A_232, %get3A_233] {strides = array<i32>} : memref<4x2x100x128xf32, #tpu.memory_space<vmem>>, vector<1x1x1x16xf32>,
          %get3A_235 = vector.shape_cast %get3A_234 : vector<1x1x1x16xf32> to vector<16xf32>
          %get3A_236 = arith.index_cast %scan3A_207 : i32 to index
          %get3A_237 = arith.constant 16 : index
          %get3A_238 = tpu.vector_load %arg8[%get3A_236, %get3A_237] {strides = array<i32>} : memref<100x128xf32, #tpu.memory_space<vmem>>, vector<1x16xf32>,
          %get3A_239 = vector.shape_cast %get3A_238 : vector<1x16xf32> to vector<16xf32>
          %add3A_240 = arith.addf %get3A_235, %get3A_239 : vector<16xf32>
          %swap3A_241 = arith.constant 1 : i32
          %swap3A_242 = arith.constant 0 : i32
          %swap3A_243 = arith.index_cast %swap3A_241 : i32 to index
          %swap3A_244 = arith.index_cast %swap3A_242 : i32 to index
          %swap3A_245 = arith.index_cast %scan3A_207 : i32 to index
          %swap3A_246 = arith.constant 16 : index
          %swap3A_247 = tpu.vector_load %arg7[%swap3A_243, %swap3A_244, %swap3A_245, %swap3A_246] {strides = array<i32>} : memref<4x2x100x128xf32, #tpu.memory_space<vmem>>, vector<1x1x1x16xf32>,
          %swap3A_248 = vector.shape_cast %swap3A_247 : vector<1x1x1x16xf32> to vector<16xf32>
          %swap3A_249 = vector.shape_cast %add3A_240 : vector<16xf32> to vector<1x1x1x16xf32>
          tpu.vector_store %arg7[%swap3A_243, %swap3A_244, %swap3A_245, %swap3A_246], %swap3A_249 {strides = array<i32>} : memref<4x2x100x128xf32, #tpu.memory_space<vmem>>, vector<1x1x1x16xf32>,
          %get3A_250 = arith.constant 1 : i32
          %get3A_251 = arith.constant 0 : i32
          %get3A_252 = arith.index_cast %get3A_250 : i32 to index
          %get3A_253 = arith.index_cast %get3A_251 : i32 to index
          %get3A_254 = arith.index_cast %scan3A_207 : i32 to index
          %get3A_255 = arith.constant 32 : index
          %get3A_256 = tpu.vector_load %arg7[%get3A_252, %get3A_253, %get3A_254, %get3A_255] {strides = array<i32>} : memref<4x2x100x128xf32, #tpu.memory_space<vmem>>, vector<1x1x1x16xf32>,
          %get3A_257 = vector.shape_cast %get3A_256 : vector<1x1x1x16xf32> to vector<16xf32>
          %get3A_258 = arith.index_cast %scan3A_207 : i32 to index
          %get3A_259 = arith.constant 32 : index
          %get3A_260 = tpu.vector_load %arg8[%get3A_258, %get3A_259] {strides = array<i32>} : memref<100x128xf32, #tpu.memory_space<vmem>>, vector<1x16xf32>,
          %get3A_261 = vector.shape_cast %get3A_260 : vector<1x16xf32> to vector<16xf32>
          %add3A_262 = arith.addf %get3A_257, %get3A_261 : vector<16xf32>
          %swap3A_263 = arith.constant 1 : i32
          %swap3A_264 = arith.constant 0 : i32
          %swap3A_265 = arith.index_cast %swap3A_263 : i32 to index
          %swap3A_266 = arith.index_cast %swap3A_264 : i32 to index
          %swap3A_267 = arith.index_cast %scan3A_207 : i32 to index
          %swap3A_268 = arith.constant 32 : index
          %swap3A_269 = tpu.vector_load %arg7[%swap3A_265, %swap3A_266, %swap3A_267, %swap3A_268] {strides = array<i32>} : memref<4x2x100x128xf32, #tpu.memory_space<vmem>>, vector<1x1x1x16xf32>,
          %swap3A_270 = vector.shape_cast %swap3A_269 : vector<1x1x1x16xf32> to vector<16xf32>
          %swap3A_271 = vector.shape_cast %add3A_262 : vector<16xf32> to vector<1x1x1x16xf32>
          tpu.vector_store %arg7[%swap3A_265, %swap3A_266, %swap3A_267, %swap3A_268], %swap3A_271 {strides = array<i32>} : memref<4x2x100x128xf32, #tpu.memory_space<vmem>>, vector<1x1x1x16xf32>,
          %get3A_272 = arith.constant 1 : i32
          %get3A_273 = arith.constant 0 : i32
          %get3A_274 = arith.index_cast %get3A_272 : i32 to index
          %get3A_275 = arith.index_cast %get3A_273 : i32 to index
          %get3A_276 = arith.index_cast %scan3A_207 : i32 to index
          %get3A_277 = arith.constant 48 : index
          %get3A_278 = tpu.vector_load %arg7[%get3A_274, %get3A_275, %get3A_276, %get3A_277] {strides = array<i32>} : memref<4x2x100x128xf32, #tpu.memory_space<vmem>>, vector<1x1x1x16xf32>,
          %get3A_279 = vector.shape_cast %get3A_278 : vector<1x1x1x16xf32> to vector<16xf32>
          %get3A_280 = arith.index_cast %scan3A_207 : i32 to index
          %get3A_281 = arith.constant 48 : index
          %get3A_282 = tpu.vector_load %arg8[%get3A_280, %get3A_281] {strides = array<i32>} : memref<100x128xf32, #tpu.memory_space<vmem>>, vector<1x16xf32>,
          %get3A_283 = vector.shape_cast %get3A_282 : vector<1x16xf32> to vector<16xf32>
          %add3A_284 = arith.addf %get3A_279, %get3A_283 : vector<16xf32>
          %swap3A_285 = arith.constant 1 : i32
          %swap3A_286 = arith.constant 0 : i32
          %swap3A_287 = arith.index_cast %swap3A_285 : i32 to index
          %swap3A_288 = arith.index_cast %swap3A_286 : i32 to index
          %swap3A_289 = arith.index_cast %scan3A_207 : i32 to index
          %swap3A_290 = arith.constant 48 : index
          %swap3A_291 = tpu.vector_load %arg7[%swap3A_287, %swap3A_288, %swap3A_289, %swap3A_290] {strides = array<i32>} : memref<4x2x100x128xf32, #tpu.memory_space<vmem>>, vector<1x1x1x16xf32>,
          %swap3A_292 = vector.shape_cast %swap3A_291 : vector<1x1x1x16xf32> to vector<16xf32>
          %swap3A_293 = vector.shape_cast %add3A_284 : vector<16xf32> to vector<1x1x1x16xf32>
          tpu.vector_store %arg7[%swap3A_287, %swap3A_288, %swap3A_289, %swap3A_290], %swap3A_293 {strides = array<i32>} : memref<4x2x100x128xf32, #tpu.memory_space<vmem>>, vector<1x1x1x16xf32>,
          %get3A_294 = arith.constant 1 : i32
          %get3A_295 = arith.constant 0 : i32
          %get3A_296 = arith.index_cast %get3A_294 : i32 to index
          %get3A_297 = arith.index_cast %get3A_295 : i32 to index
          %get3A_298 = arith.index_cast %scan3A_207 : i32 to index
          %get3A_299 = arith.constant 64 : index
          %get3A_300 = tpu.vector_load %arg7[%get3A_296, %get3A_297, %get3A_298, %get3A_299] {strides = array<i32>} : memref<4x2x100x128xf32, #tpu.memory_space<vmem>>, vector<1x1x1x16xf32>,
          %get3A_301 = vector.shape_cast %get3A_300 : vector<1x1x1x16xf32> to vector<16xf32>
          %get3A_302 = arith.index_cast %scan3A_207 : i32 to index
          %get3A_303 = arith.constant 64 : index
          %get3A_304 = tpu.vector_load %arg8[%get3A_302, %get3A_303] {strides = array<i32>} : memref<100x128xf32, #tpu.memory_space<vmem>>, vector<1x16xf32>,
          %get3A_305 = vector.shape_cast %get3A_304 : vector<1x16xf32> to vector<16xf32>
          %add3A_306 = arith.addf %get3A_301, %get3A_305 : vector<16xf32>
          %swap3A_307 = arith.constant 1 : i32
          %swap3A_308 = arith.constant 0 : i32
          %swap3A_309 = arith.index_cast %swap3A_307 : i32 to index
          %swap3A_310 = arith.index_cast %swap3A_308 : i32 to index
          %swap3A_311 = arith.index_cast %scan3A_207 : i32 to index
          %swap3A_312 = arith.constant 64 : index
          %swap3A_313 = tpu.vector_load %arg7[%swap3A_309, %swap3A_310, %swap3A_311, %swap3A_312] {strides = array<i32>} : memref<4x2x100x128xf32, #tpu.memory_space<vmem>>, vector<1x1x1x16xf32>,
          %swap3A_314 = vector.shape_cast %swap3A_313 : vector<1x1x1x16xf32> to vector<16xf32>
          %swap3A_315 = vector.shape_cast %add3A_306 : vector<16xf32> to vector<1x1x1x16xf32>
          tpu.vector_store %arg7[%swap3A_309, %swap3A_310, %swap3A_311, %swap3A_312], %swap3A_315 {strides = array<i32>} : memref<4x2x100x128xf32, #tpu.memory_space<vmem>>, vector<1x1x1x16xf32>,
          %get3A_316 = arith.constant 1 : i32
          %get3A_317 = arith.constant 0 : i32
          %get3A_318 = arith.index_cast %get3A_316 : i32 to index
          %get3A_319 = arith.index_cast %get3A_317 : i32 to index
          %get3A_320 = arith.index_cast %scan3A_207 : i32 to index
          %get3A_321 = arith.constant 80 : index
          %get3A_322 = tpu.vector_load %arg7[%get3A_318, %get3A_319, %get3A_320, %get3A_321] {strides = array<i32>} : memref<4x2x100x128xf32, #tpu.memory_space<vmem>>, vector<1x1x1x16xf32>,
          %get3A_323 = vector.shape_cast %get3A_322 : vector<1x1x1x16xf32> to vector<16xf32>
          %get3A_324 = arith.index_cast %scan3A_207 : i32 to index
          %get3A_325 = arith.constant 80 : index
          %get3A_326 = tpu.vector_load %arg8[%get3A_324, %get3A_325] {strides = array<i32>} : memref<100x128xf32, #tpu.memory_space<vmem>>, vector<1x16xf32>,
          %get3A_327 = vector.shape_cast %get3A_326 : vector<1x16xf32> to vector<16xf32>
          %add3A_328 = arith.addf %get3A_323, %get3A_327 : vector<16xf32>
          %swap3A_329 = arith.constant 1 : i32
          %swap3A_330 = arith.constant 0 : i32
          %swap3A_331 = arith.index_cast %swap3A_329 : i32 to index
          %swap3A_332 = arith.index_cast %swap3A_330 : i32 to index
          %swap3A_333 = arith.index_cast %scan3A_207 : i32 to index
          %swap3A_334 = arith.constant 80 : index
          %swap3A_335 = tpu.vector_load %arg7[%swap3A_331, %swap3A_332, %swap3A_333, %swap3A_334] {strides = array<i32>} : memref<4x2x100x128xf32, #tpu.memory_space<vmem>>, vector<1x1x1x16xf32>,
          %swap3A_336 = vector.shape_cast %swap3A_335 : vector<1x1x1x16xf32> to vector<16xf32>
          %swap3A_337 = vector.shape_cast %add3A_328 : vector<16xf32> to vector<1x1x1x16xf32>
          tpu.vector_store %arg7[%swap3A_331, %swap3A_332, %swap3A_333, %swap3A_334], %swap3A_337 {strides = array<i32>} : memref<4x2x100x128xf32, #tpu.memory_space<vmem>>, vector<1x1x1x16xf32>,
          %get3A_338 = arith.constant 1 : i32
          %get3A_339 = arith.constant 0 : i32
          %get3A_340 = arith.index_cast %get3A_338 : i32 to index
          %get3A_341 = arith.index_cast %get3A_339 : i32 to index
          %get3A_342 = arith.index_cast %scan3A_207 : i32 to index
          %get3A_343 = arith.constant 96 : index
          %get3A_344 = tpu.vector_load %arg7[%get3A_340, %get3A_341, %get3A_342, %get3A_343] {strides = array<i32>} : memref<4x2x100x128xf32, #tpu.memory_space<vmem>>, vector<1x1x1x16xf32>,
          %get3A_345 = vector.shape_cast %get3A_344 : vector<1x1x1x16xf32> to vector<16xf32>
          %get3A_346 = arith.index_cast %scan3A_207 : i32 to index
          %get3A_347 = arith.constant 96 : index
          %get3A_348 = tpu.vector_load %arg8[%get3A_346, %get3A_347] {strides = array<i32>} : memref<100x128xf32, #tpu.memory_space<vmem>>, vector<1x16xf32>,
          %get3A_349 = vector.shape_cast %get3A_348 : vector<1x16xf32> to vector<16xf32>
          %add3A_350 = arith.addf %get3A_345, %get3A_349 : vector<16xf32>
          %swap3A_351 = arith.constant 1 : i32
          %swap3A_352 = arith.constant 0 : i32
          %swap3A_353 = arith.index_cast %swap3A_351 : i32 to index
          %swap3A_354 = arith.index_cast %swap3A_352 : i32 to index
          %swap3A_355 = arith.index_cast %scan3A_207 : i32 to index
          %swap3A_356 = arith.constant 96 : index
          %swap3A_357 = tpu.vector_load %arg7[%swap3A_353, %swap3A_354, %swap3A_355, %swap3A_356] {strides = array<i32>} : memref<4x2x100x128xf32, #tpu.memory_space<vmem>>, vector<1x1x1x16xf32>,
          %swap3A_358 = vector.shape_cast %swap3A_357 : vector<1x1x1x16xf32> to vector<16xf32>
          %swap3A_359 = vector.shape_cast %add3A_350 : vector<16xf32> to vector<1x1x1x16xf32>
          tpu.vector_store %arg7[%swap3A_353, %swap3A_354, %swap3A_355, %swap3A_356], %swap3A_359 {strides = array<i32>} : memref<4x2x100x128xf32, #tpu.memory_space<vmem>>, vector<1x1x1x16xf32>,
          %get3A_360 = arith.constant 1 : i32
          %get3A_361 = arith.constant 0 : i32
          %get3A_362 = arith.index_cast %get3A_360 : i32 to index
          %get3A_363 = arith.index_cast %get3A_361 : i32 to index
          %get3A_364 = arith.index_cast %scan3A_207 : i32 to index
          %get3A_365 = arith.constant 112 : index
          %get3A_366 = tpu.vector_load %arg7[%get3A_362, %get3A_363, %get3A_364, %get3A_365] {strides = array<i32>} : memref<4x2x100x128xf32, #tpu.memory_space<vmem>>, vector<1x1x1x16xf32>,
          %get3A_367 = vector.shape_cast %get3A_366 : vector<1x1x1x16xf32> to vector<16xf32>
          %get3A_368 = arith.index_cast %scan3A_207 : i32 to index
          %get3A_369 = arith.constant 112 : index
          %get3A_370 = tpu.vector_load %arg8[%get3A_368, %get3A_369] {strides = array<i32>} : memref<100x128xf32, #tpu.memory_space<vmem>>, vector<1x16xf32>,
          %get3A_371 = vector.shape_cast %get3A_370 : vector<1x16xf32> to vector<16xf32>
          %add3A_372 = arith.addf %get3A_367, %get3A_371 : vector<16xf32>
          %swap3A_373 = arith.constant 1 : i32
          %swap3A_374 = arith.constant 0 : i32
          %swap3A_375 = arith.index_cast %swap3A_373 : i32 to index
          %swap3A_376 = arith.index_cast %swap3A_374 : i32 to index
          %swap3A_377 = arith.index_cast %scan3A_207 : i32 to index
          %swap3A_378 = arith.constant 112 : index
          %swap3A_379 = tpu.vector_load %arg7[%swap3A_375, %swap3A_376, %swap3A_377, %swap3A_378] {strides = array<i32>} : memref<4x2x100x128xf32, #tpu.memory_space<vmem>>, vector<1x1x1x16xf32>,
          %swap3A_380 = vector.shape_cast %swap3A_379 : vector<1x1x1x16xf32> to vector<16xf32>
          %swap3A_381 = vector.shape_cast %add3A_372 : vector<16xf32> to vector<1x1x1x16xf32>
          tpu.vector_store %arg7[%swap3A_375, %swap3A_376, %swap3A_377, %swap3A_378], %swap3A_381 {strides = array<i32>} : memref<4x2x100x128xf32, #tpu.memory_space<vmem>>, vector<1x1x1x16xf32>,
          %get3A_382 = arith.constant 1 : i32
          %get3A_383 = arith.constant 1 : i32
          %get3A_384 = arith.index_cast %get3A_382 : i32 to index
          %get3A_385 = arith.index_cast %get3A_383 : i32 to index
          %get3A_386 = arith.index_cast %scan3A_207 : i32 to index
          %get3A_387 = arith.constant 0 : index
          %get3A_388 = tpu.vector_load %arg7[%get3A_384, %get3A_385, %get3A_386, %get3A_387] {strides = array<i32>} : memref<4x2x100x128xf32, #tpu.memory_space<vmem>>, vector<1x1x1x16xf32>,
          %get3A_389 = vector.shape_cast %get3A_388 : vector<1x1x1x16xf32> to vector<16xf32>
          %get3A_390 = arith.index_cast %scan3A_207 : i32 to index
          %get3A_391 = arith.constant 0 : index
          %get3A_392 = tpu.vector_load %arg8[%get3A_390, %get3A_391] {strides = array<i32>} : memref<100x128xf32, #tpu.memory_space<vmem>>, vector<1x16xf32>,
          %get3A_393 = vector.shape_cast %get3A_392 : vector<1x16xf32> to vector<16xf32>
          %add3A_394 = arith.addf %get3A_389, %get3A_393 : vector<16xf32>
          %swap3A_395 = arith.constant 1 : i32
          %swap3A_396 = arith.constant 1 : i32
          %swap3A_397 = arith.index_cast %swap3A_395 : i32 to index
          %swap3A_398 = arith.index_cast %swap3A_396 : i32 to index
          %swap3A_399 = arith.index_cast %scan3A_207 : i32 to index
          %swap3A_400 = arith.constant 0 : index
          %swap3A_401 = tpu.vector_load %arg7[%swap3A_397, %swap3A_398, %swap3A_399, %swap3A_400] {strides = array<i32>} : memref<4x2x100x128xf32, #tpu.memory_space<vmem>>, vector<1x1x1x16xf32>,
          %swap3A_402 = vector.shape_cast %swap3A_401 : vector<1x1x1x16xf32> to vector<16xf32>
          %swap3A_403 = vector.shape_cast %add3A_394 : vector<16xf32> to vector<1x1x1x16xf32>
          tpu.vector_store %arg7[%swap3A_397, %swap3A_398, %swap3A_399, %swap3A_400], %swap3A_403 {strides = array<i32>} : memref<4x2x100x128xf32, #tpu.memory_space<vmem>>, vector<1x1x1x16xf32>,
          %get3A_404 = arith.constant 1 : i32
          %get3A_405 = arith.constant 1 : i32
          %get3A_406 = arith.index_cast %get3A_404 : i32 to index
          %get3A_407 = arith.index_cast %get3A_405 : i32 to index
          %get3A_408 = arith.index_cast %scan3A_207 : i32 to index
          %get3A_409 = arith.constant 16 : index
          %get3A_410 = tpu.vector_load %arg7[%get3A_406, %get3A_407, %get3A_408, %get3A_409] {strides = array<i32>} : memref<4x2x100x128xf32, #tpu.memory_space<vmem>>, vector<1x1x1x16xf32>,
          %get3A_411 = vector.shape_cast %get3A_410 : vector<1x1x1x16xf32> to vector<16xf32>
          %get3A_412 = arith.index_cast %scan3A_207 : i32 to index
          %get3A_413 = arith.constant 16 : index
          %get3A_414 = tpu.vector_load %arg8[%get3A_412, %get3A_413] {strides = array<i32>} : memref<100x128xf32, #tpu.memory_space<vmem>>, vector<1x16xf32>,
          %get3A_415 = vector.shape_cast %get3A_414 : vector<1x16xf32> to vector<16xf32>
          %add3A_416 = arith.addf %get3A_411, %get3A_415 : vector<16xf32>
          %swap3A_417 = arith.constant 1 : i32
          %swap3A_418 = arith.constant 1 : i32
          %swap3A_419 = arith.index_cast %swap3A_417 : i32 to index
          %swap3A_420 = arith.index_cast %swap3A_418 : i32 to index
          %swap3A_421 = arith.index_cast %scan3A_207 : i32 to index
          %swap3A_422 = arith.constant 16 : index
          %swap3A_423 = tpu.vector_load %arg7[%swap3A_419, %swap3A_420, %swap3A_421, %swap3A_422] {strides = array<i32>} : memref<4x2x100x128xf32, #tpu.memory_space<vmem>>, vector<1x1x1x16xf32>,
          %swap3A_424 = vector.shape_cast %swap3A_423 : vector<1x1x1x16xf32> to vector<16xf32>
          %swap3A_425 = vector.shape_cast %add3A_416 : vector<16xf32> to vector<1x1x1x16xf32>
          tpu.vector_store %arg7[%swap3A_419, %swap3A_420, %swap3A_421, %swap3A_422], %swap3A_425 {strides = array<i32>} : memref<4x2x100x128xf32, #tpu.memory_space<vmem>>, vector<1x1x1x16xf32>,
          %get3A_426 = arith.constant 1 : i32
          %get3A_427 = arith.constant 1 : i32
          %get3A_428 = arith.index_cast %get3A_426 : i32 to index
          %get3A_429 = arith.index_cast %get3A_427 : i32 to index
          %get3A_430 = arith.index_cast %scan3A_207 : i32 to index
          %get3A_431 = arith.constant 32 : index
          %get3A_432 = tpu.vector_load %arg7[%get3A_428, %get3A_429, %get3A_430, %get3A_431] {strides = array<i32>} : memref<4x2x100x128xf32, #tpu.memory_space<vmem>>, vector<1x1x1x16xf32>,
          %get3A_433 = vector.shape_cast %get3A_432 : vector<1x1x1x16xf32> to vector<16xf32>
          %get3A_434 = arith.index_cast %scan3A_207 : i32 to index
          %get3A_435 = arith.constant 32 : index
          %get3A_436 = tpu.vector_load %arg8[%get3A_434, %get3A_435] {strides = array<i32>} : memref<100x128xf32, #tpu.memory_space<vmem>>, vector<1x16xf32>,
          %get3A_437 = vector.shape_cast %get3A_436 : vector<1x16xf32> to vector<16xf32>
          %add3A_438 = arith.addf %get3A_433, %get3A_437 : vector<16xf32>
          %swap3A_439 = arith.constant 1 : i32
          %swap3A_440 = arith.constant 1 : i32
          %swap3A_441 = arith.index_cast %swap3A_439 : i32 to index
          %swap3A_442 = arith.index_cast %swap3A_440 : i32 to index
          %swap3A_443 = arith.index_cast %scan3A_207 : i32 to index
          %swap3A_444 = arith.constant 32 : index
          %swap3A_445 = tpu.vector_load %arg7[%swap3A_441, %swap3A_442, %swap3A_443, %swap3A_444] {strides = array<i32>} : memref<4x2x100x128xf32, #tpu.memory_space<vmem>>, vector<1x1x1x16xf32>,
          %swap3A_446 = vector.shape_cast %swap3A_445 : vector<1x1x1x16xf32> to vector<16xf32>
          %swap3A_447 = vector.shape_cast %add3A_438 : vector<16xf32> to vector<1x1x1x16xf32>
          tpu.vector_store %arg7[%swap3A_441, %swap3A_442, %swap3A_443, %swap3A_444], %swap3A_447 {strides = array<i32>} : memref<4x2x100x128xf32, #tpu.memory_space<vmem>>, vector<1x1x1x16xf32>,
          %get3A_448 = arith.constant 1 : i32
          %get3A_449 = arith.constant 1 : i32
          %get3A_450 = arith.index_cast %get3A_448 : i32 to index
          %get3A_451 = arith.index_cast %get3A_449 : i32 to index
          %get3A_452 = arith.index_cast %scan3A_207 : i32 to index
          %get3A_453 = arith.constant 48 : index
          %get3A_454 = tpu.vector_load %arg7[%get3A_450, %get3A_451, %get3A_452, %get3A_453] {strides = array<i32>} : memref<4x2x100x128xf32, #tpu.memory_space<vmem>>, vector<1x1x1x16xf32>,
          %get3A_455 = vector.shape_cast %get3A_454 : vector<1x1x1x16xf32> to vector<16xf32>
          %get3A_456 = arith.index_cast %scan3A_207 : i32 to index
          %get3A_457 = arith.constant 48 : index
          %get3A_458 = tpu.vector_load %arg8[%get3A_456, %get3A_457] {strides = array<i32>} : memref<100x128xf32, #tpu.memory_space<vmem>>, vector<1x16xf32>,
          %get3A_459 = vector.shape_cast %get3A_458 : vector<1x16xf32> to vector<16xf32>
          %add3A_460 = arith.addf %get3A_455, %get3A_459 : vector<16xf32>
          %swap3A_461 = arith.constant 1 : i32
          %swap3A_462 = arith.constant 1 : i32
          %swap3A_463 = arith.index_cast %swap3A_461 : i32 to index
          %swap3A_464 = arith.index_cast %swap3A_462 : i32 to index
          %swap3A_465 = arith.index_cast %scan3A_207 : i32 to index
          %swap3A_466 = arith.constant 48 : index
          %swap3A_467 = tpu.vector_load %arg7[%swap3A_463, %swap3A_464, %swap3A_465, %swap3A_466] {strides = array<i32>} : memref<4x2x100x128xf32, #tpu.memory_space<vmem>>, vector<1x1x1x16xf32>,
          %swap3A_468 = vector.shape_cast %swap3A_467 : vector<1x1x1x16xf32> to vector<16xf32>
          %swap3A_469 = vector.shape_cast %add3A_460 : vector<16xf32> to vector<1x1x1x16xf32>
          tpu.vector_store %arg7[%swap3A_463, %swap3A_464, %swap3A_465, %swap3A_466], %swap3A_469 {strides = array<i32>} : memref<4x2x100x128xf32, #tpu.memory_space<vmem>>, vector<1x1x1x16xf32>,
          %get3A_470 = arith.constant 1 : i32
          %get3A_471 = arith.constant 1 : i32
          %get3A_472 = arith.index_cast %get3A_470 : i32 to index
          %get3A_473 = arith.index_cast %get3A_471 : i32 to index
          %get3A_474 = arith.index_cast %scan3A_207 : i32 to index
          %get3A_475 = arith.constant 64 : index
          %get3A_476 = tpu.vector_load %arg7[%get3A_472, %get3A_473, %get3A_474, %get3A_475] {strides = array<i32>} : memref<4x2x100x128xf32, #tpu.memory_space<vmem>>, vector<1x1x1x16xf32>,
          %get3A_477 = vector.shape_cast %get3A_476 : vector<1x1x1x16xf32> to vector<16xf32>
          %get3A_478 = arith.index_cast %scan3A_207 : i32 to index
          %get3A_479 = arith.constant 64 : index
          %get3A_480 = tpu.vector_load %arg8[%get3A_478, %get3A_479] {strides = array<i32>} : memref<100x128xf32, #tpu.memory_space<vmem>>, vector<1x16xf32>,
          %get3A_481 = vector.shape_cast %get3A_480 : vector<1x16xf32> to vector<16xf32>
          %add3A_482 = arith.addf %get3A_477, %get3A_481 : vector<16xf32>
          %swap3A_483 = arith.constant 1 : i32
          %swap3A_484 = arith.constant 1 : i32
          %swap3A_485 = arith.index_cast %swap3A_483 : i32 to index
          %swap3A_486 = arith.index_cast %swap3A_484 : i32 to index
          %swap3A_487 = arith.index_cast %scan3A_207 : i32 to index
          %swap3A_488 = arith.constant 64 : index
          %swap3A_489 = tpu.vector_load %arg7[%swap3A_485, %swap3A_486, %swap3A_487, %swap3A_488] {strides = array<i32>} : memref<4x2x100x128xf32, #tpu.memory_space<vmem>>, vector<1x1x1x16xf32>,
          %swap3A_490 = vector.shape_cast %swap3A_489 : vector<1x1x1x16xf32> to vector<16xf32>
          %swap3A_491 = vector.shape_cast %add3A_482 : vector<16xf32> to vector<1x1x1x16xf32>
          tpu.vector_store %arg7[%swap3A_485, %swap3A_486, %swap3A_487, %swap3A_488], %swap3A_491 {strides = array<i32>} : memref<4x2x100x128xf32, #tpu.memory_space<vmem>>, vector<1x1x1x16xf32>,
          %get3A_492 = arith.constant 1 : i32
          %get3A_493 = arith.constant 1 : i32
          %get3A_494 = arith.index_cast %get3A_492 : i32 to index
          %get3A_495 = arith.index_cast %get3A_493 : i32 to index
          %get3A_496 = arith.index_cast %scan3A_207 : i32 to index
          %get3A_497 = arith.constant 80 : index
          %get3A_498 = tpu.vector_load %arg7[%get3A_494, %get3A_495, %get3A_496, %get3A_497] {strides = array<i32>} : memref<4x2x100x128xf32, #tpu.memory_space<vmem>>, vector<1x1x1x16xf32>,
          %get3A_499 = vector.shape_cast %get3A_498 : vector<1x1x1x16xf32> to vector<16xf32>
          %get3A_500 = arith.index_cast %scan3A_207 : i32 to index
          %get3A_501 = arith.constant 80 : index
          %get3A_502 = tpu.vector_load %arg8[%get3A_500, %get3A_501] {strides = array<i32>} : memref<100x128xf32, #tpu.memory_space<vmem>>, vector<1x16xf32>,
          %get3A_503 = vector.shape_cast %get3A_502 : vector<1x16xf32> to vector<16xf32>
          %add3A_504 = arith.addf %get3A_499, %get3A_503 : vector<16xf32>
          %swap3A_505 = arith.constant 1 : i32
          %swap3A_506 = arith.constant 1 : i32
          %swap3A_507 = arith.index_cast %swap3A_505 : i32 to index
          %swap3A_508 = arith.index_cast %swap3A_506 : i32 to index
          %swap3A_509 = arith.index_cast %scan3A_207 : i32 to index
          %swap3A_510 = arith.constant 80 : index
          %swap3A_511 = tpu.vector_load %arg7[%swap3A_507, %swap3A_508, %swap3A_509, %swap3A_510] {strides = array<i32>} : memref<4x2x100x128xf32, #tpu.memory_space<vmem>>, vector<1x1x1x16xf32>,
          %swap3A_512 = vector.shape_cast %swap3A_511 : vector<1x1x1x16xf32> to vector<16xf32>
          %swap3A_513 = vector.shape_cast %add3A_504 : vector<16xf32> to vector<1x1x1x16xf32>
          tpu.vector_store %arg7[%swap3A_507, %swap3A_508, %swap3A_509, %swap3A_510], %swap3A_513 {strides = array<i32>} : memref<4x2x100x128xf32, #tpu.memory_space<vmem>>, vector<1x1x1x16xf32>,
          %get3A_514 = arith.constant 1 : i32
          %get3A_515 = arith.constant 1 : i32
          %get3A_516 = arith.index_cast %get3A_514 : i32 to index
          %get3A_517 = arith.index_cast %get3A_515 : i32 to index
          %get3A_518 = arith.index_cast %scan3A_207 : i32 to index
          %get3A_519 = arith.constant 96 : index
          %get3A_520 = tpu.vector_load %arg7[%get3A_516, %get3A_517, %get3A_518, %get3A_519] {strides = array<i32>} : memref<4x2x100x128xf32, #tpu.memory_space<vmem>>, vector<1x1x1x16xf32>,
          %get3A_521 = vector.shape_cast %get3A_520 : vector<1x1x1x16xf32> to vector<16xf32>
          %get3A_522 = arith.index_cast %scan3A_207 : i32 to index
          %get3A_523 = arith.constant 96 : index
          %get3A_524 = tpu.vector_load %arg8[%get3A_522, %get3A_523] {strides = array<i32>} : memref<100x128xf32, #tpu.memory_space<vmem>>, vector<1x16xf32>,
          %get3A_525 = vector.shape_cast %get3A_524 : vector<1x16xf32> to vector<16xf32>
          %add3A_526 = arith.addf %get3A_521, %get3A_525 : vector<16xf32>
          %swap3A_527 = arith.constant 1 : i32
          %swap3A_528 = arith.constant 1 : i32
          %swap3A_529 = arith.index_cast %swap3A_527 : i32 to index
          %swap3A_530 = arith.index_cast %swap3A_528 : i32 to index
          %swap3A_531 = arith.index_cast %scan3A_207 : i32 to index
          %swap3A_532 = arith.constant 96 : index
          %swap3A_533 = tpu.vector_load %arg7[%swap3A_529, %swap3A_530, %swap3A_531, %swap3A_532] {strides = array<i32>} : memref<4x2x100x128xf32, #tpu.memory_space<vmem>>, vector<1x1x1x16xf32>,
          %swap3A_534 = vector.shape_cast %swap3A_533 : vector<1x1x1x16xf32> to vector<16xf32>
          %swap3A_535 = vector.shape_cast %add3A_526 : vector<16xf32> to vector<1x1x1x16xf32>
          tpu.vector_store %arg7[%swap3A_529, %swap3A_530, %swap3A_531, %swap3A_532], %swap3A_535 {strides = array<i32>} : memref<4x2x100x128xf32, #tpu.memory_space<vmem>>, vector<1x1x1x16xf32>,
          %get3A_536 = arith.constant 1 : i32
          %get3A_537 = arith.constant 1 : i32
          %get3A_538 = arith.index_cast %get3A_536 : i32 to index
          %get3A_539 = arith.index_cast %get3A_537 : i32 to index
          %get3A_540 = arith.index_cast %scan3A_207 : i32 to index
          %get3A_541 = arith.constant 112 : index
          %get3A_542 = tpu.vector_load %arg7[%get3A_538, %get3A_539, %get3A_540, %get3A_541] {strides = array<i32>} : memref<4x2x100x128xf32, #tpu.memory_space<vmem>>, vector<1x1x1x16xf32>,
          %get3A_543 = vector.shape_cast %get3A_542 : vector<1x1x1x16xf32> to vector<16xf32>
          %get3A_544 = arith.index_cast %scan3A_207 : i32 to index
          %get3A_545 = arith.constant 112 : index
          %get3A_546 = tpu.vector_load %arg8[%get3A_544, %get3A_545] {strides = array<i32>} : memref<100x128xf32, #tpu.memory_space<vmem>>, vector<1x16xf32>,
          %get3A_547 = vector.shape_cast %get3A_546 : vector<1x16xf32> to vector<16xf32>
          %add3A_548 = arith.addf %get3A_543, %get3A_547 : vector<16xf32>
          %swap3A_549 = arith.constant 1 : i32
          %swap3A_550 = arith.constant 1 : i32
          %swap3A_551 = arith.index_cast %swap3A_549 : i32 to index
          %swap3A_552 = arith.index_cast %swap3A_550 : i32 to index
          %swap3A_553 = arith.index_cast %scan3A_207 : i32 to index
          %swap3A_554 = arith.constant 112 : index
          %swap3A_555 = tpu.vector_load %arg7[%swap3A_551, %swap3A_552, %swap3A_553, %swap3A_554] {strides = array<i32>} : memref<4x2x100x128xf32, #tpu.memory_space<vmem>>, vector<1x1x1x16xf32>,
          %swap3A_556 = vector.shape_cast %swap3A_555 : vector<1x1x1x16xf32> to vector<16xf32>
          %swap3A_557 = vector.shape_cast %add3A_548 : vector<16xf32> to vector<1x1x1x16xf32>
          tpu.vector_store %arg7[%swap3A_551, %swap3A_552, %swap3A_553, %swap3A_554], %swap3A_557 {strides = array<i32>} : memref<4x2x100x128xf32, #tpu.memory_space<vmem>>, vector<1x1x1x16xf32>,
        }
        %scan3A_186 = arith.constant 100 : i32
        %sub3A = arith.constant 2 : i32
        %sub3A_187 = arith.subi %add3A_106, %sub3A : i32
        %mul3A_188 = arith.constant 2 : i32
        %mul3A_189 = arith.muli %sub3A_187, %mul3A_188 : i32
        %add3A_190 = arith.addi %mul3A_2, %mul3A_189 : i32
        %dma_start3A = arith.constant 1 : i32
        %dma_start3A_191 = arith.constant 0 : i32
        %dma_start3A_192 = arith.constant 0 : i32
        %dma_start3A_193 = arith.constant 0 : i32
        %dma_start3A_194 = tpu.memref_slice %arg7[%dma_start3A, %dma_start3A_191, %dma_start3A_192, %dma_start3A_193] : memref<4x2x100x128xf32, #tpu.memory_space<vmem>> -> memref<1x2x100x128xf32, #tpu.memory_space<vmem>>
        %dma_start3A_195 = tpu.memref_squeeze %dma_start3A_194 : memref<1x2x100x128xf32, #tpu.memory_space<vmem>> -> memref<2x100x128xf32, #tpu.memory_space<vmem>>
        %dma_start3A_196 = arith.constant 0 : i32
        %dma_start3A_197 = arith.constant 0 : i32
        %dma_start3A_198 = tpu.memref_slice %arg5[%add3A_190, %dma_start3A_196, %dma_start3A_197] : memref<16384x100x128xf32, #tpu.memory_space<hbm>> -> memref<2x100x128xf32, #tpu.memory_space<hbm>>
        %dma_start3A_199 = arith.constant 0 : i32
        %dma_start3A_200 = arith.constant 0 : i32
        %dma_start3A_201 = tpu.memref_slice %arg5[%add3A_190, %dma_start3A_199, %dma_start3A_200] : memref<16384x100x128xf32, #tpu.memory_space<hbm>> -> memref<2x100x128xf32, #tpu.memory_space<hbm>>
        %dma_start3A_202 = arith.constant 0 : i32
        %dma_start3A_203 = arith.constant 0 : i32
        %dma_start3A_204 = arith.constant 0 : i32
        %dma_start3A_205 = tpu.memref_slice %arg7[%dma_start3A, %dma_start3A_202, %dma_start3A_203, %dma_start3A_204] : memref<4x2x100x128xf32, #tpu.memory_space<vmem>> -> memref<1x2x100x128xf32, #tpu.memory_space<vmem>>
        %dma_start3A_206 = tpu.memref_squeeze %dma_start3A_205 : memref<1x2x100x128xf32, #tpu.memory_space<vmem>> -> memref<2x100x128xf32, #tpu.memory_space<vmem>>
        tpu.enqueue_dma source(%dma_start3A_206 : memref<2x100x128xf32, #tpu.memory_space<vmem>>) target(%dma_start3A_201 : memref<2x100x128xf32, #tpu.memory_space<hbm>>) target_semaphore(%arg18 : memref<!tpu.dma_semaphore, #tpu.memory_space<semaphore_mem>>)
      } else {
      }
    }
    %scan3A_7 = arith.constant 65 : i32
    return
  }
}

</mosaic_0001>

<sc_bundles>
// kernel: _emb.3.cloned.1.call-start
scs
__scs_entry_jumppad:
0x0: {  	(pc) =	sbr.rel $0x88, $3  }
0x1: {  	(tag) =	ssettag $0x0;
	lr =	simm.s32 $0x1  }
0x2: {  	[smem:$0x3F9E] =	sst lr;
	_ =	strace $0xD0000000  }
0x3: {  	_ = 	snop  }
0x4: {  	_ = 	snop  }
0x5: {  	_ = 	snop  }
0x6: {  	_ = 	snop  }
0x7: {  	_ = 	snop  }
__scs_overlays_trampoline_lowered:
0x8: {  	[smem:$0x3FAD] =	sst s0  }
0x9: {  	[smem:$0x3FAE] =	sst s1  }
0xa: {  	[smem:$0x3FAF] =	sst s2  }
0xb: {  	[smem:$0x3FB0] =	sst s3  }
0xc: {  	[smem:$0x3FB1] =	sst s4  }
0xd: {  	[smem:$0x3FB2] =	sst s5  }
0xe: {  	[smem:$0x3FB3] =	sst s6  }
0xf: {  	[smem:$0x3FB4] =	sst s7  }
0x10: {  	[smem:$0x3FB5] =	sst s8  }
0x11: {  	[smem:$0x3FB6] =	sst s9;
	s0 =	simm.s32 @!p0 $0x0  }
0x12: {  	s1 =	sld [smem:$0x3F9C];
	s0 =	simm.s32 @p0 $0x1  }
0x13: {  	[smem:$0x3FB7] =	sst s0;
	s0 =	simm.s32 @!p1 $0x0  }
0x14: {  	s2 =	sld [smem:$0x3F9B];
	s0 =	simm.s32 @p1 $0x1  }
0x15: {  	[smem:$0x3FB8] =	sst s0;
	s0 =	simm.s32 @!p2 $0x0  }
0x16: {  	s3 =	sld [smem:$0x3FDB];
	s0 =	simm.s32 @p2 $0x1  }
0x17: {  	s4 =	simm.s32 $0x1BF5;
	[smem:$0x3FBA] =	sst s0  }
0x18: {  	s0 =	sld [smem:$0x3F9D];
	_ =	swait.ge [sflag:s4], $0x0  }
0x19: {  	s7 =	sld [smem:$0x3F9E]  }
0x1a: {  	s8 =	sadd.s32 $0xFFFFE003, lr  }
0x1b: {  	s9 =	sadd.s32 $0xFFFFFEF7, lr;
	s5 =	simm.s32 $0xFFFFFFFF;
	p2 =	slt.u32 s8, $0xFFFFF086  }
0x1c: {  	p1 =	slt.u32 s9, $0xF7A;
	s5 =	simm.s32 @!p2 $0x0  }
0x1d: {  	s5 =	simm.s32 @p1 $0x1;
	p0 =	seq.s32 s7, s2  }
0x1e: {  	s7 =	smul.u32 @!p0 $0xF7A, s2;
	p2 =	seq.s32 @!p0 s5, $0x0  }
0x1f: {  	s9 =	smul.u32 $0xF7A, s1;
	s8 =	simm.s32 @!p0 $0x1BF5;
	p2 =	por !p2, p0  }
0x20: {  	[sflag:s8] =	ssyncset.s32 @!p0 $0xFFFFF086;
	s6 =	sadd.s32 @!p0 s3, s7;
	s7 =	simm.s32 @!p0 $0x108  }
0x21: {  	s3 =	sadd.s32 s3, s9;
	s6 =	sadd.s32 @!p0 $0x88, s6;
	s7 =	simm.s32 @p2 $0x1082  }
0x22: {  	[simem:s7], [sflag:s8] =	dma.local @!p0 [hbm:s6], $0xF7A  }
0x23: {  	s9 =	sor.u32 $0xD0000000, s2;
	s6 =	simm.s32 $0x108;
	_ =	swait.ge @!p0 [sflag:s8], $0x0  }
0x24: {  	s3 =	sadd.s32 $0x88, s3;
	s6 =	simm.s32 @!p1 $0x1082;
	[sflag:s4] =	ssyncset.s32 $0xFFFFF086  }
0x25: {  	[simem:s6], [sflag:s4] =	dma.local [hbm:s3], $0xF7A  }
0x26: {  	[smem:$0x3F9E] =	sst s1;
	(tag) =	ssettag s2;
	_ =	strace s9  }
0x27: {  	s1 =	sld [smem:$0x3FAE]  }
0x28: {  	s2 =	sld [smem:$0x3FAF]  }
0x29: {  	s4 =	sld [smem:$0x3FB1]  }
0x2a: {  	p0 =	seq.s32 s5, $0x0;
	s5 =	sld [smem:$0x3FB2]  }
0x2b: {  	s6 =	sld [smem:$0x3FB3]  }
0x2c: {  	s7 =	sld [smem:$0x3FB4]  }
0x2d: {  	s3 =	simm.s32 $0x108;
	s8 =	sld [smem:$0x3FB5]  }
0x2e: {  	s3 =	simm.s32 @!p0 $0x1082;
	s9 =	sld [smem:$0x3FB6]  }
0x2f: {  	lr =	sadd.s32 s0, s3;
	s0 =	sld [smem:$0x3FAD]  }
0x30: {  	s3 =	sld [smem:$0x3FB0]  }
0x31: {  	[smem:$0x3FB9] =	sst s10  }
0x32: {  	s10 =	sld [smem:$0x3FB7];
	_ =	sdelay $0x3  }
0x33: {  	p0 =	seq.s32 s10, $0x1;
	s10 =	sld [smem:$0x3FB9];
	_ =	sdelay $0x3  }
0x34: {  	[smem:$0x3FB9] =	sst s10  }
0x35: {  	s10 =	sld [smem:$0x3FB8];
	_ =	sdelay $0x3  }
0x36: {  	p1 =	seq.s32 s10, $0x1;
	s10 =	sld [smem:$0x3FB9];
	_ =	sdelay $0x3  }
0x37: {  	[smem:$0x3FB9] =	sst s10  }
0x38: {  	s10 =	sld [smem:$0x3FBA]  }
0x39: {  	_ = 	snop;
	(pc) =	sbr.ind lr, $3  }
0x3a: {  	_ = 	snop  }
0x3b: {  	_ = 	snop  }
0x3c: {  	p2 =	seq.s32 s10, $0x1;
	s10 =	sld [smem:$0x3FB9]  }
0x3d: {  	_ =	shalt  }
0x3e: {  	_ =	shalt  }
0x3f: {  	_ =	shalt  }
0x40: {  	_ =	shalt  }
0x41: {  	_ =	shalt  }
0x42: {  	_ =	shalt  }
0x43: {  	_ =	shalt  }
0x44: {  	_ =	shalt  }
0x45: {  	_ =	shalt  }
0x46: {  	_ =	shalt  }
0x47: {  	_ =	shalt  }
0x48: {  	_ =	shalt  }
0x49: {  	_ =	shalt  }
0x4a: {  	_ =	shalt  }
0x4b: {  	_ =	shalt  }
0x4c: {  	_ =	shalt  }
0x4d: {  	_ =	shalt  }
0x4e: {  	_ =	shalt  }
0x4f: {  	_ =	shalt  }
0x50: {  	_ =	shalt  }
0x51: {  	_ =	shalt  }
0x52: {  	_ =	shalt  }
0x53: {  	_ =	shalt  }
0x54: {  	_ =	shalt  }
0x55: {  	_ =	shalt  }
0x56: {  	_ =	shalt  }
0x57: {  	_ =	shalt  }
0x58: {  	_ =	shalt  }
0x59: {  	_ =	shalt  }
0x5a: {  	_ =	shalt  }
0x5b: {  	_ =	shalt  }
0x5c: {  	_ =	shalt  }
0x5d: {  	_ =	shalt  }
0x5e: {  	_ =	shalt  }
0x5f: {  	_ =	shalt  }
0x60: {  	_ =	shalt  }
0x61: {  	_ =	shalt  }
0x62: {  	_ =	shalt  }
0x63: {  	_ =	shalt  }
0x64: {  	_ =	shalt  }
0x65: {  	_ =	shalt  }
0x66: {  	_ =	shalt  }
0x67: {  	_ =	shalt  }
0x68: {  	_ =	shalt  }
0x69: {  	_ =	shalt  }
0x6a: {  	_ =	shalt  }
0x6b: {  	_ =	shalt  }
0x6c: {  	_ =	shalt  }
0x6d: {  	_ =	shalt  }
0x6e: {  	_ =	shalt  }
0x6f: {  	_ =	shalt  }
0x70: {  	_ =	shalt  }
0x71: {  	_ =	shalt  }
0x72: {  	_ =	shalt  }
0x73: {  	_ =	shalt  }
0x74: {  	_ =	shalt  }
0x75: {  	_ =	shalt  }
0x76: {  	_ =	shalt  }
0x77: {  	_ =	shalt  }
0x78: {  	_ =	shalt  }
0x79: {  	_ =	shalt  }
0x7a: {  	_ =	shalt  }
0x7b: {  	_ =	shalt  }
0x7c: {  	_ =	shalt  }
0x7d: {  	_ =	shalt  }
0x7e: {  	_ =	shalt  }
0x7f: {  	_ =	shalt  }
0x80: {  	_ =	shalt  }
0x81: {  	_ =	shalt  }
0x82: {  	_ =	shalt  }
0x83: {  	_ =	shalt  }
0x84: {  	_ =	shalt  }
0x85: {  	_ =	shalt  }
0x86: {  	_ =	shalt  }
0x87: {  	_ =	shalt  }
.Lfunc_end0:
.L_simem_size_0:
called_computation_lowered:
.L_overlay_start_0:
0x88: {  	s2 =	sld [smem:$0x3FD9]  }
0x89: {  	s3 =	sld [smem:$0x3FFE];
	_ =	sdelay $0x1  }
0x8a: {  	s1 =	srdreg.scid  }
0x8b: {  	s0 =	sand.u32 $0x1, s1  }
0x8c: {  	s17 =	sshll.u32 s0, $0xA;
	s2 =	sadd.s32 s3, s2  }
0x8d: {  	s2 =	sadd.s32 s2, s17  }
0x8e: {  	[smem:$0x3FC5] =	sst s2  }
0x8f: {  	_ = 	snop  }
0x90: {  	s2 =	sld [smem:$0x3FC9]  }
0x91: {  	s18 =	sld [smem:$0x3FD0];
	(tm) =	ssettm $0x1  }
0x92: {  	s4 =	sld [smem:$0x3FFB];
	_ =	sdelay $0x3  }
0x93: {  	_ =	strace s4  }
0x94: {  	s4 =	sld [smem:$0x3FFC];
	_ =	sdelay $0x3  }
0x95: {  	_ =	strace s4  }
0x96: {  	s4 =	sld [smem:$0x3FFD];
	_ =	sdelay $0x3  }
0x97: {  	_ =	strace s4  }
0x98: {  	_ =	strace $0x8FFFFFFF  }
0x99: {  	s19 =	sld [smem:$0x3FDB];
	_ =	sdelay $0x1  }
0x9a: {  	s5 =	simm.s32 $_scs_section_size  }
0x9b: {  	s6 =	simm.s32 $_size__tile_overlayer_lowered;
	s7 =	simm.s32 $_tile_overlayer_lowered  }
0x9c: {  	s22 =	simm.s32 $0x1BFF;
	s21 =	sshll.u32 s7, $0x1;
	s4 =	sadd.s32 s5, s19  }
0x9d: {  	s8 =	simm.s32 $0x0;
	s20 =	sshll.u32 s6, $0x1;
	s6 =	sadd.s32 s21, s4  }
0x9e: {  	[timem:s8], [sflag:s22] =	dma.local [hbm:s6], s20  }
0x9f: {  	_ =	swait.ge [sflag:s22], s20  }
0xa0: {  	s5 =	ssub.s32 $0x0, s20;
	[sflag:s22] =	ssyncset.done $0x0  }
0xa1: {  	[sflag:s22] =	ssyncadd.s32 s5;
	_ =	sdelay $0x1  }
0xa2: {  	s23 =	simm.s32 $0x1B8B  }
0xa3: {  	_ =	swait.ge [sflag:s23], $0x1  }
0xa4: {  	[sflag:s23] =	ssyncset.done $0x0  }
0xa5: {  	s25 =	simm.s32 $0x1B8E;
	s24 =	sld [smem:$0x3FFE];
	[sflag:s23] =	ssyncadd.s32 $0xFFFFFFFF  }
0xa6: {  	s26 =	simm.s32 $execute0_lowered;
	[smem:$0x3FD2] =	sst s25  }
0xa7: {  	s6 =	sshll.u32 s26, $0x1;
	_ =	strace $0x80000046;
	[dreg:$0x1] =	wrdreg $0xFFFFFFFF  }
0xa8: {  	s28 =	simm.s32 $_size_execute0_lowered;
	s4 =	sadd.s32 s4, s6;
	[dreg:$0x0] =	wrdreg $0x0  }
0xa9: {  	s6 =	sshll.u32 s28, $0x1;
	[dreg:$0x2] =	wrdreg s4  }
0xaa: {  	[dreg:$0x3] =	wrdreg s6  }
0xab: {  	[dreg:$0x4] =	wrdreg $0xC0  }
0xac: {  	_ =	task [dreg:s8], $0x5FFFF  }
0xad: {  	[dreg:$0x1] =	wrdreg $0xFFFFFFFF  }
0xae: {  	[dreg:$0x0] =	wrdreg $0x60  }
0xaf: {  	[dreg:$0x2] =	wrdreg s2  }
0xb0: {  	[dreg:$0x3] =	wrdreg s24  }
0xb1: {  	[dreg:$0x4] =	wrdreg s18  }
0xb2: {  	[dreg:$0x5] =	wrdreg $0x9  }
0xb3: {  	_ =	task.clear_ibuf [dreg:s8], $0x6FFFF;
	_ =	strace $0x90000046  }
0xb4: {  	s29 =	simm.s32 $0x9;
	_ =	strace $0x80000048  }
0xb5: {  	_ =	swait.ge [sflag:s29], $0x1  }
0xb6: {  	[sflag:s29] =	ssyncadd.s32 $0xFFFFFFFF  }
0xb7: {  	_ =	strace $0x90000048  }
0xb8: {  	_ =	sfence  }
0xb9: {  	s30 =	sld [smem:$0x0];
	_ =	sdelay $0x2  }
0xba: {  	s31 =	sshll.u32 s1, $0xD;
	s1 =	sshrl.u32 s1, $0x2  }
0xbb: {  	s3 =	sand.u32 $0x4000, s31;
	s1 =	sadd.s32 s1, s30  }
0xbc: {  	s0 =	sor.u32 s3, s0;
	s1 =	sshll.u32 s1, $0x11  }
0xbd: {  	s0 =	sor.u32 s1, s0  }
0xbe: {  	s0 =	sadd.s32 $0x8F2B, s0  }
0xbf: {  	[sflag:s0] =	ssyncadd.remote.s32 $0x1  }
0xc0: {  	_ =	sfence.sel $0xFFFF  }
0xc1: {  	[dreg:$0x0] =	wrdreg $0xFFFFFFFF;
	(pc) =	sbr.abs _section_cstart, $3  }
0xc2: {  	[dreg:$0x1] =	wrdreg $0xFFFFFFFF  }
0xc3: {  	_ =	task.clear_ibuf [dreg:s8], $0x2FFFF;
	_ =	strace $0x9FFFFFFF  }
0xc4: {  	(tm) =	ssettm $0x7FFFFFFF  }
0xc5: {  	_ =	shalt  }
tec
execute0_lowered:
.L_overlay_start_1:
0x0: {  	(tag) =	ssettag $0x1  }
0x1: {  	s1 =	rddreg [dreg:$0x0]  }
0x2: {  	s0 =	srdreg.scid;
	s2 =	rddreg [dreg:$0x1]  }
0x3: {  	s3 =	stileid.u32;
	s6 =	rddreg [dreg:$0x2];
	s16 =	simm.s32 $0x4  }
0x4: {  	s17 =	simm.s32 $0x64;
	s18 =	simm.s32 $0x300;
	s19 =	simm.s32 $0x13C00  }
0x5: {  	s21 =	simm.s32 $0x17000;
	s22 =	simm.s32 $0x7;
	s23 =	simm.s32 $0xD400  }
0x6: {  	s24 =	simm.s32 $0x10800;
	s25 =	simm.s32 $0xC;
	s28 =	simm.s32 $0x2  }
0x7: {  	s29 =	simm.s32 $0x100;
	s15 =	simm.s32 $0x3;
	s14 =	simm.s32 $0x6  }
0x8: {  	s13 =	simm.s32 $0x8;
	s0 =	sand.u32 $0x1, s0;
	s3 =	sshll.u32 s3, $0x1  }
0x9: {  	s5 =	sor.u32 s0, s3;
	s3 =	simm.s32 $0x0;
	s0 =	ssub.s32 $0x2, s0  }
0xa: {  	s4 =	smul.u32 $0x680, s5;
	[smem:$0x7FF] =	sst s3;
	s26 =	sshrl.u32 s0, $0x1  }
0xb: {  	s8 =	sshll.u32 s5, $0xD;
	s5 =	sshll.u32 s5, $0x9;
	_ =	strace $0x80000047  }
0xc: {  	s0 =	ssub.s32 s0, s26;
	s6 =	sadd.s32 s6, s8;
	s30 =	sadd.s32 $0xFFFFFFFC, s5  }
.Ltmp0:
0xd: {  	s10 =	sadd.s32 $0xFFFFFFFE, s5;
	s26 =	simm.s32 $0x200;
	(pc) =	sbr.rel .LBB2_1-.Ltmp0, $4  }
0xe: {  	s8 =	simm.s32 $0x0;
	s7 =	sadd.s32 s4, s2;
	s4 =	sadd.s32 $0xD400, s2  }
0xf: {  	[dreg:$0x4] =	wrdreg s30;
	s31 =	sadd.s32 $0x20, s6;
	s11 =	sadd.s32 $0x40, s6  }
0x10: {  	s12 =	sadd.s32 $0x60, s6;
	s0 =	smax.u32 s0, $0x1;
	[dreg:$0x5] =	wrdreg s31  }
0x11: {  	s7 =	sadd.s32 $0x400, s7;
	[dreg:$0x6] =	wrdreg s0;
	s0 =	simm.s32 $0x5  }
.LBB2_17:
0x12: {  	_ =	swait.ge [sflag:s25], $0x6400  }
0x13: {  	s8 =	rddreg [dreg:$0x7]  }
0x14: {  	s2 =	rddreg [dreg:$0x6];
	s8 =	sadd.s32 $0x1, s8  }
0x15: {  	p0 =	sne.s32 s8, s2  }
.Ltmp1:
0x16: {  	_ = 	snop;
	(pc) =	sbr.rel @!p0 .LBB2_18-.Ltmp1, $3  }
0x17: {  	_ =	sdelay $0x1  }
0x18: {  	[sflag:s25] =	ssyncset.done $0x0  }
0x19: {  	[sflag:s25] =	ssyncadd.s32 $0xFFFF9C00  }
.LBB2_1:
0x1a: {  	[dreg:$0x7] =	wrdreg s8  }
.Ltmp2:
0x1b: {  	s2 =	simm.s32 $0x1A400;
	s30 =	simm.s32 $0xD;
	(pc) =	sbr.rel .LBB2_2-.Ltmp2, $4  }
0x1c: {  	[tilespmem:s2], [sflag:$0xD] =	stream.linear.gather [hbm4b:s7+s3], $0x3200, $0x38;
	[tilespmem:$0x1D800] =	vst v63  }
0x1d: {  	_ =	swait.ge [sflag:s30], $0x3200  }
0x1e: {  	[sflag:s30] =	ssyncset.done $0x0  }
0x1f: {  	s31 =	simm.s32 $0x0;
	[sflag:s30] =	ssyncadd.s32 $0xFFFFCE00  }
.LBB2_19:
0x20: {  	_ =	swait.ge [sflag:s25], $0x6400  }
0x21: {  	[sflag:s25] =	ssyncset.done $0x0  }
0x22: {  	s2 =	sadd.s32 s30, s12;
	s31 =	sadd.s32 $0x1, s31;
	[sflag:s25] =	ssyncadd.s32 $0xFFFF9C00  }
0x23: {  	[tilespmem:s18], [sflag:$0x4] =	stream.linear.gather [hbm4b:s2+s3], $0x100, $0x38;
	[tilespmem:$0x1D800] =	vst v63  }
.LBB2_2:
0x24: {  	s20 =	sshll.u32 s31, $0x2  }
0x25: {  	s2 =	sadd.s32 $0xFFFFFFFC, s20  }
0x26: {  	p0 =	sgt.u32 s2, $0xFF  }
0x27: {  	s2 =	simm.s32 @!p0 $0x9  }
0x28: {  	p1 =	seq.s32 s31, $0x40;
	_ =	swait.ge @!p0 [sflag:s2], $0x6400  }
.Ltmp3:
0x29: {  	s8 =	sshll.u32 @!p1 s31, $0x7;
	[sflag:s2] =	ssyncset.done @!p0 $0x0;
	(pc) =	sbr.rel @p0 .LBB2_6-.Ltmp3, $4  }
0x2a: {  	[sflag:s2] =	ssyncadd.s32 @!p0 $0xFFFF9C00;
	s2 =	sadd.s32 @!p1 s8, s6;
	s8 =	simm.s32 @!p1 $0x0  }
0x2b: {  	[tilespmem:s8], [sflag:$0x1] =	stream.linear.gather @!p1 [hbm4b:s2+s8], $0x100, $0x38;
	[tilespmem:$0x1D800] =	vst v63  }
0x2c: {  	s2 =	simm.s32 @!p1 $0x400  }
0x2d: {  	[tilespmem:s2], [sflag:$0x1] =	stream.linear.gather @!p1 [hbm4b:s7+s8], $0x3200, $0x38;
	[tilespmem:$0x1D800] =	vst v63  }
0x2e: {  	_ =	swait.ge [sflag:s16], $0x100  }
0x2f: {  	[sflag:s16] =	ssyncset.done $0x0  }
0x30: {  	[sflag:s16] =	ssyncadd.s32 $0xFFFFFF00  }
0x31: {  	[tilespmem:s19], [sflag:$0x8] =	stream.indirect.gather [hbm4b:s1+s17], $0x80, s18, s17, $0xb8;
	[tilespmem:$0x1D800] =	vst v63  }
0x32: {  	s2 =	simm.s32 $0x380  }
0x33: {  	[tilespmem:s21], [sflag:$0x8] =	stream.indirect.gather [hbm4b:s1+s17], $0x80, s2, s17, $0xb8;
	[tilespmem:$0x1D800] =	vst v63  }
0x34: {  	_ =	swait.ge [sflag:s22], $0x3200  }
0x35: {  	[sflag:s22] =	ssyncset.done $0x0  }
0x36: {  	[sflag:s22] =	ssyncadd.s32 $0xFFFFCE00  }
0x37: {  	_ =	swait.ge [sflag:s22], $0x3200  }
0x38: {  	[sflag:s22] =	ssyncset.done $0x0  }
0x39: {  	s2 =	simm.s32 $0x0;
	[sflag:s22] =	ssyncadd.s32 $0xFFFFCE00  }
0x3a: {  	v6 =	vld [tilespmem:s2+$0x1A400]  }
0x3b: {  	v11 =	vld [tilespmem:s2+$0x1A410]  }
0x3c: {  	v5 =	vld [tilespmem:s2+$0x1A420]  }
0x3d: {  	v4 =	vld [tilespmem:s2+$0x1A430]  }
0x3e: {  	v3 =	vld [tilespmem:s2+$0x1A440]  }
0x3f: {  	v2 =	vld [tilespmem:s2+$0x1A450]  }
0x40: {  	v1 =	vld [tilespmem:s2+$0x1A460]  }
0x41: {  	v0 =	vld [tilespmem:s2+$0x1A470]  }
0x42: {  	v12 =	vld [tilespmem:s2+$0x10800]  }
0x43: {  	v13 =	vld [tilespmem:s2+$0x10810]  }
0x44: {  	v10 =	vld [tilespmem:s2+$0x10820]  }
0x45: {  	v9 =	vld [tilespmem:s2+$0x10830]  }
0x46: {  	v8 =	vld [tilespmem:s2+$0x10840]  }
0x47: {  	v7 =	vld [tilespmem:s2+$0x10850];
	v12 =	vadd.f32 v6, v12  }
0x48: {  	s30 =	simm.s32 $0x200;
	v11 =	vadd.f32 v11, v13;
	v6 =	vld [tilespmem:s2+$0x10860]  }
.LBB2_4:
0x49: {  	s8 =	sshra.s32 s30, $0x2;
	p2 =	sne.s32 s30, $0xC600;
	[tilespmem:s2+$0x10800] =	vst v12;
	v5 =	vadd.f32 v5, v10;
	v10 =	vld [tilespmem:s2+$0x10870]  }
0x4a: {  	v12 =	vld [tilespmem:s8+$0x1A400];
	[tilespmem:s2+$0x10810] =	vst v11;
	v4 =	vadd.f32 v4, v9  }
0x4b: {  	v11 =	vld [tilespmem:s8+$0x1A410];
	[tilespmem:s2+$0x10820] =	vst v5;
	v3 =	vadd.f32 v3, v8  }
0x4c: {  	v5 =	vld [tilespmem:s8+$0x1A420];
	[tilespmem:s2+$0x10830] =	vst v4;
	v2 =	vadd.f32 v2, v7  }
0x4d: {  	v4 =	vld [tilespmem:s8+$0x1A430];
	[tilespmem:s2+$0x10840] =	vst v3;
	v1 =	vadd.f32 v1, v6  }
0x4e: {  	v3 =	vld [tilespmem:s8+$0x1A440];
	[tilespmem:s2+$0x10850] =	vst v2;
	v0 =	vadd.f32 v0, v10  }
0x4f: {  	v2 =	vld [tilespmem:s8+$0x1A450];
	[tilespmem:s2+$0x10860] =	vst v1  }
0x50: {  	v1 =	vld [tilespmem:s8+$0x1A460];
	[tilespmem:s2+$0x10870] =	vst v0;
	s2 =	smov.u32 s8  }
0x51: {  	v0 =	vld [tilespmem:s2+$0x1A470]  }
0x52: {  	v6 =	vld [tilespmem:s2+$0x10800]  }
0x53: {  	v13 =	vld [tilespmem:s2+$0x10810]  }
.Ltmp4:
0x54: {  	v10 =	vld [tilespmem:s2+$0x10820];
	(pc) =	sbr.rel @p2 .LBB2_4-.Ltmp4, $4  }
0x55: {  	v9 =	vld [tilespmem:s2+$0x10830]  }
0x56: {  	v8 =	vld [tilespmem:s2+$0x10840]  }
0x57: {  	v12 =	vadd.f32 v12, v6;
	v7 =	vld [tilespmem:s2+$0x10850]  }
0x58: {  	s30 =	sadd.s32 $0x200, s30;
	v11 =	vadd.f32 v11, v13;
	v6 =	vld [tilespmem:s2+$0x10860]  }
0x59: {  	[tilespmem:s2+$0x10800] =	vst v12;
	v5 =	vadd.f32 v5, v10;
	v63 =	vld [tilespmem:s2+$0x10870]  }
0x5a: {  	[tilespmem:s2+$0x10810] =	vst v11;
	v4 =	vadd.f32 v4, v9  }
0x5b: {  	s8 =	sshll.u32 s31, $0x3;
	s9 =	rddreg [dreg:$0x4];
	[tilespmem:s2+$0x10820] =	vst v5;
	v3 =	vadd.f32 v3, v8  }
0x5c: {  	s8 =	sadd.s32 s8, s9;
	[tilespmem:s2+$0x10830] =	vst v4;
	v2 =	vadd.f32 v2, v7  }
0x5d: {  	s8 =	smul.u32 $0x3400, s8;
	[tilespmem:s2+$0x10840] =	vst v3;
	v1 =	vadd.f32 v1, v6  }
0x5e: {  	[tilespmem:s2+$0x10850] =	vst v2;
	v0 =	vadd.f32 v0, v63  }
0x5f: {  	s8 =	sshrl.u32 s8, $0x3;
	[tilespmem:s2+$0x10860] =	vst v1  }
0x60: {  	s30 =	sadd.s32 s4, s8;
	[tilespmem:s2+$0x10870] =	vst v0  }
0x61: {  	[hbm4b:s30+s3] =	stream.linear.scatter [tilespmem:s23], [sflag:$0xB], $0x3200, $0x38;
	[tilespmem:$0x1D800] =	vst v63  }
0x62: {  	s2 =	sadd.s32 $0x680, s30  }
0x63: {  	[hbm4b:s2+s3] =	stream.linear.scatter [tilespmem:s24], [sflag:$0xB], $0x3200, $0x38;
	[tilespmem:$0x1D800] =	vst v63  }
.LBB2_6:
0x64: {  	p2 =	seq.s32 s31, $0x0  }
0x65: {  	s2 =	simm.s32 @!p2 $0xA  }
0x66: {  	p3 =	seq.s32 @!p2 s31, $0x40;
	_ =	swait.ge @!p2 [sflag:s2], $0x6400  }
0x67: {  	p3 =	por p2, !p3;
	[sflag:s2] =	ssyncset.done @!p2 $0x0  }
0x68: {  	s8 =	rddreg @p3 [dreg:$0x5];
	[sflag:s2] =	ssyncadd.s32 @!p2 $0xFFFF9C00;
	s2 =	sshll.u32 @p3 s31, $0x7  }
0x69: {  	s20 =	sor.u32 $0x1, s20;
	s2 =	sadd.s32 @p3 s2, s8  }
0x6a: {  	[tilespmem:s29], [sflag:$0x2] =	stream.linear.gather @p3 [hbm4b:s2+s3], $0x100, $0x38;
	[tilespmem:$0x1D800] =	vst v63  }
0x6b: {  	p3 =	sgt.u32 s20, $0x100  }
0x6c: {  	s2 =	simm.s32 @!p3 $0x1  }
0x6d: {  	_ =	swait.ge @!p3 [sflag:s2], $0x100  }
0x6e: {  	[sflag:s2] =	ssyncset.done @!p3 $0x0  }
0x6f: {  	[sflag:s2] =	ssyncadd.s32 @!p3 $0xFFFFFF00  }
0x70: {  	_ =	swait.ge @!p3 [sflag:s2], $0x3200  }
.Ltmp5:
0x71: {  	s8 =	simm.s32 @!p3 $0x0;
	[sflag:s2] =	ssyncset.done @!p3 $0x0;
	(pc) =	sbr.rel @p2 .LBB2_10-.Ltmp5, $4  }
0x72: {  	s30 =	simm.s32 @!p3 $0x400;
	[sflag:s2] =	ssyncadd.s32 @!p3 $0xFFFFCE00;
	s2 =	simm.s32 @!p3 $0x64  }
0x73: {  	[tilespmem:s30], [sflag:$0x5] =	stream.indirect.gather.add.f32 @!p3 [hbm:s1], $0x80, s8, s2, $0xb8;
	[tilespmem:$0x1D800] =	vst v63  }
0x74: {  	s8 =	simm.s32 @!p3 $0x80;
	s30 =	simm.s32 @!p3 $0x3800  }
0x75: {  	[tilespmem:s30], [sflag:$0x5] =	stream.indirect.gather @!p3 [hbm4b:s1+s2], $0x80, s8, s2, $0xb8;
	[tilespmem:$0x1D800] =	vst v63  }
0x76: {  	_ =	swait.ge [sflag:s13], $0x3200  }
0x77: {  	[sflag:s13] =	ssyncset.done $0x0  }
0x78: {  	[sflag:s13] =	ssyncadd.s32 $0xFFFFCE00  }
0x79: {  	_ =	swait.ge [sflag:s13], $0x3200  }
0x7a: {  	[sflag:s13] =	ssyncset.done $0x0  }
0x7b: {  	s30 =	simm.s32 $0x0;
	[sflag:s13] =	ssyncadd.s32 $0xFFFFCE00  }
0x7c: {  	v6 =	vld [tilespmem:s30+$0x1A400]  }
0x7d: {  	v7 =	vld [tilespmem:s30+$0x1A410]  }
0x7e: {  	v8 =	vld [tilespmem:s30+$0x1A420]  }
0x7f: {  	v9 =	vld [tilespmem:s30+$0x1A430]  }
0x80: {  	v10 =	vld [tilespmem:s30+$0x1A440]  }
0x81: {  	v11 =	vld [tilespmem:s30+$0x1A450]  }
0x82: {  	v12 =	vld [tilespmem:s30+$0x1A460]  }
0x83: {  	v13 =	vld [tilespmem:s30+$0x1A470]  }
0x84: {  	v14 =	vld [tilespmem:s30+$0x1A400]  }
0x85: {  	v15 =	vld [tilespmem:s30+$0x1A410]  }
0x86: {  	v5 =	vld [tilespmem:s30+$0x1A420]  }
0x87: {  	v4 =	vld [tilespmem:s30+$0x1A430]  }
0x88: {  	v3 =	vld [tilespmem:s30+$0x1A440]  }
0x89: {  	v2 =	vld [tilespmem:s30+$0x1A450]  }
0x8a: {  	v1 =	vld [tilespmem:s30+$0x1A460]  }
0x8b: {  	v0 =	vld [tilespmem:s30+$0x1A470]  }
0x8c: {  	v16 =	vld [tilespmem:s30+$0x13C00]  }
0x8d: {  	v17 =	vld [tilespmem:s30+$0x13C10]  }
0x8e: {  	v18 =	vld [tilespmem:s30+$0x13C20]  }
0x8f: {  	v19 =	vld [tilespmem:s30+$0x13C30]  }
0x90: {  	v20 =	vld [tilespmem:s30+$0x13C40]  }
0x91: {  	v60 =	vld [tilespmem:s30+$0x13C50];
	v6 =	vadd.f32 v6, v16  }
0x92: {  	v21 =	vld [tilespmem:s30+$0x13C60];
	v7 =	vadd.f32 v7, v17  }
0x93: {  	v61 =	vld [tilespmem:s30+$0x13C70];
	[tilespmem:s30+$0x13C00] =	vst v6;
	v6 =	vadd.f32 v8, v18  }
0x94: {  	v62 =	vld [tilespmem:s30+$0x17000];
	[tilespmem:s30+$0x13C10] =	vst v7;
	v7 =	vadd.f32 v9, v19  }
0x95: {  	v63 =	vld [tilespmem:s30+$0x17010];
	[tilespmem:s30+$0x13C20] =	vst v6;
	v6 =	vadd.f32 v10, v20  }
0x96: {  	v8 =	vadd.f32 v11, v60;
	[tilespmem:s30+$0x13C30] =	vst v7;
	v7 =	vld [tilespmem:s30+$0x17020]  }
0x97: {  	v9 =	vadd.f32 v12, v21;
	[tilespmem:s30+$0x13C40] =	vst v6;
	v6 =	vld [tilespmem:s30+$0x17030]  }
0x98: {  	[tilespmem:s30+$0x13C50] =	vst v8;
	v8 =	vld [tilespmem:s30+$0x17040];
	v10 =	vadd.f32 v13, v61  }
0x99: {  	v12 =	vadd.f32 v14, v62;
	[tilespmem:s30+$0x13C60] =	vst v9;
	v9 =	vld [tilespmem:s30+$0x17050]  }
0x9a: {  	s2 =	simm.s32 $0x200;
	v11 =	vadd.f32 v15, v63;
	[tilespmem:s30+$0x13C70] =	vst v10;
	v10 =	vld [tilespmem:s30+$0x17060]  }
.LBB2_8:
0x9b: {  	s8 =	sshra.s32 s2, $0x2;
	p3 =	sne.s32 s2, $0xC600;
	[tilespmem:s30+$0x17000] =	vst v12;
	v5 =	vadd.f32 v5, v7;
	v7 =	vld [tilespmem:s30+$0x17070]  }
0x9c: {  	v12 =	vld [tilespmem:s8+$0x1A400];
	[tilespmem:s30+$0x17010] =	vst v11;
	v4 =	vadd.f32 v4, v6  }
0x9d: {  	v6 =	vld [tilespmem:s8+$0x1A410];
	[tilespmem:s30+$0x17020] =	vst v5;
	v3 =	vadd.f32 v3, v8  }
0x9e: {  	v8 =	vld [tilespmem:s8+$0x1A420];
	[tilespmem:s30+$0x17030] =	vst v4;
	v2 =	vadd.f32 v2, v9  }
0x9f: {  	v9 =	vld [tilespmem:s8+$0x1A430];
	[tilespmem:s30+$0x17040] =	vst v3;
	v1 =	vadd.f32 v1, v10  }
0xa0: {  	v10 =	vld [tilespmem:s8+$0x1A440];
	[tilespmem:s30+$0x17050] =	vst v2;
	v0 =	vadd.f32 v0, v7  }
0xa1: {  	v7 =	vld [tilespmem:s8+$0x1A450];
	[tilespmem:s30+$0x17060] =	vst v1  }
0xa2: {  	v11 =	vld [tilespmem:s8+$0x1A460];
	[tilespmem:s30+$0x17070] =	vst v0;
	s30 =	smov.u32 s8  }
0xa3: {  	v13 =	vld [tilespmem:s30+$0x1A470]  }
0xa4: {  	v14 =	vld [tilespmem:s30+$0x1A400]  }
0xa5: {  	v15 =	vld [tilespmem:s30+$0x1A410]  }
0xa6: {  	v5 =	vld [tilespmem:s30+$0x1A420]  }
0xa7: {  	v4 =	vld [tilespmem:s30+$0x1A430]  }
0xa8: {  	v3 =	vld [tilespmem:s30+$0x1A440]  }
0xa9: {  	v2 =	vld [tilespmem:s30+$0x1A450]  }
0xaa: {  	v1 =	vld [tilespmem:s30+$0x1A460]  }
0xab: {  	v0 =	vld [tilespmem:s30+$0x1A470]  }
0xac: {  	v16 =	vld [tilespmem:s30+$0x13C00]  }
0xad: {  	v17 =	vld [tilespmem:s30+$0x13C10]  }
0xae: {  	v18 =	vld [tilespmem:s30+$0x13C20]  }
0xaf: {  	v19 =	vld [tilespmem:s30+$0x13C30]  }
0xb0: {  	v20 =	vld [tilespmem:s30+$0x13C40]  }
0xb1: {  	v12 =	vadd.f32 v12, v16;
	v16 =	vld [tilespmem:s30+$0x13C50]  }
0xb2: {  	v6 =	vadd.f32 v6, v17;
	v17 =	vld [tilespmem:s30+$0x13C60]  }
0xb3: {  	[tilespmem:s30+$0x13C00] =	vst v12;
	v8 =	vadd.f32 v8, v18;
	v12 =	vld [tilespmem:s30+$0x13C70]  }
0xb4: {  	[tilespmem:s30+$0x13C10] =	vst v6;
	v6 =	vadd.f32 v9, v19;
	v9 =	vld [tilespmem:s30+$0x17000]  }
0xb5: {  	[tilespmem:s30+$0x13C20] =	vst v8;
	v8 =	vadd.f32 v10, v20;
	v10 =	vld [tilespmem:s30+$0x17010]  }
.Ltmp6:
0xb6: {  	[tilespmem:s30+$0x13C30] =	vst v6;
	v16 =	vadd.f32 v7, v16;
	v7 =	vld [tilespmem:s30+$0x17020];
	(pc) =	sbr.rel @p3 .LBB2_8-.Ltmp6, $4  }
0xb7: {  	[tilespmem:s30+$0x13C40] =	vst v8;
	v11 =	vadd.f32 v11, v17;
	v6 =	vld [tilespmem:s30+$0x17030]  }
0xb8: {  	[tilespmem:s30+$0x13C50] =	vst v16;
	v13 =	vadd.f32 v13, v12;
	v8 =	vld [tilespmem:s30+$0x17040]  }
0xb9: {  	[tilespmem:s30+$0x13C60] =	vst v11;
	v12 =	vadd.f32 v14, v9;
	v9 =	vld [tilespmem:s30+$0x17050]  }
0xba: {  	s2 =	sadd.s32 $0x200, s2;
	[tilespmem:s30+$0x13C70] =	vst v13;
	v11 =	vadd.f32 v15, v10;
	v10 =	vld [tilespmem:s30+$0x17060]  }
0xbb: {  	[tilespmem:s30+$0x17000] =	vst v12;
	v5 =	vadd.f32 v5, v7;
	v63 =	vld [tilespmem:s30+$0x17070]  }
0xbc: {  	[tilespmem:s30+$0x17010] =	vst v11;
	v4 =	vadd.f32 v4, v6  }
0xbd: {  	s2 =	sshll.u32 s31, $0x3;
	[tilespmem:s30+$0x17020] =	vst v5;
	v3 =	vadd.f32 v3, v8  }
0xbe: {  	s2 =	sadd.s32 s2, s10;
	[tilespmem:s30+$0x17030] =	vst v4;
	v2 =	vadd.f32 v2, v9  }
0xbf: {  	s2 =	smul.u32 $0x3400, s2;
	[tilespmem:s30+$0x17040] =	vst v3;
	v1 =	vadd.f32 v1, v10  }
0xc0: {  	[tilespmem:s30+$0x17050] =	vst v2;
	v0 =	vadd.f32 v0, v63  }
0xc1: {  	s2 =	sshrl.u32 s2, $0x3;
	[tilespmem:s30+$0x17060] =	vst v1  }
0xc2: {  	s2 =	sadd.s32 s4, s2;
	[tilespmem:s30+$0x17070] =	vst v0  }
0xc3: {  	[hbm4b:s2+s3] =	stream.linear.scatter [tilespmem:s19], [sflag:$0xC], $0x3200, $0x38;
	[tilespmem:$0x1D800] =	vst v63  }
0xc4: {  	s2 =	sadd.s32 $0x680, s2  }
0xc5: {  	[hbm4b:s2+s3] =	stream.linear.scatter [tilespmem:s21], [sflag:$0xC], $0x3200, $0x38;
	[tilespmem:$0x1D800] =	vst v63  }
.LBB2_10:
.Ltmp7:
0xc6: {  	(pc) =	sbr.rel @p1 .LBB2_17-.Ltmp7, $4  }
0xc7: {  	s2 =	simm.s32 @!p0 $0xB  }
0xc8: {  	_ =	swait.ge @!p0 [sflag:s2], $0x6400  }
0xc9: {  	[sflag:s2] =	ssyncset.done @!p0 $0x0  }
0xca: {  	[sflag:s2] =	ssyncadd.s32 @!p0 $0xFFFF9C00  }
0xcb: {  	p0 =	sgt.u32 s31, $0x3F  }
.Ltmp8:
0xcc: {  	s30 =	sshll.u32 s31, $0x7;
	(pc) =	sbr.rel @p0 .LBB2_19-.Ltmp8, $4  }
0xcd: {  	s2 =	sadd.s32 s30, s11  }
0xce: {  	[tilespmem:s26], [sflag:$0x3] =	stream.linear.gather [hbm4b:s2+s3], $0x100, $0x38;
	[tilespmem:$0x1D800] =	vst v63  }
0xcf: {  	_ = 	snop  }
0xd0: {  	[tilespmem:s23], [sflag:$0x3] =	stream.linear.gather [hbm4b:s7+s3], $0x3200, $0x38;
	[tilespmem:$0x1D800] =	vst v63  }
0xd1: {  	_ =	swait.ge [sflag:s28], $0x100  }
0xd2: {  	[sflag:s28] =	ssyncset.done $0x0  }
0xd3: {  	s2 =	simm.s32 $0x6C00;
	[sflag:s28] =	ssyncadd.s32 $0xFFFFFF00  }
0xd4: {  	[tilespmem:s2], [sflag:$0x6] =	stream.indirect.gather [hbm4b:s1+s17], $0x80, s29, s17, $0xb8;
	[tilespmem:$0x1D800] =	vst v63  }
0xd5: {  	s9 =	simm.s32 $0x180;
	s8 =	simm.s32 $0xA000  }
0xd6: {  	[tilespmem:s8], [sflag:$0x6] =	stream.indirect.gather [hbm4b:s1+s17], $0x80, s9, s17, $0xb8;
	[tilespmem:$0x1D800] =	vst v63  }
0xd7: {  	_ =	swait.ge [sflag:s0], $0x3200  }
0xd8: {  	[sflag:s0] =	ssyncset.done $0x0  }
0xd9: {  	[sflag:s0] =	ssyncadd.s32 $0xFFFFCE00  }
0xda: {  	_ =	swait.ge [sflag:s0], $0x3200  }
0xdb: {  	[sflag:s0] =	ssyncset.done $0x0  }
0xdc: {  	s2 =	simm.s32 $0x0;
	[sflag:s0] =	ssyncadd.s32 $0xFFFFCE00  }
0xdd: {  	v6 =	vld [tilespmem:s2+$0x1A400]  }
0xde: {  	v11 =	vld [tilespmem:s2+$0x1A410]  }
0xdf: {  	v5 =	vld [tilespmem:s2+$0x1A420]  }
0xe0: {  	v4 =	vld [tilespmem:s2+$0x1A430]  }
0xe1: {  	v3 =	vld [tilespmem:s2+$0x1A440]  }
0xe2: {  	v2 =	vld [tilespmem:s2+$0x1A450]  }
0xe3: {  	v1 =	vld [tilespmem:s2+$0x1A460]  }
0xe4: {  	v0 =	vld [tilespmem:s2+$0x1A470]  }
0xe5: {  	v12 =	vld [tilespmem:s2+$0x3800]  }
0xe6: {  	v13 =	vld [tilespmem:s2+$0x3810]  }
0xe7: {  	v10 =	vld [tilespmem:s2+$0x3820]  }
0xe8: {  	v9 =	vld [tilespmem:s2+$0x3830]  }
0xe9: {  	v8 =	vld [tilespmem:s2+$0x3840]  }
0xea: {  	v7 =	vld [tilespmem:s2+$0x3850];
	v12 =	vadd.f32 v6, v12  }
0xeb: {  	s8 =	simm.s32 $0x200;
	v11 =	vadd.f32 v11, v13;
	v6 =	vld [tilespmem:s2+$0x3860]  }
.LBB2_13:
0xec: {  	s9 =	sshra.s32 s8, $0x2;
	p0 =	sne.s32 s8, $0xC600;
	[tilespmem:s2+$0x3800] =	vst v12;
	v5 =	vadd.f32 v5, v10;
	v10 =	vld [tilespmem:s2+$0x3870]  }
0xed: {  	v12 =	vld [tilespmem:s9+$0x1A400];
	[tilespmem:s2+$0x3810] =	vst v11;
	v4 =	vadd.f32 v4, v9  }
0xee: {  	v11 =	vld [tilespmem:s9+$0x1A410];
	[tilespmem:s2+$0x3820] =	vst v5;
	v3 =	vadd.f32 v3, v8  }
0xef: {  	v5 =	vld [tilespmem:s9+$0x1A420];
	[tilespmem:s2+$0x3830] =	vst v4;
	v2 =	vadd.f32 v2, v7  }
0xf0: {  	v4 =	vld [tilespmem:s9+$0x1A430];
	[tilespmem:s2+$0x3840] =	vst v3;
	v1 =	vadd.f32 v1, v6  }
0xf1: {  	v3 =	vld [tilespmem:s9+$0x1A440];
	[tilespmem:s2+$0x3850] =	vst v2;
	v0 =	vadd.f32 v0, v10  }
0xf2: {  	v2 =	vld [tilespmem:s9+$0x1A450];
	[tilespmem:s2+$0x3860] =	vst v1  }
0xf3: {  	v1 =	vld [tilespmem:s9+$0x1A460];
	[tilespmem:s2+$0x3870] =	vst v0;
	s2 =	smov.u32 s9  }
0xf4: {  	v0 =	vld [tilespmem:s2+$0x1A470]  }
0xf5: {  	v6 =	vld [tilespmem:s2+$0x3800]  }
0xf6: {  	v13 =	vld [tilespmem:s2+$0x3810]  }
.Ltmp9:
0xf7: {  	v10 =	vld [tilespmem:s2+$0x3820];
	(pc) =	sbr.rel @p0 .LBB2_13-.Ltmp9, $4  }
0xf8: {  	v9 =	vld [tilespmem:s2+$0x3830]  }
0xf9: {  	v8 =	vld [tilespmem:s2+$0x3840]  }
0xfa: {  	v12 =	vadd.f32 v12, v6;
	v7 =	vld [tilespmem:s2+$0x3850]  }
0xfb: {  	s8 =	sadd.s32 $0x200, s8;
	v11 =	vadd.f32 v11, v13;
	v6 =	vld [tilespmem:s2+$0x3860]  }
0xfc: {  	[tilespmem:s2+$0x3800] =	vst v12;
	v5 =	vadd.f32 v5, v10;
	v10 =	vld [tilespmem:s2+$0x3870]  }
0xfd: {  	[tilespmem:s2+$0x3810] =	vst v11;
	v4 =	vadd.f32 v4, v9  }
0xfe: {  	[tilespmem:s2+$0x3820] =	vst v5;
	v3 =	vadd.f32 v3, v8  }
0xff: {  	s8 =	sshll.u32 s31, $0x3;
	[tilespmem:s2+$0x3830] =	vst v4;
	v2 =	vadd.f32 v2, v7  }
0x100: {  	s8 =	sor.u32 s5, s8;
	[tilespmem:s2+$0x3840] =	vst v3;
	v1 =	vadd.f32 v1, v6  }
0x101: {  	s8 =	smul.u32 $0x680, s8;
	[tilespmem:s2+$0x3850] =	vst v2;
	v0 =	vadd.f32 v0, v10  }
0x102: {  	[tilespmem:s2+$0x3860] =	vst v1  }
0x103: {  	s9 =	simm.s32 $0x400;
	[tilespmem:s2+$0x3870] =	vst v0;
	s2 =	sadd.s32 s4, s8  }
0x104: {  	[hbm4b:s2+s3] =	stream.linear.scatter [tilespmem:s9], [sflag:$0x9], $0x3200, $0x38;
	[tilespmem:$0x1D800] =	vst v63  }
0x105: {  	s2 =	sadd.s32 $0x680, s2;
	s9 =	simm.s32 $0x3800  }
0x106: {  	[hbm4b:s2+s3] =	stream.linear.scatter [tilespmem:s9], [sflag:$0x9], $0x3200, $0x38;
	[tilespmem:$0x1D800] =	vst v63  }
0x107: {  	s2 =	simm.s32 @!p2 $0xC  }
0x108: {  	_ =	swait.ge @!p2 [sflag:s2], $0x6400  }
0x109: {  	[sflag:s2] =	ssyncset.done @!p2 $0x0  }
0x10a: {  	s8 =	sadd.s32 s30, s12;
	s9 =	simm.s32 $0x0;
	[sflag:s2] =	ssyncadd.s32 @!p2 $0xFFFF9C00  }
0x10b: {  	[tilespmem:s18], [sflag:$0x4] =	stream.linear.gather [hbm4b:s8+s9], $0x100, $0x38;
	[tilespmem:$0x1D800] =	vst v63  }
0x10c: {  	_ =	swait.ge [sflag:s15], $0x100  }
0x10d: {  	[sflag:s15] =	ssyncset.done $0x0  }
0x10e: {  	[sflag:s15] =	ssyncadd.s32 $0xFFFFFF00  }
0x10f: {  	_ =	swait.ge [sflag:s15], $0x3200  }
0x110: {  	[sflag:s15] =	ssyncset.done $0x0  }
0x111: {  	[sflag:s15] =	ssyncadd.s32 $0xFFFFCE00  }
0x112: {  	[tilespmem:s23], [sflag:$0x7] =	stream.indirect.gather.add.f32 [hbm:s1], $0x80, s26, s17, $0xb8;
	[tilespmem:$0x1D800] =	vst v63  }
0x113: {  	s9 =	simm.s32 $0x280  }
0x114: {  	[tilespmem:s24], [sflag:$0x7] =	stream.indirect.gather [hbm4b:s1+s17], $0x80, s9, s17, $0xb8;
	[tilespmem:$0x1D800] =	vst v63  }
0x115: {  	_ =	swait.ge [sflag:s14], $0x3200  }
0x116: {  	[sflag:s14] =	ssyncset.done $0x0  }
0x117: {  	[sflag:s14] =	ssyncadd.s32 $0xFFFFCE00  }
0x118: {  	_ =	swait.ge [sflag:s14], $0x3200  }
0x119: {  	[sflag:s14] =	ssyncset.done $0x0  }
0x11a: {  	s30 =	simm.s32 $0x0;
	[sflag:s14] =	ssyncadd.s32 $0xFFFFCE00  }
0x11b: {  	v6 =	vld [tilespmem:s30+$0x1A400]  }
0x11c: {  	v7 =	vld [tilespmem:s30+$0x1A410]  }
0x11d: {  	v8 =	vld [tilespmem:s30+$0x1A420]  }
0x11e: {  	v9 =	vld [tilespmem:s30+$0x1A430]  }
0x11f: {  	v10 =	vld [tilespmem:s30+$0x1A440]  }
0x120: {  	v11 =	vld [tilespmem:s30+$0x1A450]  }
0x121: {  	v12 =	vld [tilespmem:s30+$0x1A460]  }
0x122: {  	v13 =	vld [tilespmem:s30+$0x1A470]  }
0x123: {  	v14 =	vld [tilespmem:s30+$0x1A400]  }
0x124: {  	v15 =	vld [tilespmem:s30+$0x1A410]  }
0x125: {  	v5 =	vld [tilespmem:s30+$0x1A420]  }
0x126: {  	v4 =	vld [tilespmem:s30+$0x1A430]  }
0x127: {  	v3 =	vld [tilespmem:s30+$0x1A440]  }
0x128: {  	v2 =	vld [tilespmem:s30+$0x1A450]  }
0x129: {  	v1 =	vld [tilespmem:s30+$0x1A460]  }
0x12a: {  	v0 =	vld [tilespmem:s30+$0x1A470]  }
0x12b: {  	v16 =	vld [tilespmem:s30+$0x6C00]  }
0x12c: {  	v17 =	vld [tilespmem:s30+$0x6C10]  }
0x12d: {  	v18 =	vld [tilespmem:s30+$0x6C20]  }
0x12e: {  	v19 =	vld [tilespmem:s30+$0x6C30]  }
0x12f: {  	v20 =	vld [tilespmem:s30+$0x6C40]  }
0x130: {  	v60 =	vld [tilespmem:s30+$0x6C50];
	v6 =	vadd.f32 v6, v16  }
0x131: {  	v21 =	vld [tilespmem:s30+$0x6C60];
	v7 =	vadd.f32 v7, v17  }
0x132: {  	v61 =	vld [tilespmem:s30+$0x6C70];
	[tilespmem:s30+$0x6C00] =	vst v6;
	v6 =	vadd.f32 v8, v18  }
0x133: {  	v62 =	vld [tilespmem:s30+$0xA000];
	[tilespmem:s30+$0x6C10] =	vst v7;
	v7 =	vadd.f32 v9, v19  }
0x134: {  	v63 =	vld [tilespmem:s30+$0xA010];
	[tilespmem:s30+$0x6C20] =	vst v6;
	v6 =	vadd.f32 v10, v20  }
0x135: {  	v8 =	vadd.f32 v11, v60;
	[tilespmem:s30+$0x6C30] =	vst v7;
	v7 =	vld [tilespmem:s30+$0xA020]  }
0x136: {  	v9 =	vadd.f32 v12, v21;
	[tilespmem:s30+$0x6C40] =	vst v6;
	v6 =	vld [tilespmem:s30+$0xA030]  }
0x137: {  	[tilespmem:s30+$0x6C50] =	vst v8;
	v8 =	vld [tilespmem:s30+$0xA040];
	v10 =	vadd.f32 v13, v61  }
0x138: {  	v12 =	vadd.f32 v14, v62;
	[tilespmem:s30+$0x6C60] =	vst v9;
	v9 =	vld [tilespmem:s30+$0xA050]  }
0x139: {  	s2 =	simm.s32 $0x200;
	v11 =	vadd.f32 v15, v63;
	[tilespmem:s30+$0x6C70] =	vst v10;
	v10 =	vld [tilespmem:s30+$0xA060]  }
.LBB2_15:
0x13a: {  	s8 =	sshra.s32 s2, $0x2;
	p0 =	sne.s32 s2, $0xC600;
	[tilespmem:s30+$0xA000] =	vst v12;
	v5 =	vadd.f32 v5, v7;
	v7 =	vld [tilespmem:s30+$0xA070]  }
0x13b: {  	v12 =	vld [tilespmem:s8+$0x1A400];
	[tilespmem:s30+$0xA010] =	vst v11;
	v4 =	vadd.f32 v4, v6  }
0x13c: {  	v6 =	vld [tilespmem:s8+$0x1A410];
	[tilespmem:s30+$0xA020] =	vst v5;
	v3 =	vadd.f32 v3, v8  }
0x13d: {  	v8 =	vld [tilespmem:s8+$0x1A420];
	[tilespmem:s30+$0xA030] =	vst v4;
	v2 =	vadd.f32 v2, v9  }
0x13e: {  	v9 =	vld [tilespmem:s8+$0x1A430];
	[tilespmem:s30+$0xA040] =	vst v3;
	v1 =	vadd.f32 v1, v10  }
0x13f: {  	v10 =	vld [tilespmem:s8+$0x1A440];
	[tilespmem:s30+$0xA050] =	vst v2;
	v0 =	vadd.f32 v0, v7  }
0x140: {  	v7 =	vld [tilespmem:s8+$0x1A450];
	[tilespmem:s30+$0xA060] =	vst v1  }
0x141: {  	v11 =	vld [tilespmem:s8+$0x1A460];
	[tilespmem:s30+$0xA070] =	vst v0;
	s30 =	smov.u32 s8  }
0x142: {  	v13 =	vld [tilespmem:s30+$0x1A470]  }
0x143: {  	v14 =	vld [tilespmem:s30+$0x1A400]  }
0x144: {  	v15 =	vld [tilespmem:s30+$0x1A410]  }
0x145: {  	v5 =	vld [tilespmem:s30+$0x1A420]  }
0x146: {  	v4 =	vld [tilespmem:s30+$0x1A430]  }
0x147: {  	v3 =	vld [tilespmem:s30+$0x1A440]  }
0x148: {  	v2 =	vld [tilespmem:s30+$0x1A450]  }
0x149: {  	v1 =	vld [tilespmem:s30+$0x1A460]  }
0x14a: {  	v0 =	vld [tilespmem:s30+$0x1A470]  }
0x14b: {  	v16 =	vld [tilespmem:s30+$0x6C00]  }
0x14c: {  	v17 =	vld [tilespmem:s30+$0x6C10]  }
0x14d: {  	v18 =	vld [tilespmem:s30+$0x6C20]  }
0x14e: {  	v19 =	vld [tilespmem:s30+$0x6C30]  }
0x14f: {  	v20 =	vld [tilespmem:s30+$0x6C40]  }
0x150: {  	v12 =	vadd.f32 v12, v16;
	v16 =	vld [tilespmem:s30+$0x6C50]  }
0x151: {  	v6 =	vadd.f32 v6, v17;
	v17 =	vld [tilespmem:s30+$0x6C60]  }
0x152: {  	[tilespmem:s30+$0x6C00] =	vst v12;
	v8 =	vadd.f32 v8, v18;
	v12 =	vld [tilespmem:s30+$0x6C70]  }
0x153: {  	[tilespmem:s30+$0x6C10] =	vst v6;
	v6 =	vadd.f32 v9, v19;
	v9 =	vld [tilespmem:s30+$0xA000]  }
0x154: {  	[tilespmem:s30+$0x6C20] =	vst v8;
	v8 =	vadd.f32 v10, v20;
	v10 =	vld [tilespmem:s30+$0xA010]  }
.Ltmp10:
0x155: {  	[tilespmem:s30+$0x6C30] =	vst v6;
	v16 =	vadd.f32 v7, v16;
	v7 =	vld [tilespmem:s30+$0xA020];
	(pc) =	sbr.rel @p0 .LBB2_15-.Ltmp10, $4  }
0x156: {  	[tilespmem:s30+$0x6C40] =	vst v8;
	v11 =	vadd.f32 v11, v17;
	v6 =	vld [tilespmem:s30+$0xA030]  }
0x157: {  	[tilespmem:s30+$0x6C50] =	vst v16;
	v13 =	vadd.f32 v13, v12;
	v8 =	vld [tilespmem:s30+$0xA040]  }
0x158: {  	[tilespmem:s30+$0x6C60] =	vst v11;
	v12 =	vadd.f32 v14, v9;
	v9 =	vld [tilespmem:s30+$0xA050]  }
0x159: {  	s2 =	sadd.s32 $0x200, s2;
	[tilespmem:s30+$0x6C70] =	vst v13;
	v11 =	vadd.f32 v15, v10;
	v10 =	vld [tilespmem:s30+$0xA060]  }
0x15a: {  	[tilespmem:s30+$0xA000] =	vst v12;
	v5 =	vadd.f32 v5, v7;
	v63 =	vld [tilespmem:s30+$0xA070]  }
0x15b: {  	[tilespmem:s30+$0xA010] =	vst v11;
	v4 =	vadd.f32 v4, v6  }
0x15c: {  	[tilespmem:s30+$0xA020] =	vst v5;
	v3 =	vadd.f32 v3, v8  }
0x15d: {  	s2 =	sshll.u32 s20, $0x1;
	[tilespmem:s30+$0xA030] =	vst v4;
	v2 =	vadd.f32 v2, v9  }
0x15e: {  	s2 =	sor.u32 s5, s2;
	[tilespmem:s30+$0xA040] =	vst v3;
	v1 =	vadd.f32 v1, v10  }
0x15f: {  	s2 =	smul.u32 $0x680, s2;
	[tilespmem:s30+$0xA050] =	vst v2;
	v0 =	vadd.f32 v0, v63  }
.Ltmp11:
0x160: {  	[tilespmem:s30+$0xA060] =	vst v1;
	(pc) =	sbr.rel .LBB2_2-.Ltmp11, $4  }
0x161: {  	s8 =	simm.s32 $0x6C00;
	s2 =	sadd.s32 s4, s2;
	[tilespmem:s30+$0xA070] =	vst v0  }
0x162: {  	[hbm4b:s2+s3] =	stream.linear.scatter [tilespmem:s8], [sflag:$0xA], $0x3200, $0x38;
	[tilespmem:$0x1D800] =	vst v63  }
0x163: {  	s31 =	sadd.s32 $0x1, s31;
	s30 =	simm.s32 $0xA000;
	s2 =	sadd.s32 $0x680, s2  }
0x164: {  	[hbm4b:s2+s3] =	stream.linear.scatter [tilespmem:s30], [sflag:$0xA], $0x3200, $0x38;
	[tilespmem:$0x1D800] =	vst v63  }
.LBB2_18:
0x165: {  	_ =	sfence.sel $0x180000  }
0x166: {  	[bflag:$0x0] =	sbarrier.arrive $0xFFFF  }
0x167: {  	_ =	strace $0x90000047  }
0x168: {  	s0 =	stileid.u32;
	[bflag:$0x2] =	sbarrier.arrive $0xFFFF  }
0x169: {  	p0 =	sne.s32 s0, $0x0;
	s0 =	rddreg [dreg:$0x3]  }
0x16a: {  	s0 =	sadd.s32 @!p0 $0x100000, s0  }
0x16b: {  	[sflag:s0] =	ssyncadd.tile.s32 @!p0 $0x1;
	_ =	shalt  }
.Lfunc_end2:
_tile_overlayer_lowered:
.L_overlay_start_2:
0x16c: {  	(tag) =	ssettag $0x2  }
0x16d: {  	s0 =	rddreg [dreg:$0x0];
	s2 =	stileid.u32  }
0x16e: {  	s1 =	rddreg [dreg:$0x1];
	p0 =	sne.s32 s2, $0x0  }
0x16f: {  	s3 =	rddreg [dreg:$0x2];
	[bflag:$0x3] =	sbarrier.arrive $0xFFFF;
	s2 =	simm.s32 @!p0 $0x1C0D  }
0x170: {  	[timem:s3], [sflag:s2] =	dma.local @!p0 [hbm:s0], s1  }
0x171: {  	s0 =	simm.s32 @!p0 $0xD  }
0x172: {  	_ =	swait.ge @!p0 [sflag:s0], s1  }
0x173: {  	s1 =	ssub.s32 @!p0 $0x0, s1;
	[sflag:s0] =	ssyncset.done @!p0 $0x0  }
0x174: {  	[sflag:s0] =	ssyncadd.s32 @!p0 s1  }
0x175: {  	[bflag:$0x3] =	sbarrier.arrive $0xFFFF  }
0x176: {  	_ =	shalt  }

</sc_bundles>
